<compile_context>
chip_gen: v7x
topology: tpu7x:2x2x1
jax: 0.10.2.dev20260603
libtpu: 0.0.44.dev20260713+nightly
codegen_flags: <defaults>
</compile_context>

<pallas_src>
import functools
import math

import jax
import jax.numpy as jnp
from jax import lax
from jax.experimental import pallas as pl
from jax.experimental.pallas import tpu as pltpu
from jax.experimental.pallas import tpu_sc as plsc

N = 10000
E = 320000
D = 128

NC = 2
NS = 16
NW = NC * NS
EPW = E // NW
WIN = 128
NWINF = EPW // WIN
TAIL = EPW - NWINF * WIN
NP = 10240
RPT = NP // NS

DWIN = 2000
NDWIN = EPW // DWIN

ALPHA = 0.5
BETA1 = math.log(1.0 / 1.0 + 1.0)
BETA2 = math.log(1.0 / 2.0 + 1.0)

_mesh = plsc.VectorSubcoreMesh(core_axis_name="c", subcore_axis_name="s")
_sc_params = pltpu.CompilerParams(use_tc_tiling_on_sc=False)


@functools.partial(
    pl.kernel,
    out_type=jax.ShapeDtypeStruct((NC, NP), jnp.float32),
    mesh=_mesh,
    scratch_types=[
        pltpu.VMEM((EPW,), jnp.int32),
        pltpu.VMEM((1, DWIN), jnp.int32),
        pltpu.VMEM((DWIN,), jnp.float32),
        pltpu.VMEM((RPT,), jnp.float32),
        pltpu.VMEM_SHARED((NP,), jnp.float32),
    ],
    compiler_params=_sc_params,
)
def _deg_sc(dst_hbm, out_hbm, idx_v, idx_w, ones_v, zbuf_v, acc_sh):
    c = lax.axis_index("c")
    s = lax.axis_index("s")
    w = c * NS + s

    def ofill(q, carry):
        ones_v[pl.ds(q * 16, 16)] = jnp.ones((16,), jnp.float32)
        return carry

    lax.fori_loop(0, DWIN // 16, ofill, 0)

    def zstore(q, carry):
        zbuf_v[pl.ds(q * 16, 16)] = jnp.zeros((16,), jnp.float32)
        return carry

    lax.fori_loop(0, RPT // 16, zstore, 0)
    pltpu.sync_copy(zbuf_v, acc_sh.at[pl.ds(s * RPT, RPT)])
    pltpu.sync_copy(dst_hbm.at[pl.ds(w * EPW, EPW)], idx_v)
    plsc.subcore_barrier()

    def body(j, carry):
        def mirror(k, carry2):
            idx_w[0, pl.ds(k * 16, 16)] = idx_v[pl.ds(j * DWIN + k * 16, 16)]
            return carry2

        lax.fori_loop(0, DWIN // 16, mirror, 0)
        pltpu.sync_copy(ones_v, acc_sh.at[idx_w.at[0]], add=True)
        return carry

    lax.fori_loop(0, NDWIN, body, 0)
    plsc.subcore_barrier()
    pltpu.sync_copy(acc_sh.at[pl.ds(s * RPT, RPT)], out_hbm.at[c, pl.ds(s * RPT, RPT)])


@functools.partial(
    pl.kernel,
    out_type=jax.ShapeDtypeStruct((NC, NP, D), jnp.float32),
    mesh=_mesh,
    scratch_types=[
        pltpu.VMEM((EPW,), jnp.int32),
        pltpu.VMEM((2, WIN), jnp.int32),
        pltpu.VMEM((2, WIN, D), jnp.float32),
        pltpu.VMEM_SHARED((NP, D), jnp.float32),
        pltpu.SemaphoreType.DMA,
        pltpu.SemaphoreType.DMA,
        pltpu.SemaphoreType.DMA,
        pltpu.SemaphoreType.DMA,
    ],
    compiler_params=_sc_params,
)
def _agg_sc(h_hbm, src_hbm, dst_hbm, zeros_hbm, out_hbm,
            src_v, dst_w, rows_v, acc_sh, gsem0, gsem1, isem0, isem1):
    c = lax.axis_index("c")
    s = lax.axis_index("s")
    w = c * NS + s
    pltpu.sync_copy(zeros_hbm.at[pl.ds(s * RPT, RPT)], acc_sh.at[pl.ds(s * RPT, RPT)])
    pltpu.sync_copy(src_hbm.at[pl.ds(w * EPW, EPW)], src_v)
    plsc.subcore_barrier()

    def _start(j, b, sem, isem):
        pltpu.async_copy(h_hbm.at[src_v.at[pl.ds(j * WIN, WIN)]],
                         rows_v.at[b], sem)
        pltpu.async_copy(dst_hbm.at[pl.ds(w * EPW + j * WIN, WIN)],
                         dst_w.at[b], isem)

    def _drain(j, b, sem, isem):
        pltpu.make_async_copy(h_hbm.at[src_v.at[pl.ds(j * WIN, WIN)]],
                              rows_v.at[b], sem).wait()
        pltpu.make_async_copy(dst_hbm.at[pl.ds(w * EPW + j * WIN, WIN)],
                              dst_w.at[b], isem).wait()
        pltpu.sync_copy(rows_v.at[b], acc_sh.at[dst_w.at[b]], add=True)

    _start(0, 0, gsem0, isem0)
    _start(1, 1, gsem1, isem1)

    def body(i, carry):
        j = 2 * i
        _drain(j, 0, gsem0, isem0)
        _start(j + 2, 0, gsem0, isem0)
        _drain(j + 1, 1, gsem1, isem1)
        _start(j + 3, 1, gsem1, isem1)
        return carry

    lax.fori_loop(0, NWINF // 2 - 1, body, 0)
    _drain(NWINF - 2, 0, gsem0, isem0)
    _drain(NWINF - 1, 1, gsem1, isem1)
    t0 = NWINF * WIN
    tail_src = src_v[pl.ds(t0, TAIL)]
    pltpu.sync_copy(h_hbm.at[tail_src], rows_v.at[1, pl.ds(0, TAIL)])
    pltpu.sync_copy(dst_hbm.at[pl.ds(w * EPW + t0, TAIL)],
                    dst_w.at[0, pl.ds(0, TAIL)])
    tail_dst = dst_w[0, pl.ds(0, TAIL)]
    pltpu.sync_copy(rows_v.at[1, pl.ds(0, TAIL)],
                    acc_sh.at[tail_dst], add=True)

    plsc.subcore_barrier()
    pltpu.sync_copy(acc_sh.at[pl.ds(s * RPT, RPT)], out_hbm.at[c, pl.ds(s * RPT, RPT)])


def _leaky(v):
    return jnp.where(v >= 0, v, 0.01 * v)


def _norm_from_deg(deg_ref):
    deg = deg_ref[0, :N] + deg_ref[1, :N]
    return jnp.where(deg > 0, lax.rsqrt(jnp.maximum(deg, 1.0)), 0.0)


def _split_body(edge_ref, src_ref, dst_ref):
    src_ref[...] = edge_ref[0, :]
    dst_ref[...] = edge_ref[1, :]


_split = pl.pallas_call(
    _split_body,
    out_shape=[
        jax.ShapeDtypeStruct((E,), jnp.int32),
        jax.ShapeDtypeStruct((E,), jnp.int32),
    ],
)


def _tc1_body(deg_ref, x_ref, h1n_ref):
    norm = _norm_from_deg(deg_ref)
    h1n_ref[...] = x_ref[...] * norm[:, None]


_tc1 = pl.pallas_call(
    _tc1_body,
    out_shape=jax.ShapeDtypeStruct((N, D), jnp.float32),
)


def _tc2_body(aggp_ref, x_ref, deg_ref, W1_ref, b1_ref, o1_ref, h2n_ref):
    norm = _norm_from_deg(deg_ref)
    agg = (aggp_ref[0, :N] + aggp_ref[1, :N]) * norm[:, None]
    t = (1.0 - ALPHA) * agg + ALPHA * x_ref[...]
    z = (1.0 - BETA1) * t + BETA1 * jnp.dot(
        t, W1_ref[...], preferred_element_type=jnp.float32) + b1_ref[...][None, :]
    o1 = _leaky(z)
    o1_ref[...] = o1
    h2n_ref[...] = o1 * norm[:, None]


_tc2 = pl.pallas_call(
    _tc2_body,
    out_shape=[
        jax.ShapeDtypeStruct((N, D), jnp.float32),
        jax.ShapeDtypeStruct((N, D), jnp.float32),
    ],
)


def _tc3_body(aggp_ref, o1_ref, deg_ref, W2_ref, b2_ref, g_ref, bb_ref,
              f1w_ref, f1b_ref, f2w_ref, f2b_ref, out_ref):
    norm = _norm_from_deg(deg_ref)
    agg = (aggp_ref[0, :N] + aggp_ref[1, :N]) * norm[:, None]
    t = (1.0 - ALPHA) * agg + ALPHA * o1_ref[...]
    h = (1.0 - BETA2) * t + BETA2 * jnp.dot(
        t, W2_ref[...], preferred_element_type=jnp.float32) + b2_ref[...][None, :]
    mean = jnp.mean(h, axis=0)
    var = jnp.mean((h - mean[None, :]) ** 2, axis=0)
    hb = (h - mean[None, :]) / jnp.sqrt(var + 1e-5)[None, :] * g_ref[...][None, :] \
        + bb_ref[...][None, :]
    hb = _leaky(hb)
    pooled = jnp.sum(hb, axis=0, keepdims=True)
    u = _leaky(jnp.dot(pooled, f1w_ref[...], preferred_element_type=jnp.float32)
               + f1b_ref[...][None, :])
    out_ref[...] = jnp.dot(u, f2w_ref[...], preferred_element_type=jnp.float32) \
        + f2b_ref[...][None, :]


_tc3 = pl.pallas_call(
    _tc3_body,
    out_shape=jax.ShapeDtypeStruct((1, 2), jnp.float32),
)


def kernel(x, edge_index, edge_weights, W1, b1, W2, b2, bn_gamma, bn_beta,
           fc1_W, fc1_b, fc2_W, fc2_b):
    del edge_weights
    src, dst = _split(edge_index)

    zeros_nd = jnp.zeros((NP, D), jnp.float32)
    deg_parts = _deg_sc(dst)
    h1n = _tc1(deg_parts, x)
    agg1 = _agg_sc(h1n, src, dst, zeros_nd)
    o1, h2n = _tc2(agg1, x, deg_parts, W1, b1)
    agg2 = _agg_sc(h2n, src, dst, zeros_nd)
    out = _tc3(agg2, o1, deg_parts, W2, b2, bn_gamma, bn_beta,
               fc1_W, fc1_b, fc2_W, fc2_b)
    return out

# --- scband reference (transcript-rebuilt; emitter-appended) ---
"""Pipeline reference for scband-gcn2-net-50440095924753 (READ-ONLY COPY).

The authoritative reference and input builder live on the scoring server;
editing this copy changes nothing except your own understanding.
"""

import jax, jax.numpy as jnp
import numpy as np
import math

N = 10000
E = 320000
D = 128


def setup_inputs(seed: int = 0) -> dict:
    key = jax.random.key(seed)
    ks = jax.random.split(key, 12)
    x = jax.random.normal(ks[0], (N, D), dtype=jnp.float32)
    edge_index = jax.random.randint(ks[1], (2, E), 0, N, dtype=jnp.int32)
    edge_weights = jax.random.uniform(ks[2], (E,), dtype=jnp.float32)
    W1 = jax.random.normal(ks[3], (D, D), dtype=jnp.float32) * (1.0 / math.sqrt(D))
    b1 = jnp.zeros((D,), dtype=jnp.float32)
    W2 = jax.random.normal(ks[4], (D, D), dtype=jnp.float32) * (1.0 / math.sqrt(D))
    b2 = jnp.zeros((D,), dtype=jnp.float32)
    bn_gamma = jnp.ones((D,), dtype=jnp.float32)
    bn_beta = jnp.zeros((D,), dtype=jnp.float32)
    fc1_W = jax.random.normal(ks[5], (D, 10), dtype=jnp.float32) * (1.0 / math.sqrt(D))
    fc1_b = jnp.zeros((10,), dtype=jnp.float32)
    fc2_W = jax.random.normal(ks[6], (10, 2), dtype=jnp.float32) * (1.0 / math.sqrt(10))
    fc2_b = jnp.zeros((2,), dtype=jnp.float32)
    return {"x": x, "edge_index": edge_index, "edge_weights": edge_weights,
            "W1": W1, "b1": b1, "W2": W2, "b2": b2,
            "bn_gamma": bn_gamma, "bn_beta": bn_beta,
            "fc1_W": fc1_W, "fc1_b": fc1_b, "fc2_W": fc2_W, "fc2_b": fc2_b}


def _leaky_relu(x):
    return jnp.where(x >= 0, x, 0.01 * x)


def _gcn2conv(feat, src, dst, W, b, alpha, beta, n_nodes):
    # symmetric normalization D^{-1/2} A D^{-1/2}
    deg = jnp.zeros((n_nodes,), dtype=feat.dtype).at[dst].add(1.0)
    norm = jnp.where(deg > 0, jax.lax.rsqrt(jnp.maximum(deg, 1.0)), 0.0)
    h = feat * norm[:, None]
    msgs = jnp.take(h, src, axis=0)            # gather (SparseCore-friendly)
    agg = jnp.zeros_like(feat).at[dst].add(msgs)  # scatter-add
    h = agg * norm[:, None]
    # GCNII combination: (1-alpha)*A_hat h + alpha*h0   (h0 = input feat here)
    h = (1.0 - alpha) * h + alpha * feat
    # identity mapping: (1-beta)*h + beta*(h @ W) + bias
    return (1.0 - beta) * h + beta * (h @ W) + b


def reference(x, edge_index, edge_weights, W1, b1, W2, b2, bn_gamma, bn_beta,
              fc1_W, fc1_b, fc2_W, fc2_b):
    src = edge_index[0]
    dst = edge_index[1]
    n_nodes = x.shape[0]
    beta1 = math.log(1.0 / 1.0 + 1.0)
    beta2 = math.log(1.0 / 2.0 + 1.0)
    h = _leaky_relu(_gcn2conv(x, src, dst, W1, b1, 0.5, beta1, n_nodes))
    h = _gcn2conv(h, src, dst, W2, b2, 0.5, beta2, n_nodes)
    # BatchNorm1d over node dimension (training-mode batch stats)
    mean = jnp.mean(h, axis=0)
    var = jnp.var(h, axis=0)
    h = (h - mean) / jnp.sqrt(var + 1e-5) * bn_gamma + bn_beta
    h = _leaky_relu(h)
    # SumPooling over all nodes of the (single) graph -> [1, D]
    pooled = jnp.sum(h, axis=0, keepdims=True)
    # dropout is identity in eval mode
    out = _leaky_relu(pooled @ fc1_W + fc1_b)
    out = out @ fc2_W + fc2_b
    return out

if __name__ == "__main__":
    import jax
    _d = setup_inputs()
    print(jax.jit(kernel)(*tuple(_d.values())))

</pallas_src>

<mosaic_0001>
#map = affine_map<(d0, d1) -> (0)>
#map1 = affine_map<(d0, d1) -> (0, 0)>
module attributes {stable_mosaic.version = 14 : i64} {
  func.func @_deg_sc(%arg0: i32, %arg1: i32, %arg2: memref<320000xi32, #tpu.memory_space<hbm>>, %arg3: memref<2x10240xf32, #tpu.memory_space<hbm>>, %arg4: memref<10000xi32, #tpu.memory_space<vmem>>, %arg5: memref<1x2000xi32, #tpu.memory_space<vmem>>, %arg6: memref<2000xf32, #tpu.memory_space<vmem>>, %arg7: memref<640xf32, #tpu.memory_space<vmem>>, %arg8: memref<10240xf32, #tpu.memory_space<vmem_shared>>) attributes {dimension_semantics = [#tpu.dimension_semantics<core_parallel>, #tpu.dimension_semantics<subcore_parallel>], iteration_bounds = array<i64: 2, 16>, scalar_prefetch = 0 : i64, scratch_operands = 5 : i64, tpu.core_type = #tpu.core_type<sc_vector_subcore>, window_params = [{transform_indices = #map}, {transform_indices = #map1}]} {
    %mul3A = arith.constant 16 : i32
    %mul3A_0 = arith.muli %arg0, %mul3A : i32
    %add3A = arith.addi %mul3A_0, %arg1 : i32
    %scan3A = arith.constant 0 : i32
    %scan3A_1 = arith.constant 0 : i32
    %scan3A_2 = arith.constant 125 : i32
    %scan3A_3 = arith.addi %scan3A_1, %scan3A_2 : i32
    %scan3A_4 = arith.constant 1 : i32
    scf.for %scan3A_27 = %scan3A_1 to %scan3A_3 step %scan3A_4  : i32 {
      %broadcast_in_dim3A = arith.constant 1.000000e+00 : f32
      %broadcast_in_dim3A_28 = vector.broadcast %broadcast_in_dim3A : f32 to vector<16xf32>
      %mul3A_29 = arith.constant 16 : i32
      %mul3A_30 = arith.muli %scan3A_27, %mul3A_29 : i32
      %swap3A = arith.index_cast %mul3A_30 : i32 to index
      %swap3A_31 = tpu.vector_load %arg6[%swap3A] {strides = array<i32>} : memref<2000xf32, #tpu.memory_space<vmem>>, vector<16xf32>,
      %swap3A_32 = vector.shape_cast %swap3A_31 : vector<16xf32> to vector<16xf32>
      %swap3A_33 = vector.shape_cast %broadcast_in_dim3A_28 : vector<16xf32> to vector<16xf32>
      tpu.vector_store %arg6[%swap3A], %swap3A_33 {strides = array<i32>} : memref<2000xf32, #tpu.memory_space<vmem>>, vector<16xf32>,
    }
    %scan3A_5 = arith.constant 125 : i32
    %scan3A_6 = arith.constant 0 : i32
    %scan3A_7 = arith.constant 0 : i32
    %scan3A_8 = arith.constant 40 : i32
    %scan3A_9 = arith.addi %scan3A_7, %scan3A_8 : i32
    %scan3A_10 = arith.constant 1 : i32
    scf.for %scan3A_27 = %scan3A_7 to %scan3A_9 step %scan3A_10  : i32 {
      %broadcast_in_dim3A = arith.constant 0.000000e+00 : f32
      %broadcast_in_dim3A_28 = vector.broadcast %broadcast_in_dim3A : f32 to vector<16xf32>
      %mul3A_29 = arith.constant 16 : i32
      %mul3A_30 = arith.muli %scan3A_27, %mul3A_29 : i32
      %swap3A = arith.index_cast %mul3A_30 : i32 to index
      %swap3A_31 = tpu.vector_load %arg7[%swap3A] {strides = array<i32>} : memref<640xf32, #tpu.memory_space<vmem>>, vector<16xf32>,
      %swap3A_32 = vector.shape_cast %swap3A_31 : vector<16xf32> to vector<16xf32>
      %swap3A_33 = vector.shape_cast %broadcast_in_dim3A_28 : vector<16xf32> to vector<16xf32>
      tpu.vector_store %arg7[%swap3A], %swap3A_33 {strides = array<i32>} : memref<640xf32, #tpu.memory_space<vmem>>, vector<16xf32>,
    }
    %scan3A_11 = arith.constant 40 : i32
    %mul3A_12 = arith.constant 640 : i32
    %mul3A_13 = arith.muli %arg1, %mul3A_12 : i32
    "tpu.region"() ({
      %run_scoped3A = tpu.sem_alloc : memref<!tpu.dma_semaphore, #tpu.memory_space<semaphore_mem>>
      %dma_start3A = tpu.memref_slice %arg8[%mul3A_13] : memref<10240xf32, #tpu.memory_space<vmem_shared>> -> memref<640xf32, #tpu.memory_space<vmem_shared>>
      %dma_start3A_27 = tpu.memref_slice %arg8[%mul3A_13] : memref<10240xf32, #tpu.memory_space<vmem_shared>> -> memref<640xf32, #tpu.memory_space<vmem_shared>>
      tpu.enqueue_dma source(%arg7 : memref<640xf32, #tpu.memory_space<vmem>>) target(%dma_start3A_27 : memref<640xf32, #tpu.memory_space<vmem_shared>>) target_semaphore(%run_scoped3A : memref<!tpu.dma_semaphore, #tpu.memory_space<semaphore_mem>>)
      %dma_wait3A = tpu.memref_slice %arg8[%mul3A_13] : memref<10240xf32, #tpu.memory_space<vmem_shared>> -> memref<640xf32, #tpu.memory_space<vmem_shared>>
      %dma_wait3A_28 = tpu.memref_slice %arg8[%mul3A_13] : memref<10240xf32, #tpu.memory_space<vmem_shared>> -> memref<640xf32, #tpu.memory_space<vmem_shared>>
      tpu.wait_dma2 semaphore(%run_scoped3A : memref<!tpu.dma_semaphore, #tpu.memory_space<semaphore_mem>>) src(%arg7 : memref<640xf32, #tpu.memory_space<vmem>>) dst(%dma_wait3A_28 : memref<640xf32, #tpu.memory_space<vmem_shared>>)
      tpu.yield
    }) : () -> ()
    %mul3A_14 = arith.constant 10000 : i32
    %mul3A_15 = arith.muli %add3A, %mul3A_14 : i32
    "tpu.region"() ({
      %run_scoped3A = tpu.sem_alloc : memref<!tpu.dma_semaphore, #tpu.memory_space<semaphore_mem>>
      %dma_start3A = tpu.memref_slice %arg2[%mul3A_15] : memref<320000xi32, #tpu.memory_space<hbm>> -> memref<10000xi32, #tpu.memory_space<hbm>>
      %dma_start3A_27 = tpu.memref_slice %arg2[%mul3A_15] : memref<320000xi32, #tpu.memory_space<hbm>> -> memref<10000xi32, #tpu.memory_space<hbm>>
      tpu.enqueue_dma source(%dma_start3A_27 : memref<10000xi32, #tpu.memory_space<hbm>>) target(%arg4 : memref<10000xi32, #tpu.memory_space<vmem>>) target_semaphore(%run_scoped3A : memref<!tpu.dma_semaphore, #tpu.memory_space<semaphore_mem>>)
      %dma_wait3A = tpu.memref_slice %arg2[%mul3A_15] : memref<320000xi32, #tpu.memory_space<hbm>> -> memref<10000xi32, #tpu.memory_space<hbm>>
      %dma_wait3A_28 = tpu.memref_slice %arg2[%mul3A_15] : memref<320000xi32, #tpu.memory_space<hbm>> -> memref<10000xi32, #tpu.memory_space<hbm>>
      tpu.wait_dma2 semaphore(%run_scoped3A : memref<!tpu.dma_semaphore, #tpu.memory_space<semaphore_mem>>) src(%dma_wait3A_28 : memref<10000xi32, #tpu.memory_space<hbm>>) dst(%arg4 : memref<10000xi32, #tpu.memory_space<vmem>>)
      tpu.yield
    }) : () -> ()
    %barrier3A = arith.constant 0 : index
    tpu.barrier barrier_id(%barrier3A)
    %scan3A_16 = arith.constant 0 : i32
    %scan3A_17 = arith.constant 0 : i32
    %scan3A_18 = arith.constant 5 : i32
    %scan3A_19 = arith.addi %scan3A_17, %scan3A_18 : i32
    %scan3A_20 = arith.constant 1 : i32
    scf.for %scan3A_27 = %scan3A_17 to %scan3A_19 step %scan3A_20  : i32 {
      %scan3A_28 = arith.constant 0 : i32
      %scan3A_29 = arith.constant 0 : i32
      %scan3A_30 = arith.constant 125 : i32
      %scan3A_31 = arith.addi %scan3A_29, %scan3A_30 : i32
      %scan3A_32 = arith.constant 1 : i32
      scf.for %scan3A_34 = %scan3A_29 to %scan3A_31 step %scan3A_32  : i32 {
        %mul3A_35 = arith.constant 2000 : i32
        %mul3A_36 = arith.muli %scan3A_27, %mul3A_35 : i32
        %mul3A_37 = arith.constant 16 : i32
        %mul3A_38 = arith.muli %scan3A_34, %mul3A_37 : i32
        %add3A_39 = arith.addi %mul3A_36, %mul3A_38 : i32
        %get3A = arith.index_cast %add3A_39 : i32 to index
        %get3A_40 = tpu.vector_load %arg4[%get3A] {strides = array<i32>} : memref<10000xi32, #tpu.memory_space<vmem>>, vector<16xi32>,
        %get3A_41 = vector.shape_cast %get3A_40 : vector<16xi32> to vector<16xi32>
        %mul3A_42 = arith.constant 16 : i32
        %mul3A_43 = arith.muli %scan3A_34, %mul3A_42 : i32
        %swap3A = arith.constant 0 : i32
        %swap3A_44 = arith.index_cast %swap3A : i32 to index
        %swap3A_45 = arith.index_cast %mul3A_43 : i32 to index
        %swap3A_46 = tpu.vector_load %arg5[%swap3A_44, %swap3A_45] {strides = array<i32>} : memref<1x2000xi32, #tpu.memory_space<vmem>>, vector<1x16xi32>,
        %swap3A_47 = vector.shape_cast %swap3A_46 : vector<1x16xi32> to vector<16xi32>
        %swap3A_48 = vector.shape_cast %get3A_41 : vector<16xi32> to vector<1x16xi32>
        tpu.vector_store %arg5[%swap3A_44, %swap3A_45], %swap3A_48 {strides = array<i32>} : memref<1x2000xi32, #tpu.memory_space<vmem>>, vector<1x16xi32>,
      }
      %scan3A_33 = arith.constant 125 : i32
      %run_scoped3A = arith.constant 0 : i32
      "tpu.region"() ({
        %run_scoped3A_34 = tpu.sem_alloc : memref<!tpu.dma_semaphore, #tpu.memory_space<semaphore_mem>>
        %dma_start3A = arith.constant 0 : i32
        %dma_start3A_35 = tpu.memref_slice %arg5[%run_scoped3A, %dma_start3A] : memref<1x2000xi32, #tpu.memory_space<vmem>> -> memref<1x2000xi32, #tpu.memory_space<vmem>>
        %dma_start3A_36 = tpu.memref_squeeze %dma_start3A_35 : memref<1x2000xi32, #tpu.memory_space<vmem>> -> memref<2000xi32, #tpu.memory_space<vmem>>
        %dma_start3A_37 = arith.constant 0 : i32
        %dma_start3A_38 = tpu.memref_slice %arg8[%dma_start3A_37] : memref<10240xf32, #tpu.memory_space<vmem_shared>> -> memref<10240xf32, #tpu.memory_space<vmem_shared>>
        tpu.enqueue_indirect_dma source(%arg6 : memref<2000xf32, #tpu.memory_space<vmem>>) target(%dma_start3A_38 : memref<10240xf32, #tpu.memory_space<vmem_shared>>) offsets(%dma_start3A_36 : memref<2000xi32, #tpu.memory_space<vmem>>) semaphore(%run_scoped3A_34 : memref<!tpu.dma_semaphore, #tpu.memory_space<semaphore_mem>>) {add = true}
        %dma_wait3A = arith.constant 0 : i32
        %dma_wait3A_39 = tpu.memref_slice %arg5[%run_scoped3A, %dma_wait3A] : memref<1x2000xi32, #tpu.memory_space<vmem>> -> memref<1x2000xi32, #tpu.memory_space<vmem>>
        %dma_wait3A_40 = tpu.memref_squeeze %dma_wait3A_39 : memref<1x2000xi32, #tpu.memory_space<vmem>> -> memref<2000xi32, #tpu.memory_space<vmem>>
        %dma_wait3A_41 = arith.constant 0 : i32
        %dma_wait3A_42 = tpu.memref_slice %arg8[%dma_wait3A_41] : memref<10240xf32, #tpu.memory_space<vmem_shared>> -> memref<10240xf32, #tpu.memory_space<vmem_shared>>
        tpu.wait_indirect_dma semaphore(%run_scoped3A_34 : memref<!tpu.dma_semaphore, #tpu.memory_space<semaphore_mem>>) src(%arg6 : memref<2000xf32, #tpu.memory_space<vmem>>) dst(%dma_wait3A_42 : memref<10240xf32, #tpu.memory_space<vmem_shared>>)
        tpu.yield
      }) : () -> ()
    }
    %scan3A_21 = arith.constant 5 : i32
    %barrier3A_22 = arith.constant 0 : index
    tpu.barrier barrier_id(%barrier3A_22)
    %mul3A_23 = arith.constant 640 : i32
    %mul3A_24 = arith.muli %arg1, %mul3A_23 : i32
    %mul3A_25 = arith.constant 640 : i32
    %mul3A_26 = arith.muli %arg1, %mul3A_25 : i32
    "tpu.region"() ({
      %run_scoped3A = tpu.sem_alloc : memref<!tpu.dma_semaphore, #tpu.memory_space<semaphore_mem>>
      %dma_start3A = tpu.memref_slice %arg3[%arg0, %mul3A_26] : memref<2x10240xf32, #tpu.memory_space<hbm>> -> memref<1x640xf32, #tpu.memory_space<hbm>>
      %dma_start3A_27 = tpu.memref_squeeze %dma_start3A : memref<1x640xf32, #tpu.memory_space<hbm>> -> memref<640xf32, #tpu.memory_space<hbm>>
      %dma_start3A_28 = tpu.memref_slice %arg8[%mul3A_24] : memref<10240xf32, #tpu.memory_space<vmem_shared>> -> memref<640xf32, #tpu.memory_space<vmem_shared>>
      tpu.enqueue_dma source(%dma_start3A_28 : memref<640xf32, #tpu.memory_space<vmem_shared>>) target(%dma_start3A_27 : memref<640xf32, #tpu.memory_space<hbm>>) target_semaphore(%run_scoped3A : memref<!tpu.dma_semaphore, #tpu.memory_space<semaphore_mem>>)
      %dma_wait3A = tpu.memref_slice %arg3[%arg0, %mul3A_26] : memref<2x10240xf32, #tpu.memory_space<hbm>> -> memref<1x640xf32, #tpu.memory_space<hbm>>
      %dma_wait3A_29 = tpu.memref_squeeze %dma_wait3A : memref<1x640xf32, #tpu.memory_space<hbm>> -> memref<640xf32, #tpu.memory_space<hbm>>
      %dma_wait3A_30 = tpu.memref_slice %arg8[%mul3A_24] : memref<10240xf32, #tpu.memory_space<vmem_shared>> -> memref<640xf32, #tpu.memory_space<vmem_shared>>
      tpu.wait_dma2 semaphore(%run_scoped3A : memref<!tpu.dma_semaphore, #tpu.memory_space<semaphore_mem>>) src(%dma_wait3A_30 : memref<640xf32, #tpu.memory_space<vmem_shared>>) dst(%dma_wait3A_29 : memref<640xf32, #tpu.memory_space<hbm>>)
      tpu.yield
    }) : () -> ()
    return
  }
}

#map = affine_map<(d0, d1) -> (0, 0)>
#map1 = affine_map<(d0, d1) -> (0)>
#map2 = affine_map<(d0, d1) -> (0, 0, 0)>
module attributes {stable_mosaic.version = 14 : i64} {
  func.func @_agg_sc(%arg0: i32, %arg1: i32, %arg2: memref<10000x128xf32, #tpu.memory_space<hbm>>, %arg3: memref<320000xi32, #tpu.memory_space<hbm>>, %arg4: memref<320000xi32, #tpu.memory_space<hbm>>, %arg5: memref<10240x128xf32, #tpu.memory_space<hbm>>, %arg6: memref<2x10240x128xf32, #tpu.memory_space<hbm>>, %arg7: memref<10000xi32, #tpu.memory_space<vmem>>, %arg8: memref<2x128xi32, #tpu.memory_space<vmem>>, %arg9: memref<2x128x128xf32, #tpu.memory_space<vmem>>, %arg10: memref<10240x128xf32, #tpu.memory_space<vmem_shared>>, %arg11: memref<!tpu.dma_semaphore, #tpu.memory_space<semaphore_mem>>, %arg12: memref<!tpu.dma_semaphore, #tpu.memory_space<semaphore_mem>>, %arg13: memref<!tpu.dma_semaphore, #tpu.memory_space<semaphore_mem>>, %arg14: memref<!tpu.dma_semaphore, #tpu.memory_space<semaphore_mem>>) attributes {dimension_semantics = [#tpu.dimension_semantics<core_parallel>, #tpu.dimension_semantics<subcore_parallel>], iteration_bounds = array<i64: 2, 16>, scalar_prefetch = 0 : i64, scratch_operands = 8 : i64, tpu.core_type = #tpu.core_type<sc_vector_subcore>, window_params = [{transform_indices = #map}, {transform_indices = #map1}, {transform_indices = #map1}, {transform_indices = #map}, {transform_indices = #map2}]} {
    %mul3A = arith.constant 16 : i32
    %mul3A_0 = arith.muli %arg0, %mul3A : i32
    %add3A = arith.addi %mul3A_0, %arg1 : i32
    %mul3A_1 = arith.constant 640 : i32
    %mul3A_2 = arith.muli %arg1, %mul3A_1 : i32
    %mul3A_3 = arith.constant 640 : i32
    %mul3A_4 = arith.muli %arg1, %mul3A_3 : i32
    "tpu.region"() ({
      %run_scoped3A_124 = tpu.sem_alloc : memref<!tpu.dma_semaphore, #tpu.memory_space<semaphore_mem>>
      %dma_start3A_125 = arith.constant 0 : i32
      %dma_start3A_126 = tpu.memref_slice %arg10[%mul3A_4, %dma_start3A_125] : memref<10240x128xf32, #tpu.memory_space<vmem_shared>> -> memref<640x128xf32, #tpu.memory_space<vmem_shared>>
      %dma_start3A_127 = arith.constant 0 : i32
      %dma_start3A_128 = tpu.memref_slice %arg5[%mul3A_2, %dma_start3A_127] : memref<10240x128xf32, #tpu.memory_space<hbm>> -> memref<640x128xf32, #tpu.memory_space<hbm>>
      tpu.enqueue_dma source(%dma_start3A_128 : memref<640x128xf32, #tpu.memory_space<hbm>>) target(%dma_start3A_126 : memref<640x128xf32, #tpu.memory_space<vmem_shared>>) target_semaphore(%run_scoped3A_124 : memref<!tpu.dma_semaphore, #tpu.memory_space<semaphore_mem>>)
      %dma_wait3A_129 = arith.constant 0 : i32
      %dma_wait3A_130 = tpu.memref_slice %arg10[%mul3A_4, %dma_wait3A_129] : memref<10240x128xf32, #tpu.memory_space<vmem_shared>> -> memref<640x128xf32, #tpu.memory_space<vmem_shared>>
      %dma_wait3A_131 = arith.constant 0 : i32
      %dma_wait3A_132 = tpu.memref_slice %arg5[%mul3A_2, %dma_wait3A_131] : memref<10240x128xf32, #tpu.memory_space<hbm>> -> memref<640x128xf32, #tpu.memory_space<hbm>>
      tpu.wait_dma2 semaphore(%run_scoped3A_124 : memref<!tpu.dma_semaphore, #tpu.memory_space<semaphore_mem>>) src(%dma_wait3A_132 : memref<640x128xf32, #tpu.memory_space<hbm>>) dst(%dma_wait3A_130 : memref<640x128xf32, #tpu.memory_space<vmem_shared>>)
      tpu.yield
    }) : () -> ()
    %mul3A_5 = arith.constant 10000 : i32
    %mul3A_6 = arith.muli %add3A, %mul3A_5 : i32
    "tpu.region"() ({
      %run_scoped3A_124 = tpu.sem_alloc : memref<!tpu.dma_semaphore, #tpu.memory_space<semaphore_mem>>
      %dma_start3A_125 = tpu.memref_slice %arg3[%mul3A_6] : memref<320000xi32, #tpu.memory_space<hbm>> -> memref<10000xi32, #tpu.memory_space<hbm>>
      %dma_start3A_126 = tpu.memref_slice %arg3[%mul3A_6] : memref<320000xi32, #tpu.memory_space<hbm>> -> memref<10000xi32, #tpu.memory_space<hbm>>
      tpu.enqueue_dma source(%dma_start3A_126 : memref<10000xi32, #tpu.memory_space<hbm>>) target(%arg7 : memref<10000xi32, #tpu.memory_space<vmem>>) target_semaphore(%run_scoped3A_124 : memref<!tpu.dma_semaphore, #tpu.memory_space<semaphore_mem>>)
      %dma_wait3A_127 = tpu.memref_slice %arg3[%mul3A_6] : memref<320000xi32, #tpu.memory_space<hbm>> -> memref<10000xi32, #tpu.memory_space<hbm>>
      %dma_wait3A_128 = tpu.memref_slice %arg3[%mul3A_6] : memref<320000xi32, #tpu.memory_space<hbm>> -> memref<10000xi32, #tpu.memory_space<hbm>>
      tpu.wait_dma2 semaphore(%run_scoped3A_124 : memref<!tpu.dma_semaphore, #tpu.memory_space<semaphore_mem>>) src(%dma_wait3A_128 : memref<10000xi32, #tpu.memory_space<hbm>>) dst(%arg7 : memref<10000xi32, #tpu.memory_space<vmem>>)
      tpu.yield
    }) : () -> ()
    %barrier3A = arith.constant 0 : index
    tpu.barrier barrier_id(%barrier3A)
    %dma_start3A = arith.constant 0 : i32
    %dma_start3A_7 = arith.constant 0 : i32
    %dma_start3A_8 = arith.constant 0 : i32
    %dma_start3A_9 = tpu.memref_slice %arg9[%dma_start3A, %dma_start3A_7, %dma_start3A_8] : memref<2x128x128xf32, #tpu.memory_space<vmem>> -> memref<1x128x128xf32, #tpu.memory_space<vmem>>
    %dma_start3A_10 = tpu.memref_squeeze %dma_start3A_9 : memref<1x128x128xf32, #tpu.memory_space<vmem>> -> memref<128x128xf32, #tpu.memory_space<vmem>>
    %dma_start3A_11 = arith.constant 0 : i32
    %dma_start3A_12 = tpu.memref_slice %arg7[%dma_start3A_11] : memref<10000xi32, #tpu.memory_space<vmem>> -> memref<128xi32, #tpu.memory_space<vmem>>
    %dma_start3A_13 = arith.constant 0 : i32
    %dma_start3A_14 = arith.constant 0 : i32
    %dma_start3A_15 = tpu.memref_slice %arg2[%dma_start3A_13, %dma_start3A_14] : memref<10000x128xf32, #tpu.memory_space<hbm>> -> memref<10000x128xf32, #tpu.memory_space<hbm>>
    tpu.enqueue_indirect_dma source(%dma_start3A_15 : memref<10000x128xf32, #tpu.memory_space<hbm>>) target(%dma_start3A_10 : memref<128x128xf32, #tpu.memory_space<vmem>>) offsets(%dma_start3A_12 : memref<128xi32, #tpu.memory_space<vmem>>) semaphore(%arg11 : memref<!tpu.dma_semaphore, #tpu.memory_space<semaphore_mem>>)
    %mul3A_16 = arith.constant 10000 : i32
    %mul3A_17 = arith.muli %add3A, %mul3A_16 : i32
    %add3A_18 = arith.constant 0 : i32
    %add3A_19 = arith.addi %mul3A_17, %add3A_18 : i32
    %dma_start3A_20 = arith.constant 0 : i32
    %dma_start3A_21 = arith.constant 0 : i32
    %dma_start3A_22 = tpu.memref_slice %arg8[%dma_start3A_20, %dma_start3A_21] : memref<2x128xi32, #tpu.memory_space<vmem>> -> memref<1x128xi32, #tpu.memory_space<vmem>>
    %dma_start3A_23 = tpu.memref_squeeze %dma_start3A_22 : memref<1x128xi32, #tpu.memory_space<vmem>> -> memref<128xi32, #tpu.memory_space<vmem>>
    %dma_start3A_24 = tpu.memref_slice %arg4[%add3A_19] : memref<320000xi32, #tpu.memory_space<hbm>> -> memref<128xi32, #tpu.memory_space<hbm>>
    %dma_start3A_25 = arith.constant 0 : i32
    %dma_start3A_26 = tpu.memref_slice %arg8[%dma_start3A_20, %dma_start3A_25] : memref<2x128xi32, #tpu.memory_space<vmem>> -> memref<1x128xi32, #tpu.memory_space<vmem>>
    %dma_start3A_27 = tpu.memref_squeeze %dma_start3A_26 : memref<1x128xi32, #tpu.memory_space<vmem>> -> memref<128xi32, #tpu.memory_space<vmem>>
    %dma_start3A_28 = tpu.memref_slice %arg4[%add3A_19] : memref<320000xi32, #tpu.memory_space<hbm>> -> memref<128xi32, #tpu.memory_space<hbm>>
    tpu.enqueue_dma source(%dma_start3A_28 : memref<128xi32, #tpu.memory_space<hbm>>) target(%dma_start3A_27 : memref<128xi32, #tpu.memory_space<vmem>>) target_semaphore(%arg13 : memref<!tpu.dma_semaphore, #tpu.memory_space<semaphore_mem>>)
    %dma_start3A_29 = arith.constant 1 : i32
    %dma_start3A_30 = arith.constant 0 : i32
    %dma_start3A_31 = arith.constant 0 : i32
    %dma_start3A_32 = tpu.memref_slice %arg9[%dma_start3A_29, %dma_start3A_30, %dma_start3A_31] : memref<2x128x128xf32, #tpu.memory_space<vmem>> -> memref<1x128x128xf32, #tpu.memory_space<vmem>>
    %dma_start3A_33 = tpu.memref_squeeze %dma_start3A_32 : memref<1x128x128xf32, #tpu.memory_space<vmem>> -> memref<128x128xf32, #tpu.memory_space<vmem>>
    %dma_start3A_34 = arith.constant 128 : i32
    %dma_start3A_35 = tpu.memref_slice %arg7[%dma_start3A_34] : memref<10000xi32, #tpu.memory_space<vmem>> -> memref<128xi32, #tpu.memory_space<vmem>>
    %dma_start3A_36 = arith.constant 0 : i32
    %dma_start3A_37 = arith.constant 0 : i32
    %dma_start3A_38 = tpu.memref_slice %arg2[%dma_start3A_36, %dma_start3A_37] : memref<10000x128xf32, #tpu.memory_space<hbm>> -> memref<10000x128xf32, #tpu.memory_space<hbm>>
    tpu.enqueue_indirect_dma source(%dma_start3A_38 : memref<10000x128xf32, #tpu.memory_space<hbm>>) target(%dma_start3A_33 : memref<128x128xf32, #tpu.memory_space<vmem>>) offsets(%dma_start3A_35 : memref<128xi32, #tpu.memory_space<vmem>>) semaphore(%arg12 : memref<!tpu.dma_semaphore, #tpu.memory_space<semaphore_mem>>)
    %mul3A_39 = arith.constant 10000 : i32
    %mul3A_40 = arith.muli %add3A, %mul3A_39 : i32
    %add3A_41 = arith.constant 128 : i32
    %add3A_42 = arith.addi %mul3A_40, %add3A_41 : i32
    %dma_start3A_43 = arith.constant 1 : i32
    %dma_start3A_44 = arith.constant 0 : i32
    %dma_start3A_45 = tpu.memref_slice %arg8[%dma_start3A_43, %dma_start3A_44] : memref<2x128xi32, #tpu.memory_space<vmem>> -> memref<1x128xi32, #tpu.memory_space<vmem>>
    %dma_start3A_46 = tpu.memref_squeeze %dma_start3A_45 : memref<1x128xi32, #tpu.memory_space<vmem>> -> memref<128xi32, #tpu.memory_space<vmem>>
    %dma_start3A_47 = tpu.memref_slice %arg4[%add3A_42] : memref<320000xi32, #tpu.memory_space<hbm>> -> memref<128xi32, #tpu.memory_space<hbm>>
    %dma_start3A_48 = arith.constant 0 : i32
    %dma_start3A_49 = tpu.memref_slice %arg8[%dma_start3A_43, %dma_start3A_48] : memref<2x128xi32, #tpu.memory_space<vmem>> -> memref<1x128xi32, #tpu.memory_space<vmem>>
    %dma_start3A_50 = tpu.memref_squeeze %dma_start3A_49 : memref<1x128xi32, #tpu.memory_space<vmem>> -> memref<128xi32, #tpu.memory_space<vmem>>
    %dma_start3A_51 = tpu.memref_slice %arg4[%add3A_42] : memref<320000xi32, #tpu.memory_space<hbm>> -> memref<128xi32, #tpu.memory_space<hbm>>
    tpu.enqueue_dma source(%dma_start3A_51 : memref<128xi32, #tpu.memory_space<hbm>>) target(%dma_start3A_50 : memref<128xi32, #tpu.memory_space<vmem>>) target_semaphore(%arg14 : memref<!tpu.dma_semaphore, #tpu.memory_space<semaphore_mem>>)
    %scan3A = arith.constant 0 : i32
    %scan3A_52 = arith.constant 0 : i32
    %scan3A_53 = arith.constant 38 : i32
    %scan3A_54 = arith.addi %scan3A_52, %scan3A_53 : i32
    %scan3A_55 = arith.constant 1 : i32
    scf.for %scan3A_124 = %scan3A_52 to %scan3A_54 step %scan3A_55  : i32 {
      %mul3A_125 = arith.constant 2 : i32
      %mul3A_126 = arith.muli %mul3A_125, %scan3A_124 : i32
      %mul3A_127 = arith.constant 128 : i32
      %mul3A_128 = arith.muli %mul3A_126, %mul3A_127 : i32
      %dma_wait3A_129 = arith.constant 0 : i32
      %dma_wait3A_130 = arith.constant 0 : i32
      %dma_wait3A_131 = arith.constant 0 : i32
      %dma_wait3A_132 = tpu.memref_slice %arg9[%dma_wait3A_129, %dma_wait3A_130, %dma_wait3A_131] : memref<2x128x128xf32, #tpu.memory_space<vmem>> -> memref<1x128x128xf32, #tpu.memory_space<vmem>>
      %dma_wait3A_133 = tpu.memref_squeeze %dma_wait3A_132 : memref<1x128x128xf32, #tpu.memory_space<vmem>> -> memref<128x128xf32, #tpu.memory_space<vmem>>
      %dma_wait3A_134 = tpu.memref_slice %arg7[%mul3A_128] : memref<10000xi32, #tpu.memory_space<vmem>> -> memref<128xi32, #tpu.memory_space<vmem>>
      %dma_wait3A_135 = arith.constant 0 : i32
      %dma_wait3A_136 = arith.constant 0 : i32
      %dma_wait3A_137 = tpu.memref_slice %arg2[%dma_wait3A_135, %dma_wait3A_136] : memref<10000x128xf32, #tpu.memory_space<hbm>> -> memref<10000x128xf32, #tpu.memory_space<hbm>>
      tpu.wait_indirect_dma semaphore(%arg11 : memref<!tpu.dma_semaphore, #tpu.memory_space<semaphore_mem>>) src(%dma_wait3A_137 : memref<10000x128xf32, #tpu.memory_space<hbm>>) dst(%dma_wait3A_133 : memref<128x128xf32, #tpu.memory_space<vmem>>)
      %mul3A_138 = arith.constant 10000 : i32
      %mul3A_139 = arith.muli %add3A, %mul3A_138 : i32
      %mul3A_140 = arith.constant 128 : i32
      %mul3A_141 = arith.muli %mul3A_126, %mul3A_140 : i32
      %add3A_142 = arith.addi %mul3A_139, %mul3A_141 : i32
      %dma_wait3A_143 = arith.constant 0 : i32
      %dma_wait3A_144 = arith.constant 0 : i32
      %dma_wait3A_145 = tpu.memref_slice %arg8[%dma_wait3A_143, %dma_wait3A_144] : memref<2x128xi32, #tpu.memory_space<vmem>> -> memref<1x128xi32, #tpu.memory_space<vmem>>
      %dma_wait3A_146 = tpu.memref_squeeze %dma_wait3A_145 : memref<1x128xi32, #tpu.memory_space<vmem>> -> memref<128xi32, #tpu.memory_space<vmem>>
      %dma_wait3A_147 = tpu.memref_slice %arg4[%add3A_142] : memref<320000xi32, #tpu.memory_space<hbm>> -> memref<128xi32, #tpu.memory_space<hbm>>
      %dma_wait3A_148 = arith.constant 0 : i32
      %dma_wait3A_149 = tpu.memref_slice %arg8[%dma_wait3A_143, %dma_wait3A_148] : memref<2x128xi32, #tpu.memory_space<vmem>> -> memref<1x128xi32, #tpu.memory_space<vmem>>
      %dma_wait3A_150 = tpu.memref_squeeze %dma_wait3A_149 : memref<1x128xi32, #tpu.memory_space<vmem>> -> memref<128xi32, #tpu.memory_space<vmem>>
      %dma_wait3A_151 = tpu.memref_slice %arg4[%add3A_142] : memref<320000xi32, #tpu.memory_space<hbm>> -> memref<128xi32, #tpu.memory_space<hbm>>
      tpu.wait_dma2 semaphore(%arg13 : memref<!tpu.dma_semaphore, #tpu.memory_space<semaphore_mem>>) src(%dma_wait3A_151 : memref<128xi32, #tpu.memory_space<hbm>>) dst(%dma_wait3A_150 : memref<128xi32, #tpu.memory_space<vmem>>)
      %run_scoped3A_152 = arith.constant 0 : i32
      %run_scoped3A_153 = arith.constant 0 : i32
      "tpu.region"() ({
        %run_scoped3A_237 = tpu.sem_alloc : memref<!tpu.dma_semaphore, #tpu.memory_space<semaphore_mem>>
        %dma_start3A_238 = arith.constant 0 : i32
        %dma_start3A_239 = arith.constant 0 : i32
        %dma_start3A_240 = tpu.memref_slice %arg9[%run_scoped3A_152, %dma_start3A_238, %dma_start3A_239] : memref<2x128x128xf32, #tpu.memory_space<vmem>> -> memref<1x128x128xf32, #tpu.memory_space<vmem>>
        %dma_start3A_241 = tpu.memref_squeeze %dma_start3A_240 : memref<1x128x128xf32, #tpu.memory_space<vmem>> -> memref<128x128xf32, #tpu.memory_space<vmem>>
        %dma_start3A_242 = arith.constant 0 : i32
        %dma_start3A_243 = tpu.memref_slice %arg8[%run_scoped3A_153, %dma_start3A_242] : memref<2x128xi32, #tpu.memory_space<vmem>> -> memref<1x128xi32, #tpu.memory_space<vmem>>
        %dma_start3A_244 = tpu.memref_squeeze %dma_start3A_243 : memref<1x128xi32, #tpu.memory_space<vmem>> -> memref<128xi32, #tpu.memory_space<vmem>>
        %dma_start3A_245 = arith.constant 0 : i32
        %dma_start3A_246 = arith.constant 0 : i32
        %dma_start3A_247 = tpu.memref_slice %arg10[%dma_start3A_245, %dma_start3A_246] : memref<10240x128xf32, #tpu.memory_space<vmem_shared>> -> memref<10240x128xf32, #tpu.memory_space<vmem_shared>>
        tpu.enqueue_indirect_dma source(%dma_start3A_241 : memref<128x128xf32, #tpu.memory_space<vmem>>) target(%dma_start3A_247 : memref<10240x128xf32, #tpu.memory_space<vmem_shared>>) offsets(%dma_start3A_244 : memref<128xi32, #tpu.memory_space<vmem>>) semaphore(%run_scoped3A_237 : memref<!tpu.dma_semaphore, #tpu.memory_space<semaphore_mem>>) {add = true}
        %dma_wait3A_248 = arith.constant 0 : i32
        %dma_wait3A_249 = arith.constant 0 : i32
        %dma_wait3A_250 = tpu.memref_slice %arg9[%run_scoped3A_152, %dma_wait3A_248, %dma_wait3A_249] : memref<2x128x128xf32, #tpu.memory_space<vmem>> -> memref<1x128x128xf32, #tpu.memory_space<vmem>>
        %dma_wait3A_251 = tpu.memref_squeeze %dma_wait3A_250 : memref<1x128x128xf32, #tpu.memory_space<vmem>> -> memref<128x128xf32, #tpu.memory_space<vmem>>
        %dma_wait3A_252 = arith.constant 0 : i32
        %dma_wait3A_253 = tpu.memref_slice %arg8[%run_scoped3A_153, %dma_wait3A_252] : memref<2x128xi32, #tpu.memory_space<vmem>> -> memref<1x128xi32, #tpu.memory_space<vmem>>
        %dma_wait3A_254 = tpu.memref_squeeze %dma_wait3A_253 : memref<1x128xi32, #tpu.memory_space<vmem>> -> memref<128xi32, #tpu.memory_space<vmem>>
        %dma_wait3A_255 = arith.constant 0 : i32
        %dma_wait3A_256 = arith.constant 0 : i32
        %dma_wait3A_257 = tpu.memref_slice %arg10[%dma_wait3A_255, %dma_wait3A_256] : memref<10240x128xf32, #tpu.memory_space<vmem_shared>> -> memref<10240x128xf32, #tpu.memory_space<vmem_shared>>
        tpu.wait_indirect_dma semaphore(%run_scoped3A_237 : memref<!tpu.dma_semaphore, #tpu.memory_space<semaphore_mem>>) src(%dma_wait3A_251 : memref<128x128xf32, #tpu.memory_space<vmem>>) dst(%dma_wait3A_257 : memref<10240x128xf32, #tpu.memory_space<vmem_shared>>)
        tpu.yield
      }) : () -> ()
      %add3A_154 = arith.constant 2 : i32
      %add3A_155 = arith.addi %mul3A_126, %add3A_154 : i32
      %mul3A_156 = arith.constant 128 : i32
      %mul3A_157 = arith.muli %add3A_155, %mul3A_156 : i32
      %dma_start3A_158 = arith.constant 0 : i32
      %dma_start3A_159 = arith.constant 0 : i32
      %dma_start3A_160 = arith.constant 0 : i32
      %dma_start3A_161 = tpu.memref_slice %arg9[%dma_start3A_158, %dma_start3A_159, %dma_start3A_160] : memref<2x128x128xf32, #tpu.memory_space<vmem>> -> memref<1x128x128xf32, #tpu.memory_space<vmem>>
      %dma_start3A_162 = tpu.memref_squeeze %dma_start3A_161 : memref<1x128x128xf32, #tpu.memory_space<vmem>> -> memref<128x128xf32, #tpu.memory_space<vmem>>
      %dma_start3A_163 = tpu.memref_slice %arg7[%mul3A_157] : memref<10000xi32, #tpu.memory_space<vmem>> -> memref<128xi32, #tpu.memory_space<vmem>>
      %dma_start3A_164 = arith.constant 0 : i32
      %dma_start3A_165 = arith.constant 0 : i32
      %dma_start3A_166 = tpu.memref_slice %arg2[%dma_start3A_164, %dma_start3A_165] : memref<10000x128xf32, #tpu.memory_space<hbm>> -> memref<10000x128xf32, #tpu.memory_space<hbm>>
      tpu.enqueue_indirect_dma source(%dma_start3A_166 : memref<10000x128xf32, #tpu.memory_space<hbm>>) target(%dma_start3A_162 : memref<128x128xf32, #tpu.memory_space<vmem>>) offsets(%dma_start3A_163 : memref<128xi32, #tpu.memory_space<vmem>>) semaphore(%arg11 : memref<!tpu.dma_semaphore, #tpu.memory_space<semaphore_mem>>)
      %mul3A_167 = arith.constant 10000 : i32
      %mul3A_168 = arith.muli %add3A, %mul3A_167 : i32
      %mul3A_169 = arith.constant 128 : i32
      %mul3A_170 = arith.muli %add3A_155, %mul3A_169 : i32
      %add3A_171 = arith.addi %mul3A_168, %mul3A_170 : i32
      %dma_start3A_172 = arith.constant 0 : i32
      %dma_start3A_173 = arith.constant 0 : i32
      %dma_start3A_174 = tpu.memref_slice %arg8[%dma_start3A_172, %dma_start3A_173] : memref<2x128xi32, #tpu.memory_space<vmem>> -> memref<1x128xi32, #tpu.memory_space<vmem>>
      %dma_start3A_175 = tpu.memref_squeeze %dma_start3A_174 : memref<1x128xi32, #tpu.memory_space<vmem>> -> memref<128xi32, #tpu.memory_space<vmem>>
      %dma_start3A_176 = tpu.memref_slice %arg4[%add3A_171] : memref<320000xi32, #tpu.memory_space<hbm>> -> memref<128xi32, #tpu.memory_space<hbm>>
      %dma_start3A_177 = arith.constant 0 : i32
      %dma_start3A_178 = tpu.memref_slice %arg8[%dma_start3A_172, %dma_start3A_177] : memref<2x128xi32, #tpu.memory_space<vmem>> -> memref<1x128xi32, #tpu.memory_space<vmem>>
      %dma_start3A_179 = tpu.memref_squeeze %dma_start3A_178 : memref<1x128xi32, #tpu.memory_space<vmem>> -> memref<128xi32, #tpu.memory_space<vmem>>
      %dma_start3A_180 = tpu.memref_slice %arg4[%add3A_171] : memref<320000xi32, #tpu.memory_space<hbm>> -> memref<128xi32, #tpu.memory_space<hbm>>
      tpu.enqueue_dma source(%dma_start3A_180 : memref<128xi32, #tpu.memory_space<hbm>>) target(%dma_start3A_179 : memref<128xi32, #tpu.memory_space<vmem>>) target_semaphore(%arg13 : memref<!tpu.dma_semaphore, #tpu.memory_space<semaphore_mem>>)
      %add3A_181 = arith.constant 1 : i32
      %add3A_182 = arith.addi %mul3A_126, %add3A_181 : i32
      %mul3A_183 = arith.constant 128 : i32
      %mul3A_184 = arith.muli %add3A_182, %mul3A_183 : i32
      %dma_wait3A_185 = arith.constant 1 : i32
      %dma_wait3A_186 = arith.constant 0 : i32
      %dma_wait3A_187 = arith.constant 0 : i32
      %dma_wait3A_188 = tpu.memref_slice %arg9[%dma_wait3A_185, %dma_wait3A_186, %dma_wait3A_187] : memref<2x128x128xf32, #tpu.memory_space<vmem>> -> memref<1x128x128xf32, #tpu.memory_space<vmem>>
      %dma_wait3A_189 = tpu.memref_squeeze %dma_wait3A_188 : memref<1x128x128xf32, #tpu.memory_space<vmem>> -> memref<128x128xf32, #tpu.memory_space<vmem>>
      %dma_wait3A_190 = tpu.memref_slice %arg7[%mul3A_184] : memref<10000xi32, #tpu.memory_space<vmem>> -> memref<128xi32, #tpu.memory_space<vmem>>
      %dma_wait3A_191 = arith.constant 0 : i32
      %dma_wait3A_192 = arith.constant 0 : i32
      %dma_wait3A_193 = tpu.memref_slice %arg2[%dma_wait3A_191, %dma_wait3A_192] : memref<10000x128xf32, #tpu.memory_space<hbm>> -> memref<10000x128xf32, #tpu.memory_space<hbm>>
      tpu.wait_indirect_dma semaphore(%arg12 : memref<!tpu.dma_semaphore, #tpu.memory_space<semaphore_mem>>) src(%dma_wait3A_193 : memref<10000x128xf32, #tpu.memory_space<hbm>>) dst(%dma_wait3A_189 : memref<128x128xf32, #tpu.memory_space<vmem>>)
      %mul3A_194 = arith.constant 10000 : i32
      %mul3A_195 = arith.muli %add3A, %mul3A_194 : i32
      %mul3A_196 = arith.constant 128 : i32
      %mul3A_197 = arith.muli %add3A_182, %mul3A_196 : i32
      %add3A_198 = arith.addi %mul3A_195, %mul3A_197 : i32
      %dma_wait3A_199 = arith.constant 1 : i32
      %dma_wait3A_200 = arith.constant 0 : i32
      %dma_wait3A_201 = tpu.memref_slice %arg8[%dma_wait3A_199, %dma_wait3A_200] : memref<2x128xi32, #tpu.memory_space<vmem>> -> memref<1x128xi32, #tpu.memory_space<vmem>>
      %dma_wait3A_202 = tpu.memref_squeeze %dma_wait3A_201 : memref<1x128xi32, #tpu.memory_space<vmem>> -> memref<128xi32, #tpu.memory_space<vmem>>
      %dma_wait3A_203 = tpu.memref_slice %arg4[%add3A_198] : memref<320000xi32, #tpu.memory_space<hbm>> -> memref<128xi32, #tpu.memory_space<hbm>>
      %dma_wait3A_204 = arith.constant 0 : i32
      %dma_wait3A_205 = tpu.memref_slice %arg8[%dma_wait3A_199, %dma_wait3A_204] : memref<2x128xi32, #tpu.memory_space<vmem>> -> memref<1x128xi32, #tpu.memory_space<vmem>>
      %dma_wait3A_206 = tpu.memref_squeeze %dma_wait3A_205 : memref<1x128xi32, #tpu.memory_space<vmem>> -> memref<128xi32, #tpu.memory_space<vmem>>
      %dma_wait3A_207 = tpu.memref_slice %arg4[%add3A_198] : memref<320000xi32, #tpu.memory_space<hbm>> -> memref<128xi32, #tpu.memory_space<hbm>>
      tpu.wait_dma2 semaphore(%arg14 : memref<!tpu.dma_semaphore, #tpu.memory_space<semaphore_mem>>) src(%dma_wait3A_207 : memref<128xi32, #tpu.memory_space<hbm>>) dst(%dma_wait3A_206 : memref<128xi32, #tpu.memory_space<vmem>>)
      %run_scoped3A_208 = arith.constant 1 : i32
      %run_scoped3A_209 = arith.constant 1 : i32
      "tpu.region"() ({
        %run_scoped3A_237 = tpu.sem_alloc : memref<!tpu.dma_semaphore, #tpu.memory_space<semaphore_mem>>
        %dma_start3A_238 = arith.constant 0 : i32
        %dma_start3A_239 = arith.constant 0 : i32
        %dma_start3A_240 = tpu.memref_slice %arg9[%run_scoped3A_208, %dma_start3A_238, %dma_start3A_239] : memref<2x128x128xf32, #tpu.memory_space<vmem>> -> memref<1x128x128xf32, #tpu.memory_space<vmem>>
        %dma_start3A_241 = tpu.memref_squeeze %dma_start3A_240 : memref<1x128x128xf32, #tpu.memory_space<vmem>> -> memref<128x128xf32, #tpu.memory_space<vmem>>
        %dma_start3A_242 = arith.constant 0 : i32
        %dma_start3A_243 = tpu.memref_slice %arg8[%run_scoped3A_209, %dma_start3A_242] : memref<2x128xi32, #tpu.memory_space<vmem>> -> memref<1x128xi32, #tpu.memory_space<vmem>>
        %dma_start3A_244 = tpu.memref_squeeze %dma_start3A_243 : memref<1x128xi32, #tpu.memory_space<vmem>> -> memref<128xi32, #tpu.memory_space<vmem>>
        %dma_start3A_245 = arith.constant 0 : i32
        %dma_start3A_246 = arith.constant 0 : i32
        %dma_start3A_247 = tpu.memref_slice %arg10[%dma_start3A_245, %dma_start3A_246] : memref<10240x128xf32, #tpu.memory_space<vmem_shared>> -> memref<10240x128xf32, #tpu.memory_space<vmem_shared>>
        tpu.enqueue_indirect_dma source(%dma_start3A_241 : memref<128x128xf32, #tpu.memory_space<vmem>>) target(%dma_start3A_247 : memref<10240x128xf32, #tpu.memory_space<vmem_shared>>) offsets(%dma_start3A_244 : memref<128xi32, #tpu.memory_space<vmem>>) semaphore(%run_scoped3A_237 : memref<!tpu.dma_semaphore, #tpu.memory_space<semaphore_mem>>) {add = true}
        %dma_wait3A_248 = arith.constant 0 : i32
        %dma_wait3A_249 = arith.constant 0 : i32
        %dma_wait3A_250 = tpu.memref_slice %arg9[%run_scoped3A_208, %dma_wait3A_248, %dma_wait3A_249] : memref<2x128x128xf32, #tpu.memory_space<vmem>> -> memref<1x128x128xf32, #tpu.memory_space<vmem>>
        %dma_wait3A_251 = tpu.memref_squeeze %dma_wait3A_250 : memref<1x128x128xf32, #tpu.memory_space<vmem>> -> memref<128x128xf32, #tpu.memory_space<vmem>>
        %dma_wait3A_252 = arith.constant 0 : i32
        %dma_wait3A_253 = tpu.memref_slice %arg8[%run_scoped3A_209, %dma_wait3A_252] : memref<2x128xi32, #tpu.memory_space<vmem>> -> memref<1x128xi32, #tpu.memory_space<vmem>>
        %dma_wait3A_254 = tpu.memref_squeeze %dma_wait3A_253 : memref<1x128xi32, #tpu.memory_space<vmem>> -> memref<128xi32, #tpu.memory_space<vmem>>
        %dma_wait3A_255 = arith.constant 0 : i32
        %dma_wait3A_256 = arith.constant 0 : i32
        %dma_wait3A_257 = tpu.memref_slice %arg10[%dma_wait3A_255, %dma_wait3A_256] : memref<10240x128xf32, #tpu.memory_space<vmem_shared>> -> memref<10240x128xf32, #tpu.memory_space<vmem_shared>>
        tpu.wait_indirect_dma semaphore(%run_scoped3A_237 : memref<!tpu.dma_semaphore, #tpu.memory_space<semaphore_mem>>) src(%dma_wait3A_251 : memref<128x128xf32, #tpu.memory_space<vmem>>) dst(%dma_wait3A_257 : memref<10240x128xf32, #tpu.memory_space<vmem_shared>>)
        tpu.yield
      }) : () -> ()
      %add3A_210 = arith.constant 3 : i32
      %add3A_211 = arith.addi %mul3A_126, %add3A_210 : i32
      %mul3A_212 = arith.constant 128 : i32
      %mul3A_213 = arith.muli %add3A_211, %mul3A_212 : i32
      %dma_start3A_214 = arith.constant 1 : i32
      %dma_start3A_215 = arith.constant 0 : i32
      %dma_start3A_216 = arith.constant 0 : i32
      %dma_start3A_217 = tpu.memref_slice %arg9[%dma_start3A_214, %dma_start3A_215, %dma_start3A_216] : memref<2x128x128xf32, #tpu.memory_space<vmem>> -> memref<1x128x128xf32, #tpu.memory_space<vmem>>
      %dma_start3A_218 = tpu.memref_squeeze %dma_start3A_217 : memref<1x128x128xf32, #tpu.memory_space<vmem>> -> memref<128x128xf32, #tpu.memory_space<vmem>>
      %dma_start3A_219 = tpu.memref_slice %arg7[%mul3A_213] : memref<10000xi32, #tpu.memory_space<vmem>> -> memref<128xi32, #tpu.memory_space<vmem>>
      %dma_start3A_220 = arith.constant 0 : i32
      %dma_start3A_221 = arith.constant 0 : i32
      %dma_start3A_222 = tpu.memref_slice %arg2[%dma_start3A_220, %dma_start3A_221] : memref<10000x128xf32, #tpu.memory_space<hbm>> -> memref<10000x128xf32, #tpu.memory_space<hbm>>
      tpu.enqueue_indirect_dma source(%dma_start3A_222 : memref<10000x128xf32, #tpu.memory_space<hbm>>) target(%dma_start3A_218 : memref<128x128xf32, #tpu.memory_space<vmem>>) offsets(%dma_start3A_219 : memref<128xi32, #tpu.memory_space<vmem>>) semaphore(%arg12 : memref<!tpu.dma_semaphore, #tpu.memory_space<semaphore_mem>>)
      %mul3A_223 = arith.constant 10000 : i32
      %mul3A_224 = arith.muli %add3A, %mul3A_223 : i32
      %mul3A_225 = arith.constant 128 : i32
      %mul3A_226 = arith.muli %add3A_211, %mul3A_225 : i32
      %add3A_227 = arith.addi %mul3A_224, %mul3A_226 : i32
      %dma_start3A_228 = arith.constant 1 : i32
      %dma_start3A_229 = arith.constant 0 : i32
      %dma_start3A_230 = tpu.memref_slice %arg8[%dma_start3A_228, %dma_start3A_229] : memref<2x128xi32, #tpu.memory_space<vmem>> -> memref<1x128xi32, #tpu.memory_space<vmem>>
      %dma_start3A_231 = tpu.memref_squeeze %dma_start3A_230 : memref<1x128xi32, #tpu.memory_space<vmem>> -> memref<128xi32, #tpu.memory_space<vmem>>
      %dma_start3A_232 = tpu.memref_slice %arg4[%add3A_227] : memref<320000xi32, #tpu.memory_space<hbm>> -> memref<128xi32, #tpu.memory_space<hbm>>
      %dma_start3A_233 = arith.constant 0 : i32
      %dma_start3A_234 = tpu.memref_slice %arg8[%dma_start3A_228, %dma_start3A_233] : memref<2x128xi32, #tpu.memory_space<vmem>> -> memref<1x128xi32, #tpu.memory_space<vmem>>
      %dma_start3A_235 = tpu.memref_squeeze %dma_start3A_234 : memref<1x128xi32, #tpu.memory_space<vmem>> -> memref<128xi32, #tpu.memory_space<vmem>>
      %dma_start3A_236 = tpu.memref_slice %arg4[%add3A_227] : memref<320000xi32, #tpu.memory_space<hbm>> -> memref<128xi32, #tpu.memory_space<hbm>>
      tpu.enqueue_dma source(%dma_start3A_236 : memref<128xi32, #tpu.memory_space<hbm>>) target(%dma_start3A_235 : memref<128xi32, #tpu.memory_space<vmem>>) target_semaphore(%arg14 : memref<!tpu.dma_semaphore, #tpu.memory_space<semaphore_mem>>)
    }
    %scan3A_56 = arith.constant 38 : i32
    %dma_wait3A = arith.constant 0 : i32
    %dma_wait3A_57 = arith.constant 0 : i32
    %dma_wait3A_58 = arith.constant 0 : i32
    %dma_wait3A_59 = tpu.memref_slice %arg9[%dma_wait3A, %dma_wait3A_57, %dma_wait3A_58] : memref<2x128x128xf32, #tpu.memory_space<vmem>> -> memref<1x128x128xf32, #tpu.memory_space<vmem>>
    %dma_wait3A_60 = tpu.memref_squeeze %dma_wait3A_59 : memref<1x128x128xf32, #tpu.memory_space<vmem>> -> memref<128x128xf32, #tpu.memory_space<vmem>>
    %dma_wait3A_61 = arith.constant 9728 : i32
    %dma_wait3A_62 = tpu.memref_slice %arg7[%dma_wait3A_61] : memref<10000xi32, #tpu.memory_space<vmem>> -> memref<128xi32, #tpu.memory_space<vmem>>
    %dma_wait3A_63 = arith.constant 0 : i32
    %dma_wait3A_64 = arith.constant 0 : i32
    %dma_wait3A_65 = tpu.memref_slice %arg2[%dma_wait3A_63, %dma_wait3A_64] : memref<10000x128xf32, #tpu.memory_space<hbm>> -> memref<10000x128xf32, #tpu.memory_space<hbm>>
    tpu.wait_indirect_dma semaphore(%arg11 : memref<!tpu.dma_semaphore, #tpu.memory_space<semaphore_mem>>) src(%dma_wait3A_65 : memref<10000x128xf32, #tpu.memory_space<hbm>>) dst(%dma_wait3A_60 : memref<128x128xf32, #tpu.memory_space<vmem>>)
    %mul3A_66 = arith.constant 10000 : i32
    %mul3A_67 = arith.muli %add3A, %mul3A_66 : i32
    %add3A_68 = arith.constant 9728 : i32
    %add3A_69 = arith.addi %mul3A_67, %add3A_68 : i32
    %dma_wait3A_70 = arith.constant 0 : i32
    %dma_wait3A_71 = arith.constant 0 : i32
    %dma_wait3A_72 = tpu.memref_slice %arg8[%dma_wait3A_70, %dma_wait3A_71] : memref<2x128xi32, #tpu.memory_space<vmem>> -> memref<1x128xi32, #tpu.memory_space<vmem>>
    %dma_wait3A_73 = tpu.memref_squeeze %dma_wait3A_72 : memref<1x128xi32, #tpu.memory_space<vmem>> -> memref<128xi32, #tpu.memory_space<vmem>>
    %dma_wait3A_74 = tpu.memref_slice %arg4[%add3A_69] : memref<320000xi32, #tpu.memory_space<hbm>> -> memref<128xi32, #tpu.memory_space<hbm>>
    %dma_wait3A_75 = arith.constant 0 : i32
    %dma_wait3A_76 = tpu.memref_slice %arg8[%dma_wait3A_70, %dma_wait3A_75] : memref<2x128xi32, #tpu.memory_space<vmem>> -> memref<1x128xi32, #tpu.memory_space<vmem>>
    %dma_wait3A_77 = tpu.memref_squeeze %dma_wait3A_76 : memref<1x128xi32, #tpu.memory_space<vmem>> -> memref<128xi32, #tpu.memory_space<vmem>>
    %dma_wait3A_78 = tpu.memref_slice %arg4[%add3A_69] : memref<320000xi32, #tpu.memory_space<hbm>> -> memref<128xi32, #tpu.memory_space<hbm>>
    tpu.wait_dma2 semaphore(%arg13 : memref<!tpu.dma_semaphore, #tpu.memory_space<semaphore_mem>>) src(%dma_wait3A_78 : memref<128xi32, #tpu.memory_space<hbm>>) dst(%dma_wait3A_77 : memref<128xi32, #tpu.memory_space<vmem>>)
    %run_scoped3A = arith.constant 0 : i32
    %run_scoped3A_79 = arith.constant 0 : i32
    "tpu.region"() ({
      %run_scoped3A_124 = tpu.sem_alloc : memref<!tpu.dma_semaphore, #tpu.memory_space<semaphore_mem>>
      %dma_start3A_125 = arith.constant 0 : i32
      %dma_start3A_126 = arith.constant 0 : i32
      %dma_start3A_127 = tpu.memref_slice %arg9[%run_scoped3A, %dma_start3A_125, %dma_start3A_126] : memref<2x128x128xf32, #tpu.memory_space<vmem>> -> memref<1x128x128xf32, #tpu.memory_space<vmem>>
      %dma_start3A_128 = tpu.memref_squeeze %dma_start3A_127 : memref<1x128x128xf32, #tpu.memory_space<vmem>> -> memref<128x128xf32, #tpu.memory_space<vmem>>
      %dma_start3A_129 = arith.constant 0 : i32
      %dma_start3A_130 = tpu.memref_slice %arg8[%run_scoped3A_79, %dma_start3A_129] : memref<2x128xi32, #tpu.memory_space<vmem>> -> memref<1x128xi32, #tpu.memory_space<vmem>>
      %dma_start3A_131 = tpu.memref_squeeze %dma_start3A_130 : memref<1x128xi32, #tpu.memory_space<vmem>> -> memref<128xi32, #tpu.memory_space<vmem>>
      %dma_start3A_132 = arith.constant 0 : i32
      %dma_start3A_133 = arith.constant 0 : i32
      %dma_start3A_134 = tpu.memref_slice %arg10[%dma_start3A_132, %dma_start3A_133] : memref<10240x128xf32, #tpu.memory_space<vmem_shared>> -> memref<10240x128xf32, #tpu.memory_space<vmem_shared>>
      tpu.enqueue_indirect_dma source(%dma_start3A_128 : memref<128x128xf32, #tpu.memory_space<vmem>>) target(%dma_start3A_134 : memref<10240x128xf32, #tpu.memory_space<vmem_shared>>) offsets(%dma_start3A_131 : memref<128xi32, #tpu.memory_space<vmem>>) semaphore(%run_scoped3A_124 : memref<!tpu.dma_semaphore, #tpu.memory_space<semaphore_mem>>) {add = true}
      %dma_wait3A_135 = arith.constant 0 : i32
      %dma_wait3A_136 = arith.constant 0 : i32
      %dma_wait3A_137 = tpu.memref_slice %arg9[%run_scoped3A, %dma_wait3A_135, %dma_wait3A_136] : memref<2x128x128xf32, #tpu.memory_space<vmem>> -> memref<1x128x128xf32, #tpu.memory_space<vmem>>
      %dma_wait3A_138 = tpu.memref_squeeze %dma_wait3A_137 : memref<1x128x128xf32, #tpu.memory_space<vmem>> -> memref<128x128xf32, #tpu.memory_space<vmem>>
      %dma_wait3A_139 = arith.constant 0 : i32
      %dma_wait3A_140 = tpu.memref_slice %arg8[%run_scoped3A_79, %dma_wait3A_139] : memref<2x128xi32, #tpu.memory_space<vmem>> -> memref<1x128xi32, #tpu.memory_space<vmem>>
      %dma_wait3A_141 = tpu.memref_squeeze %dma_wait3A_140 : memref<1x128xi32, #tpu.memory_space<vmem>> -> memref<128xi32, #tpu.memory_space<vmem>>
      %dma_wait3A_142 = arith.constant 0 : i32
      %dma_wait3A_143 = arith.constant 0 : i32
      %dma_wait3A_144 = tpu.memref_slice %arg10[%dma_wait3A_142, %dma_wait3A_143] : memref<10240x128xf32, #tpu.memory_space<vmem_shared>> -> memref<10240x128xf32, #tpu.memory_space<vmem_shared>>
      tpu.wait_indirect_dma semaphore(%run_scoped3A_124 : memref<!tpu.dma_semaphore, #tpu.memory_space<semaphore_mem>>) src(%dma_wait3A_138 : memref<128x128xf32, #tpu.memory_space<vmem>>) dst(%dma_wait3A_144 : memref<10240x128xf32, #tpu.memory_space<vmem_shared>>)
      tpu.yield
    }) : () -> ()
    %dma_wait3A_80 = arith.constant 1 : i32
    %dma_wait3A_81 = arith.constant 0 : i32
    %dma_wait3A_82 = arith.constant 0 : i32
    %dma_wait3A_83 = tpu.memref_slice %arg9[%dma_wait3A_80, %dma_wait3A_81, %dma_wait3A_82] : memref<2x128x128xf32, #tpu.memory_space<vmem>> -> memref<1x128x128xf32, #tpu.memory_space<vmem>>
    %dma_wait3A_84 = tpu.memref_squeeze %dma_wait3A_83 : memref<1x128x128xf32, #tpu.memory_space<vmem>> -> memref<128x128xf32, #tpu.memory_space<vmem>>
    %dma_wait3A_85 = arith.constant 9856 : i32
    %dma_wait3A_86 = tpu.memref_slice %arg7[%dma_wait3A_85] : memref<10000xi32, #tpu.memory_space<vmem>> -> memref<128xi32, #tpu.memory_space<vmem>>
    %dma_wait3A_87 = arith.constant 0 : i32
    %dma_wait3A_88 = arith.constant 0 : i32
    %dma_wait3A_89 = tpu.memref_slice %arg2[%dma_wait3A_87, %dma_wait3A_88] : memref<10000x128xf32, #tpu.memory_space<hbm>> -> memref<10000x128xf32, #tpu.memory_space<hbm>>
    tpu.wait_indirect_dma semaphore(%arg12 : memref<!tpu.dma_semaphore, #tpu.memory_space<semaphore_mem>>) src(%dma_wait3A_89 : memref<10000x128xf32, #tpu.memory_space<hbm>>) dst(%dma_wait3A_84 : memref<128x128xf32, #tpu.memory_space<vmem>>)
    %mul3A_90 = arith.constant 10000 : i32
    %mul3A_91 = arith.muli %add3A, %mul3A_90 : i32
    %add3A_92 = arith.constant 9856 : i32
    %add3A_93 = arith.addi %mul3A_91, %add3A_92 : i32
    %dma_wait3A_94 = arith.constant 1 : i32
    %dma_wait3A_95 = arith.constant 0 : i32
    %dma_wait3A_96 = tpu.memref_slice %arg8[%dma_wait3A_94, %dma_wait3A_95] : memref<2x128xi32, #tpu.memory_space<vmem>> -> memref<1x128xi32, #tpu.memory_space<vmem>>
    %dma_wait3A_97 = tpu.memref_squeeze %dma_wait3A_96 : memref<1x128xi32, #tpu.memory_space<vmem>> -> memref<128xi32, #tpu.memory_space<vmem>>
    %dma_wait3A_98 = tpu.memref_slice %arg4[%add3A_93] : memref<320000xi32, #tpu.memory_space<hbm>> -> memref<128xi32, #tpu.memory_space<hbm>>
    %dma_wait3A_99 = arith.constant 0 : i32
    %dma_wait3A_100 = tpu.memref_slice %arg8[%dma_wait3A_94, %dma_wait3A_99] : memref<2x128xi32, #tpu.memory_space<vmem>> -> memref<1x128xi32, #tpu.memory_space<vmem>>
    %dma_wait3A_101 = tpu.memref_squeeze %dma_wait3A_100 : memref<1x128xi32, #tpu.memory_space<vmem>> -> memref<128xi32, #tpu.memory_space<vmem>>
    %dma_wait3A_102 = tpu.memref_slice %arg4[%add3A_93] : memref<320000xi32, #tpu.memory_space<hbm>> -> memref<128xi32, #tpu.memory_space<hbm>>
    tpu.wait_dma2 semaphore(%arg14 : memref<!tpu.dma_semaphore, #tpu.memory_space<semaphore_mem>>) src(%dma_wait3A_102 : memref<128xi32, #tpu.memory_space<hbm>>) dst(%dma_wait3A_101 : memref<128xi32, #tpu.memory_space<vmem>>)
    %run_scoped3A_103 = arith.constant 1 : i32
    %run_scoped3A_104 = arith.constant 1 : i32
    "tpu.region"() ({
      %run_scoped3A_124 = tpu.sem_alloc : memref<!tpu.dma_semaphore, #tpu.memory_space<semaphore_mem>>
      %dma_start3A_125 = arith.constant 0 : i32
      %dma_start3A_126 = arith.constant 0 : i32
      %dma_start3A_127 = tpu.memref_slice %arg9[%run_scoped3A_103, %dma_start3A_125, %dma_start3A_126] : memref<2x128x128xf32, #tpu.memory_space<vmem>> -> memref<1x128x128xf32, #tpu.memory_space<vmem>>
      %dma_start3A_128 = tpu.memref_squeeze %dma_start3A_127 : memref<1x128x128xf32, #tpu.memory_space<vmem>> -> memref<128x128xf32, #tpu.memory_space<vmem>>
      %dma_start3A_129 = arith.constant 0 : i32
      %dma_start3A_130 = tpu.memref_slice %arg8[%run_scoped3A_104, %dma_start3A_129] : memref<2x128xi32, #tpu.memory_space<vmem>> -> memref<1x128xi32, #tpu.memory_space<vmem>>
      %dma_start3A_131 = tpu.memref_squeeze %dma_start3A_130 : memref<1x128xi32, #tpu.memory_space<vmem>> -> memref<128xi32, #tpu.memory_space<vmem>>
      %dma_start3A_132 = arith.constant 0 : i32
      %dma_start3A_133 = arith.constant 0 : i32
      %dma_start3A_134 = tpu.memref_slice %arg10[%dma_start3A_132, %dma_start3A_133] : memref<10240x128xf32, #tpu.memory_space<vmem_shared>> -> memref<10240x128xf32, #tpu.memory_space<vmem_shared>>
      tpu.enqueue_indirect_dma source(%dma_start3A_128 : memref<128x128xf32, #tpu.memory_space<vmem>>) target(%dma_start3A_134 : memref<10240x128xf32, #tpu.memory_space<vmem_shared>>) offsets(%dma_start3A_131 : memref<128xi32, #tpu.memory_space<vmem>>) semaphore(%run_scoped3A_124 : memref<!tpu.dma_semaphore, #tpu.memory_space<semaphore_mem>>) {add = true}
      %dma_wait3A_135 = arith.constant 0 : i32
      %dma_wait3A_136 = arith.constant 0 : i32
      %dma_wait3A_137 = tpu.memref_slice %arg9[%run_scoped3A_103, %dma_wait3A_135, %dma_wait3A_136] : memref<2x128x128xf32, #tpu.memory_space<vmem>> -> memref<1x128x128xf32, #tpu.memory_space<vmem>>
      %dma_wait3A_138 = tpu.memref_squeeze %dma_wait3A_137 : memref<1x128x128xf32, #tpu.memory_space<vmem>> -> memref<128x128xf32, #tpu.memory_space<vmem>>
      %dma_wait3A_139 = arith.constant 0 : i32
      %dma_wait3A_140 = tpu.memref_slice %arg8[%run_scoped3A_104, %dma_wait3A_139] : memref<2x128xi32, #tpu.memory_space<vmem>> -> memref<1x128xi32, #tpu.memory_space<vmem>>
      %dma_wait3A_141 = tpu.memref_squeeze %dma_wait3A_140 : memref<1x128xi32, #tpu.memory_space<vmem>> -> memref<128xi32, #tpu.memory_space<vmem>>
      %dma_wait3A_142 = arith.constant 0 : i32
      %dma_wait3A_143 = arith.constant 0 : i32
      %dma_wait3A_144 = tpu.memref_slice %arg10[%dma_wait3A_142, %dma_wait3A_143] : memref<10240x128xf32, #tpu.memory_space<vmem_shared>> -> memref<10240x128xf32, #tpu.memory_space<vmem_shared>>
      tpu.wait_indirect_dma semaphore(%run_scoped3A_124 : memref<!tpu.dma_semaphore, #tpu.memory_space<semaphore_mem>>) src(%dma_wait3A_138 : memref<128x128xf32, #tpu.memory_space<vmem>>) dst(%dma_wait3A_144 : memref<10240x128xf32, #tpu.memory_space<vmem_shared>>)
      tpu.yield
    }) : () -> ()
    %get3A = arith.constant 9984 : index
    %get3A_105 = tpu.vector_load %arg7[%get3A] {strides = array<i32>} : memref<10000xi32, #tpu.memory_space<vmem>>, vector<16xi32>,
    %get3A_106 = vector.shape_cast %get3A_105 : vector<16xi32> to vector<16xi32>
    %run_scoped3A_107 = arith.constant 1 : i32
    "tpu.region"() ({
      %run_scoped3A_124 = tpu.sem_alloc : memref<!tpu.dma_semaphore, #tpu.memory_space<semaphore_mem>>
      %dma_start3A_125 = arith.constant 0 : i32
      %dma_start3A_126 = arith.constant 0 : i32
      %dma_start3A_127 = tpu.memref_slice %arg9[%run_scoped3A_107, %dma_start3A_125, %dma_start3A_126] : memref<2x128x128xf32, #tpu.memory_space<vmem>> -> memref<1x16x128xf32, #tpu.memory_space<vmem>>
      %dma_start3A_128 = tpu.memref_squeeze %dma_start3A_127 : memref<1x16x128xf32, #tpu.memory_space<vmem>> -> memref<16x128xf32, #tpu.memory_space<vmem>>
      %dma_start3A_129 = arith.constant 0 : i32
      %dma_start3A_130 = arith.constant 0 : i32
      %dma_start3A_131 = tpu.memref_slice %arg2[%dma_start3A_129, %dma_start3A_130] : memref<10000x128xf32, #tpu.memory_space<hbm>> -> memref<10000x128xf32, #tpu.memory_space<hbm>>
      tpu.enqueue_indirect_dma source(%dma_start3A_131 : memref<10000x128xf32, #tpu.memory_space<hbm>>) target(%dma_start3A_128 : memref<16x128xf32, #tpu.memory_space<vmem>>) offsets(%get3A_106 : vector<16xi32>) semaphore(%run_scoped3A_124 : memref<!tpu.dma_semaphore, #tpu.memory_space<semaphore_mem>>)
      %dma_wait3A_132 = arith.constant 0 : i32
      %dma_wait3A_133 = arith.constant 0 : i32
      %dma_wait3A_134 = tpu.memref_slice %arg9[%run_scoped3A_107, %dma_wait3A_132, %dma_wait3A_133] : memref<2x128x128xf32, #tpu.memory_space<vmem>> -> memref<1x16x128xf32, #tpu.memory_space<vmem>>
      %dma_wait3A_135 = tpu.memref_squeeze %dma_wait3A_134 : memref<1x16x128xf32, #tpu.memory_space<vmem>> -> memref<16x128xf32, #tpu.memory_space<vmem>>
      %dma_wait3A_136 = arith.constant 0 : i32
      %dma_wait3A_137 = arith.constant 0 : i32
      %dma_wait3A_138 = tpu.memref_slice %arg2[%dma_wait3A_136, %dma_wait3A_137] : memref<10000x128xf32, #tpu.memory_space<hbm>> -> memref<10000x128xf32, #tpu.memory_space<hbm>>
      tpu.wait_indirect_dma semaphore(%run_scoped3A_124 : memref<!tpu.dma_semaphore, #tpu.memory_space<semaphore_mem>>) src(%dma_wait3A_138 : memref<10000x128xf32, #tpu.memory_space<hbm>>) dst(%dma_wait3A_135 : memref<16x128xf32, #tpu.memory_space<vmem>>)
      tpu.yield
    }) : () -> ()
    %mul3A_108 = arith.constant 10000 : i32
    %mul3A_109 = arith.muli %add3A, %mul3A_108 : i32
    %add3A_110 = arith.constant 9984 : i32
    %add3A_111 = arith.addi %mul3A_109, %add3A_110 : i32
    %run_scoped3A_112 = arith.constant 0 : i32
    "tpu.region"() ({
      %run_scoped3A_124 = tpu.sem_alloc : memref<!tpu.dma_semaphore, #tpu.memory_space<semaphore_mem>>
      %dma_start3A_125 = arith.constant 0 : i32
      %dma_start3A_126 = tpu.memref_slice %arg8[%run_scoped3A_112, %dma_start3A_125] : memref<2x128xi32, #tpu.memory_space<vmem>> -> memref<1x16xi32, #tpu.memory_space<vmem>>
      %dma_start3A_127 = tpu.memref_squeeze %dma_start3A_126 : memref<1x16xi32, #tpu.memory_space<vmem>> -> memref<16xi32, #tpu.memory_space<vmem>>
      %dma_start3A_128 = tpu.memref_slice %arg4[%add3A_111] : memref<320000xi32, #tpu.memory_space<hbm>> -> memref<16xi32, #tpu.memory_space<hbm>>
      %dma_start3A_129 = arith.constant 0 : i32
      %dma_start3A_130 = tpu.memref_slice %arg8[%run_scoped3A_112, %dma_start3A_129] : memref<2x128xi32, #tpu.memory_space<vmem>> -> memref<1x16xi32, #tpu.memory_space<vmem>>
      %dma_start3A_131 = tpu.memref_squeeze %dma_start3A_130 : memref<1x16xi32, #tpu.memory_space<vmem>> -> memref<16xi32, #tpu.memory_space<vmem>>
      %dma_start3A_132 = tpu.memref_slice %arg4[%add3A_111] : memref<320000xi32, #tpu.memory_space<hbm>> -> memref<16xi32, #tpu.memory_space<hbm>>
      tpu.enqueue_dma source(%dma_start3A_132 : memref<16xi32, #tpu.memory_space<hbm>>) target(%dma_start3A_131 : memref<16xi32, #tpu.memory_space<vmem>>) target_semaphore(%run_scoped3A_124 : memref<!tpu.dma_semaphore, #tpu.memory_space<semaphore_mem>>)
      %dma_wait3A_133 = arith.constant 0 : i32
      %dma_wait3A_134 = tpu.memref_slice %arg8[%run_scoped3A_112, %dma_wait3A_133] : memref<2x128xi32, #tpu.memory_space<vmem>> -> memref<1x16xi32, #tpu.memory_space<vmem>>
      %dma_wait3A_135 = tpu.memref_squeeze %dma_wait3A_134 : memref<1x16xi32, #tpu.memory_space<vmem>> -> memref<16xi32, #tpu.memory_space<vmem>>
      %dma_wait3A_136 = tpu.memref_slice %arg4[%add3A_111] : memref<320000xi32, #tpu.memory_space<hbm>> -> memref<16xi32, #tpu.memory_space<hbm>>
      %dma_wait3A_137 = arith.constant 0 : i32
      %dma_wait3A_138 = tpu.memref_slice %arg8[%run_scoped3A_112, %dma_wait3A_137] : memref<2x128xi32, #tpu.memory_space<vmem>> -> memref<1x16xi32, #tpu.memory_space<vmem>>
      %dma_wait3A_139 = tpu.memref_squeeze %dma_wait3A_138 : memref<1x16xi32, #tpu.memory_space<vmem>> -> memref<16xi32, #tpu.memory_space<vmem>>
      %dma_wait3A_140 = tpu.memref_slice %arg4[%add3A_111] : memref<320000xi32, #tpu.memory_space<hbm>> -> memref<16xi32, #tpu.memory_space<hbm>>
      tpu.wait_dma2 semaphore(%run_scoped3A_124 : memref<!tpu.dma_semaphore, #tpu.memory_space<semaphore_mem>>) src(%dma_wait3A_140 : memref<16xi32, #tpu.memory_space<hbm>>) dst(%dma_wait3A_139 : memref<16xi32, #tpu.memory_space<vmem>>)
      tpu.yield
    }) : () -> ()
    %get3A_113 = arith.constant 0 : i32
    %get3A_114 = arith.index_cast %get3A_113 : i32 to index
    %get3A_115 = arith.constant 0 : index
    %get3A_116 = tpu.vector_load %arg8[%get3A_114, %get3A_115] {strides = array<i32>} : memref<2x128xi32, #tpu.memory_space<vmem>>, vector<1x16xi32>,
    %get3A_117 = vector.shape_cast %get3A_116 : vector<1x16xi32> to vector<16xi32>
    %run_scoped3A_118 = arith.constant 1 : i32
    "tpu.region"() ({
      %run_scoped3A_124 = tpu.sem_alloc : memref<!tpu.dma_semaphore, #tpu.memory_space<semaphore_mem>>
      %dma_start3A_125 = arith.constant 0 : i32
      %dma_start3A_126 = arith.constant 0 : i32
      %dma_start3A_127 = tpu.memref_slice %arg9[%run_scoped3A_118, %dma_start3A_125, %dma_start3A_126] : memref<2x128x128xf32, #tpu.memory_space<vmem>> -> memref<1x16x128xf32, #tpu.memory_space<vmem>>
      %dma_start3A_128 = tpu.memref_squeeze %dma_start3A_127 : memref<1x16x128xf32, #tpu.memory_space<vmem>> -> memref<16x128xf32, #tpu.memory_space<vmem>>
      %dma_start3A_129 = arith.constant 0 : i32
      %dma_start3A_130 = arith.constant 0 : i32
      %dma_start3A_131 = tpu.memref_slice %arg10[%dma_start3A_129, %dma_start3A_130] : memref<10240x128xf32, #tpu.memory_space<vmem_shared>> -> memref<10240x128xf32, #tpu.memory_space<vmem_shared>>
      tpu.enqueue_indirect_dma source(%dma_start3A_128 : memref<16x128xf32, #tpu.memory_space<vmem>>) target(%dma_start3A_131 : memref<10240x128xf32, #tpu.memory_space<vmem_shared>>) offsets(%get3A_117 : vector<16xi32>) semaphore(%run_scoped3A_124 : memref<!tpu.dma_semaphore, #tpu.memory_space<semaphore_mem>>) {add = true}
      %dma_wait3A_132 = arith.constant 0 : i32
      %dma_wait3A_133 = arith.constant 0 : i32
      %dma_wait3A_134 = tpu.memref_slice %arg9[%run_scoped3A_118, %dma_wait3A_132, %dma_wait3A_133] : memref<2x128x128xf32, #tpu.memory_space<vmem>> -> memref<1x16x128xf32, #tpu.memory_space<vmem>>
      %dma_wait3A_135 = tpu.memref_squeeze %dma_wait3A_134 : memref<1x16x128xf32, #tpu.memory_space<vmem>> -> memref<16x128xf32, #tpu.memory_space<vmem>>
      %dma_wait3A_136 = arith.constant 0 : i32
      %dma_wait3A_137 = arith.constant 0 : i32
      %dma_wait3A_138 = tpu.memref_slice %arg10[%dma_wait3A_136, %dma_wait3A_137] : memref<10240x128xf32, #tpu.memory_space<vmem_shared>> -> memref<10240x128xf32, #tpu.memory_space<vmem_shared>>
      tpu.wait_indirect_dma semaphore(%run_scoped3A_124 : memref<!tpu.dma_semaphore, #tpu.memory_space<semaphore_mem>>) src(%dma_wait3A_135 : memref<16x128xf32, #tpu.memory_space<vmem>>) dst(%dma_wait3A_138 : memref<10240x128xf32, #tpu.memory_space<vmem_shared>>)
      tpu.yield
    }) : () -> ()
    %barrier3A_119 = arith.constant 0 : index
    tpu.barrier barrier_id(%barrier3A_119)
    %mul3A_120 = arith.constant 640 : i32
    %mul3A_121 = arith.muli %arg1, %mul3A_120 : i32
    %mul3A_122 = arith.constant 640 : i32
    %mul3A_123 = arith.muli %arg1, %mul3A_122 : i32
    "tpu.region"() ({
      %run_scoped3A_124 = tpu.sem_alloc : memref<!tpu.dma_semaphore, #tpu.memory_space<semaphore_mem>>
      %dma_start3A_125 = arith.constant 0 : i32
      %dma_start3A_126 = tpu.memref_slice %arg6[%arg0, %mul3A_123, %dma_start3A_125] : memref<2x10240x128xf32, #tpu.memory_space<hbm>> -> memref<1x640x128xf32, #tpu.memory_space<hbm>>
      %dma_start3A_127 = tpu.memref_squeeze %dma_start3A_126 : memref<1x640x128xf32, #tpu.memory_space<hbm>> -> memref<640x128xf32, #tpu.memory_space<hbm>>
      %dma_start3A_128 = arith.constant 0 : i32
      %dma_start3A_129 = tpu.memref_slice %arg10[%mul3A_121, %dma_start3A_128] : memref<10240x128xf32, #tpu.memory_space<vmem_shared>> -> memref<640x128xf32, #tpu.memory_space<vmem_shared>>
      tpu.enqueue_dma source(%dma_start3A_129 : memref<640x128xf32, #tpu.memory_space<vmem_shared>>) target(%dma_start3A_127 : memref<640x128xf32, #tpu.memory_space<hbm>>) target_semaphore(%run_scoped3A_124 : memref<!tpu.dma_semaphore, #tpu.memory_space<semaphore_mem>>)
      %dma_wait3A_130 = arith.constant 0 : i32
      %dma_wait3A_131 = tpu.memref_slice %arg6[%arg0, %mul3A_123, %dma_wait3A_130] : memref<2x10240x128xf32, #tpu.memory_space<hbm>> -> memref<1x640x128xf32, #tpu.memory_space<hbm>>
      %dma_wait3A_132 = tpu.memref_squeeze %dma_wait3A_131 : memref<1x640x128xf32, #tpu.memory_space<hbm>> -> memref<640x128xf32, #tpu.memory_space<hbm>>
      %dma_wait3A_133 = arith.constant 0 : i32
      %dma_wait3A_134 = tpu.memref_slice %arg10[%mul3A_121, %dma_wait3A_133] : memref<10240x128xf32, #tpu.memory_space<vmem_shared>> -> memref<640x128xf32, #tpu.memory_space<vmem_shared>>
      tpu.wait_dma2 semaphore(%run_scoped3A_124 : memref<!tpu.dma_semaphore, #tpu.memory_space<semaphore_mem>>) src(%dma_wait3A_134 : memref<640x128xf32, #tpu.memory_space<vmem_shared>>) dst(%dma_wait3A_132 : memref<640x128xf32, #tpu.memory_space<hbm>>)
      tpu.yield
    }) : () -> ()
    return
  }
}

#map = affine_map<(d0, d1) -> (0, 0)>
#map1 = affine_map<(d0, d1) -> (0)>
#map2 = affine_map<(d0, d1) -> (0, 0, 0)>
module attributes {stable_mosaic.version = 14 : i64} {
  func.func @_agg_sc(%arg0: i32, %arg1: i32, %arg2: memref<10000x128xf32, #tpu.memory_space<hbm>>, %arg3: memref<320000xi32, #tpu.memory_space<hbm>>, %arg4: memref<320000xi32, #tpu.memory_space<hbm>>, %arg5: memref<10240x128xf32, #tpu.memory_space<hbm>>, %arg6: memref<2x10240x128xf32, #tpu.memory_space<hbm>>, %arg7: memref<10000xi32, #tpu.memory_space<vmem>>, %arg8: memref<2x128xi32, #tpu.memory_space<vmem>>, %arg9: memref<2x128x128xf32, #tpu.memory_space<vmem>>, %arg10: memref<10240x128xf32, #tpu.memory_space<vmem_shared>>, %arg11: memref<!tpu.dma_semaphore, #tpu.memory_space<semaphore_mem>>, %arg12: memref<!tpu.dma_semaphore, #tpu.memory_space<semaphore_mem>>, %arg13: memref<!tpu.dma_semaphore, #tpu.memory_space<semaphore_mem>>, %arg14: memref<!tpu.dma_semaphore, #tpu.memory_space<semaphore_mem>>) attributes {dimension_semantics = [#tpu.dimension_semantics<core_parallel>, #tpu.dimension_semantics<subcore_parallel>], iteration_bounds = array<i64: 2, 16>, scalar_prefetch = 0 : i64, scratch_operands = 8 : i64, tpu.core_type = #tpu.core_type<sc_vector_subcore>, window_params = [{transform_indices = #map}, {transform_indices = #map1}, {transform_indices = #map1}, {transform_indices = #map}, {transform_indices = #map2}]} {
    %mul3A = arith.constant 16 : i32
    %mul3A_0 = arith.muli %arg0, %mul3A : i32
    %add3A = arith.addi %mul3A_0, %arg1 : i32
    %mul3A_1 = arith.constant 640 : i32
    %mul3A_2 = arith.muli %arg1, %mul3A_1 : i32
    %mul3A_3 = arith.constant 640 : i32
    %mul3A_4 = arith.muli %arg1, %mul3A_3 : i32
    "tpu.region"() ({
      %run_scoped3A_124 = tpu.sem_alloc : memref<!tpu.dma_semaphore, #tpu.memory_space<semaphore_mem>>
      %dma_start3A_125 = arith.constant 0 : i32
      %dma_start3A_126 = tpu.memref_slice %arg10[%mul3A_4, %dma_start3A_125] : memref<10240x128xf32, #tpu.memory_space<vmem_shared>> -> memref<640x128xf32, #tpu.memory_space<vmem_shared>>
      %dma_start3A_127 = arith.constant 0 : i32
      %dma_start3A_128 = tpu.memref_slice %arg5[%mul3A_2, %dma_start3A_127] : memref<10240x128xf32, #tpu.memory_space<hbm>> -> memref<640x128xf32, #tpu.memory_space<hbm>>
      tpu.enqueue_dma source(%dma_start3A_128 : memref<640x128xf32, #tpu.memory_space<hbm>>) target(%dma_start3A_126 : memref<640x128xf32, #tpu.memory_space<vmem_shared>>) target_semaphore(%run_scoped3A_124 : memref<!tpu.dma_semaphore, #tpu.memory_space<semaphore_mem>>)
      %dma_wait3A_129 = arith.constant 0 : i32
      %dma_wait3A_130 = tpu.memref_slice %arg10[%mul3A_4, %dma_wait3A_129] : memref<10240x128xf32, #tpu.memory_space<vmem_shared>> -> memref<640x128xf32, #tpu.memory_space<vmem_shared>>
      %dma_wait3A_131 = arith.constant 0 : i32
      %dma_wait3A_132 = tpu.memref_slice %arg5[%mul3A_2, %dma_wait3A_131] : memref<10240x128xf32, #tpu.memory_space<hbm>> -> memref<640x128xf32, #tpu.memory_space<hbm>>
      tpu.wait_dma2 semaphore(%run_scoped3A_124 : memref<!tpu.dma_semaphore, #tpu.memory_space<semaphore_mem>>) src(%dma_wait3A_132 : memref<640x128xf32, #tpu.memory_space<hbm>>) dst(%dma_wait3A_130 : memref<640x128xf32, #tpu.memory_space<vmem_shared>>)
      tpu.yield
    }) : () -> ()
    %mul3A_5 = arith.constant 10000 : i32
    %mul3A_6 = arith.muli %add3A, %mul3A_5 : i32
    "tpu.region"() ({
      %run_scoped3A_124 = tpu.sem_alloc : memref<!tpu.dma_semaphore, #tpu.memory_space<semaphore_mem>>
      %dma_start3A_125 = tpu.memref_slice %arg3[%mul3A_6] : memref<320000xi32, #tpu.memory_space<hbm>> -> memref<10000xi32, #tpu.memory_space<hbm>>
      %dma_start3A_126 = tpu.memref_slice %arg3[%mul3A_6] : memref<320000xi32, #tpu.memory_space<hbm>> -> memref<10000xi32, #tpu.memory_space<hbm>>
      tpu.enqueue_dma source(%dma_start3A_126 : memref<10000xi32, #tpu.memory_space<hbm>>) target(%arg7 : memref<10000xi32, #tpu.memory_space<vmem>>) target_semaphore(%run_scoped3A_124 : memref<!tpu.dma_semaphore, #tpu.memory_space<semaphore_mem>>)
      %dma_wait3A_127 = tpu.memref_slice %arg3[%mul3A_6] : memref<320000xi32, #tpu.memory_space<hbm>> -> memref<10000xi32, #tpu.memory_space<hbm>>
      %dma_wait3A_128 = tpu.memref_slice %arg3[%mul3A_6] : memref<320000xi32, #tpu.memory_space<hbm>> -> memref<10000xi32, #tpu.memory_space<hbm>>
      tpu.wait_dma2 semaphore(%run_scoped3A_124 : memref<!tpu.dma_semaphore, #tpu.memory_space<semaphore_mem>>) src(%dma_wait3A_128 : memref<10000xi32, #tpu.memory_space<hbm>>) dst(%arg7 : memref<10000xi32, #tpu.memory_space<vmem>>)
      tpu.yield
    }) : () -> ()
    %barrier3A = arith.constant 0 : index
    tpu.barrier barrier_id(%barrier3A)
    %dma_start3A = arith.constant 0 : i32
    %dma_start3A_7 = arith.constant 0 : i32
    %dma_start3A_8 = arith.constant 0 : i32
    %dma_start3A_9 = tpu.memref_slice %arg9[%dma_start3A, %dma_start3A_7, %dma_start3A_8] : memref<2x128x128xf32, #tpu.memory_space<vmem>> -> memref<1x128x128xf32, #tpu.memory_space<vmem>>
    %dma_start3A_10 = tpu.memref_squeeze %dma_start3A_9 : memref<1x128x128xf32, #tpu.memory_space<vmem>> -> memref<128x128xf32, #tpu.memory_space<vmem>>
    %dma_start3A_11 = arith.constant 0 : i32
    %dma_start3A_12 = tpu.memref_slice %arg7[%dma_start3A_11] : memref<10000xi32, #tpu.memory_space<vmem>> -> memref<128xi32, #tpu.memory_space<vmem>>
    %dma_start3A_13 = arith.constant 0 : i32
    %dma_start3A_14 = arith.constant 0 : i32
    %dma_start3A_15 = tpu.memref_slice %arg2[%dma_start3A_13, %dma_start3A_14] : memref<10000x128xf32, #tpu.memory_space<hbm>> -> memref<10000x128xf32, #tpu.memory_space<hbm>>
    tpu.enqueue_indirect_dma source(%dma_start3A_15 : memref<10000x128xf32, #tpu.memory_space<hbm>>) target(%dma_start3A_10 : memref<128x128xf32, #tpu.memory_space<vmem>>) offsets(%dma_start3A_12 : memref<128xi32, #tpu.memory_space<vmem>>) semaphore(%arg11 : memref<!tpu.dma_semaphore, #tpu.memory_space<semaphore_mem>>)
    %mul3A_16 = arith.constant 10000 : i32
    %mul3A_17 = arith.muli %add3A, %mul3A_16 : i32
    %add3A_18 = arith.constant 0 : i32
    %add3A_19 = arith.addi %mul3A_17, %add3A_18 : i32
    %dma_start3A_20 = arith.constant 0 : i32
    %dma_start3A_21 = arith.constant 0 : i32
    %dma_start3A_22 = tpu.memref_slice %arg8[%dma_start3A_20, %dma_start3A_21] : memref<2x128xi32, #tpu.memory_space<vmem>> -> memref<1x128xi32, #tpu.memory_space<vmem>>
    %dma_start3A_23 = tpu.memref_squeeze %dma_start3A_22 : memref<1x128xi32, #tpu.memory_space<vmem>> -> memref<128xi32, #tpu.memory_space<vmem>>
    %dma_start3A_24 = tpu.memref_slice %arg4[%add3A_19] : memref<320000xi32, #tpu.memory_space<hbm>> -> memref<128xi32, #tpu.memory_space<hbm>>
    %dma_start3A_25 = arith.constant 0 : i32
    %dma_start3A_26 = tpu.memref_slice %arg8[%dma_start3A_20, %dma_start3A_25] : memref<2x128xi32, #tpu.memory_space<vmem>> -> memref<1x128xi32, #tpu.memory_space<vmem>>
    %dma_start3A_27 = tpu.memref_squeeze %dma_start3A_26 : memref<1x128xi32, #tpu.memory_space<vmem>> -> memref<128xi32, #tpu.memory_space<vmem>>
    %dma_start3A_28 = tpu.memref_slice %arg4[%add3A_19] : memref<320000xi32, #tpu.memory_space<hbm>> -> memref<128xi32, #tpu.memory_space<hbm>>
    tpu.enqueue_dma source(%dma_start3A_28 : memref<128xi32, #tpu.memory_space<hbm>>) target(%dma_start3A_27 : memref<128xi32, #tpu.memory_space<vmem>>) target_semaphore(%arg13 : memref<!tpu.dma_semaphore, #tpu.memory_space<semaphore_mem>>)
    %dma_start3A_29 = arith.constant 1 : i32
    %dma_start3A_30 = arith.constant 0 : i32
    %dma_start3A_31 = arith.constant 0 : i32
    %dma_start3A_32 = tpu.memref_slice %arg9[%dma_start3A_29, %dma_start3A_30, %dma_start3A_31] : memref<2x128x128xf32, #tpu.memory_space<vmem>> -> memref<1x128x128xf32, #tpu.memory_space<vmem>>
    %dma_start3A_33 = tpu.memref_squeeze %dma_start3A_32 : memref<1x128x128xf32, #tpu.memory_space<vmem>> -> memref<128x128xf32, #tpu.memory_space<vmem>>
    %dma_start3A_34 = arith.constant 128 : i32
    %dma_start3A_35 = tpu.memref_slice %arg7[%dma_start3A_34] : memref<10000xi32, #tpu.memory_space<vmem>> -> memref<128xi32, #tpu.memory_space<vmem>>
    %dma_start3A_36 = arith.constant 0 : i32
    %dma_start3A_37 = arith.constant 0 : i32
    %dma_start3A_38 = tpu.memref_slice %arg2[%dma_start3A_36, %dma_start3A_37] : memref<10000x128xf32, #tpu.memory_space<hbm>> -> memref<10000x128xf32, #tpu.memory_space<hbm>>
    tpu.enqueue_indirect_dma source(%dma_start3A_38 : memref<10000x128xf32, #tpu.memory_space<hbm>>) target(%dma_start3A_33 : memref<128x128xf32, #tpu.memory_space<vmem>>) offsets(%dma_start3A_35 : memref<128xi32, #tpu.memory_space<vmem>>) semaphore(%arg12 : memref<!tpu.dma_semaphore, #tpu.memory_space<semaphore_mem>>)
    %mul3A_39 = arith.constant 10000 : i32
    %mul3A_40 = arith.muli %add3A, %mul3A_39 : i32
    %add3A_41 = arith.constant 128 : i32
    %add3A_42 = arith.addi %mul3A_40, %add3A_41 : i32
    %dma_start3A_43 = arith.constant 1 : i32
    %dma_start3A_44 = arith.constant 0 : i32
    %dma_start3A_45 = tpu.memref_slice %arg8[%dma_start3A_43, %dma_start3A_44] : memref<2x128xi32, #tpu.memory_space<vmem>> -> memref<1x128xi32, #tpu.memory_space<vmem>>
    %dma_start3A_46 = tpu.memref_squeeze %dma_start3A_45 : memref<1x128xi32, #tpu.memory_space<vmem>> -> memref<128xi32, #tpu.memory_space<vmem>>
    %dma_start3A_47 = tpu.memref_slice %arg4[%add3A_42] : memref<320000xi32, #tpu.memory_space<hbm>> -> memref<128xi32, #tpu.memory_space<hbm>>
    %dma_start3A_48 = arith.constant 0 : i32
    %dma_start3A_49 = tpu.memref_slice %arg8[%dma_start3A_43, %dma_start3A_48] : memref<2x128xi32, #tpu.memory_space<vmem>> -> memref<1x128xi32, #tpu.memory_space<vmem>>
    %dma_start3A_50 = tpu.memref_squeeze %dma_start3A_49 : memref<1x128xi32, #tpu.memory_space<vmem>> -> memref<128xi32, #tpu.memory_space<vmem>>
    %dma_start3A_51 = tpu.memref_slice %arg4[%add3A_42] : memref<320000xi32, #tpu.memory_space<hbm>> -> memref<128xi32, #tpu.memory_space<hbm>>
    tpu.enqueue_dma source(%dma_start3A_51 : memref<128xi32, #tpu.memory_space<hbm>>) target(%dma_start3A_50 : memref<128xi32, #tpu.memory_space<vmem>>) target_semaphore(%arg14 : memref<!tpu.dma_semaphore, #tpu.memory_space<semaphore_mem>>)
    %scan3A = arith.constant 0 : i32
    %scan3A_52 = arith.constant 0 : i32
    %scan3A_53 = arith.constant 38 : i32
    %scan3A_54 = arith.addi %scan3A_52, %scan3A_53 : i32
    %scan3A_55 = arith.constant 1 : i32
    scf.for %scan3A_124 = %scan3A_52 to %scan3A_54 step %scan3A_55  : i32 {
      %mul3A_125 = arith.constant 2 : i32
      %mul3A_126 = arith.muli %mul3A_125, %scan3A_124 : i32
      %mul3A_127 = arith.constant 128 : i32
      %mul3A_128 = arith.muli %mul3A_126, %mul3A_127 : i32
      %dma_wait3A_129 = arith.constant 0 : i32
      %dma_wait3A_130 = arith.constant 0 : i32
      %dma_wait3A_131 = arith.constant 0 : i32
      %dma_wait3A_132 = tpu.memref_slice %arg9[%dma_wait3A_129, %dma_wait3A_130, %dma_wait3A_131] : memref<2x128x128xf32, #tpu.memory_space<vmem>> -> memref<1x128x128xf32, #tpu.memory_space<vmem>>
      %dma_wait3A_133 = tpu.memref_squeeze %dma_wait3A_132 : memref<1x128x128xf32, #tpu.memory_space<vmem>> -> memref<128x128xf32, #tpu.memory_space<vmem>>
      %dma_wait3A_134 = tpu.memref_slice %arg7[%mul3A_128] : memref<10000xi32, #tpu.memory_space<vmem>> -> memref<128xi32, #tpu.memory_space<vmem>>
      %dma_wait3A_135 = arith.constant 0 : i32
      %dma_wait3A_136 = arith.constant 0 : i32
      %dma_wait3A_137 = tpu.memref_slice %arg2[%dma_wait3A_135, %dma_wait3A_136] : memref<10000x128xf32, #tpu.memory_space<hbm>> -> memref<10000x128xf32, #tpu.memory_space<hbm>>
      tpu.wait_indirect_dma semaphore(%arg11 : memref<!tpu.dma_semaphore, #tpu.memory_space<semaphore_mem>>) src(%dma_wait3A_137 : memref<10000x128xf32, #tpu.memory_space<hbm>>) dst(%dma_wait3A_133 : memref<128x128xf32, #tpu.memory_space<vmem>>)
      %mul3A_138 = arith.constant 10000 : i32
      %mul3A_139 = arith.muli %add3A, %mul3A_138 : i32
      %mul3A_140 = arith.constant 128 : i32
      %mul3A_141 = arith.muli %mul3A_126, %mul3A_140 : i32
      %add3A_142 = arith.addi %mul3A_139, %mul3A_141 : i32
      %dma_wait3A_143 = arith.constant 0 : i32
      %dma_wait3A_144 = arith.constant 0 : i32
      %dma_wait3A_145 = tpu.memref_slice %arg8[%dma_wait3A_143, %dma_wait3A_144] : memref<2x128xi32, #tpu.memory_space<vmem>> -> memref<1x128xi32, #tpu.memory_space<vmem>>
      %dma_wait3A_146 = tpu.memref_squeeze %dma_wait3A_145 : memref<1x128xi32, #tpu.memory_space<vmem>> -> memref<128xi32, #tpu.memory_space<vmem>>
      %dma_wait3A_147 = tpu.memref_slice %arg4[%add3A_142] : memref<320000xi32, #tpu.memory_space<hbm>> -> memref<128xi32, #tpu.memory_space<hbm>>
      %dma_wait3A_148 = arith.constant 0 : i32
      %dma_wait3A_149 = tpu.memref_slice %arg8[%dma_wait3A_143, %dma_wait3A_148] : memref<2x128xi32, #tpu.memory_space<vmem>> -> memref<1x128xi32, #tpu.memory_space<vmem>>
      %dma_wait3A_150 = tpu.memref_squeeze %dma_wait3A_149 : memref<1x128xi32, #tpu.memory_space<vmem>> -> memref<128xi32, #tpu.memory_space<vmem>>
      %dma_wait3A_151 = tpu.memref_slice %arg4[%add3A_142] : memref<320000xi32, #tpu.memory_space<hbm>> -> memref<128xi32, #tpu.memory_space<hbm>>
      tpu.wait_dma2 semaphore(%arg13 : memref<!tpu.dma_semaphore, #tpu.memory_space<semaphore_mem>>) src(%dma_wait3A_151 : memref<128xi32, #tpu.memory_space<hbm>>) dst(%dma_wait3A_150 : memref<128xi32, #tpu.memory_space<vmem>>)
      %run_scoped3A_152 = arith.constant 0 : i32
      %run_scoped3A_153 = arith.constant 0 : i32
      "tpu.region"() ({
        %run_scoped3A_237 = tpu.sem_alloc : memref<!tpu.dma_semaphore, #tpu.memory_space<semaphore_mem>>
        %dma_start3A_238 = arith.constant 0 : i32
        %dma_start3A_239 = arith.constant 0 : i32
        %dma_start3A_240 = tpu.memref_slice %arg9[%run_scoped3A_152, %dma_start3A_238, %dma_start3A_239] : memref<2x128x128xf32, #tpu.memory_space<vmem>> -> memref<1x128x128xf32, #tpu.memory_space<vmem>>
        %dma_start3A_241 = tpu.memref_squeeze %dma_start3A_240 : memref<1x128x128xf32, #tpu.memory_space<vmem>> -> memref<128x128xf32, #tpu.memory_space<vmem>>
        %dma_start3A_242 = arith.constant 0 : i32
        %dma_start3A_243 = tpu.memref_slice %arg8[%run_scoped3A_153, %dma_start3A_242] : memref<2x128xi32, #tpu.memory_space<vmem>> -> memref<1x128xi32, #tpu.memory_space<vmem>>
        %dma_start3A_244 = tpu.memref_squeeze %dma_start3A_243 : memref<1x128xi32, #tpu.memory_space<vmem>> -> memref<128xi32, #tpu.memory_space<vmem>>
        %dma_start3A_245 = arith.constant 0 : i32
        %dma_start3A_246 = arith.constant 0 : i32
        %dma_start3A_247 = tpu.memref_slice %arg10[%dma_start3A_245, %dma_start3A_246] : memref<10240x128xf32, #tpu.memory_space<vmem_shared>> -> memref<10240x128xf32, #tpu.memory_space<vmem_shared>>
        tpu.enqueue_indirect_dma source(%dma_start3A_241 : memref<128x128xf32, #tpu.memory_space<vmem>>) target(%dma_start3A_247 : memref<10240x128xf32, #tpu.memory_space<vmem_shared>>) offsets(%dma_start3A_244 : memref<128xi32, #tpu.memory_space<vmem>>) semaphore(%run_scoped3A_237 : memref<!tpu.dma_semaphore, #tpu.memory_space<semaphore_mem>>) {add = true}
        %dma_wait3A_248 = arith.constant 0 : i32
        %dma_wait3A_249 = arith.constant 0 : i32
        %dma_wait3A_250 = tpu.memref_slice %arg9[%run_scoped3A_152, %dma_wait3A_248, %dma_wait3A_249] : memref<2x128x128xf32, #tpu.memory_space<vmem>> -> memref<1x128x128xf32, #tpu.memory_space<vmem>>
        %dma_wait3A_251 = tpu.memref_squeeze %dma_wait3A_250 : memref<1x128x128xf32, #tpu.memory_space<vmem>> -> memref<128x128xf32, #tpu.memory_space<vmem>>
        %dma_wait3A_252 = arith.constant 0 : i32
        %dma_wait3A_253 = tpu.memref_slice %arg8[%run_scoped3A_153, %dma_wait3A_252] : memref<2x128xi32, #tpu.memory_space<vmem>> -> memref<1x128xi32, #tpu.memory_space<vmem>>
        %dma_wait3A_254 = tpu.memref_squeeze %dma_wait3A_253 : memref<1x128xi32, #tpu.memory_space<vmem>> -> memref<128xi32, #tpu.memory_space<vmem>>
        %dma_wait3A_255 = arith.constant 0 : i32
        %dma_wait3A_256 = arith.constant 0 : i32
        %dma_wait3A_257 = tpu.memref_slice %arg10[%dma_wait3A_255, %dma_wait3A_256] : memref<10240x128xf32, #tpu.memory_space<vmem_shared>> -> memref<10240x128xf32, #tpu.memory_space<vmem_shared>>
        tpu.wait_indirect_dma semaphore(%run_scoped3A_237 : memref<!tpu.dma_semaphore, #tpu.memory_space<semaphore_mem>>) src(%dma_wait3A_251 : memref<128x128xf32, #tpu.memory_space<vmem>>) dst(%dma_wait3A_257 : memref<10240x128xf32, #tpu.memory_space<vmem_shared>>)
        tpu.yield
      }) : () -> ()
      %add3A_154 = arith.constant 2 : i32
      %add3A_155 = arith.addi %mul3A_126, %add3A_154 : i32
      %mul3A_156 = arith.constant 128 : i32
      %mul3A_157 = arith.muli %add3A_155, %mul3A_156 : i32
      %dma_start3A_158 = arith.constant 0 : i32
      %dma_start3A_159 = arith.constant 0 : i32
      %dma_start3A_160 = arith.constant 0 : i32
      %dma_start3A_161 = tpu.memref_slice %arg9[%dma_start3A_158, %dma_start3A_159, %dma_start3A_160] : memref<2x128x128xf32, #tpu.memory_space<vmem>> -> memref<1x128x128xf32, #tpu.memory_space<vmem>>
      %dma_start3A_162 = tpu.memref_squeeze %dma_start3A_161 : memref<1x128x128xf32, #tpu.memory_space<vmem>> -> memref<128x128xf32, #tpu.memory_space<vmem>>
      %dma_start3A_163 = tpu.memref_slice %arg7[%mul3A_157] : memref<10000xi32, #tpu.memory_space<vmem>> -> memref<128xi32, #tpu.memory_space<vmem>>
      %dma_start3A_164 = arith.constant 0 : i32
      %dma_start3A_165 = arith.constant 0 : i32
      %dma_start3A_166 = tpu.memref_slice %arg2[%dma_start3A_164, %dma_start3A_165] : memref<10000x128xf32, #tpu.memory_space<hbm>> -> memref<10000x128xf32, #tpu.memory_space<hbm>>
      tpu.enqueue_indirect_dma source(%dma_start3A_166 : memref<10000x128xf32, #tpu.memory_space<hbm>>) target(%dma_start3A_162 : memref<128x128xf32, #tpu.memory_space<vmem>>) offsets(%dma_start3A_163 : memref<128xi32, #tpu.memory_space<vmem>>) semaphore(%arg11 : memref<!tpu.dma_semaphore, #tpu.memory_space<semaphore_mem>>)
      %mul3A_167 = arith.constant 10000 : i32
      %mul3A_168 = arith.muli %add3A, %mul3A_167 : i32
      %mul3A_169 = arith.constant 128 : i32
      %mul3A_170 = arith.muli %add3A_155, %mul3A_169 : i32
      %add3A_171 = arith.addi %mul3A_168, %mul3A_170 : i32
      %dma_start3A_172 = arith.constant 0 : i32
      %dma_start3A_173 = arith.constant 0 : i32
      %dma_start3A_174 = tpu.memref_slice %arg8[%dma_start3A_172, %dma_start3A_173] : memref<2x128xi32, #tpu.memory_space<vmem>> -> memref<1x128xi32, #tpu.memory_space<vmem>>
      %dma_start3A_175 = tpu.memref_squeeze %dma_start3A_174 : memref<1x128xi32, #tpu.memory_space<vmem>> -> memref<128xi32, #tpu.memory_space<vmem>>
      %dma_start3A_176 = tpu.memref_slice %arg4[%add3A_171] : memref<320000xi32, #tpu.memory_space<hbm>> -> memref<128xi32, #tpu.memory_space<hbm>>
      %dma_start3A_177 = arith.constant 0 : i32
      %dma_start3A_178 = tpu.memref_slice %arg8[%dma_start3A_172, %dma_start3A_177] : memref<2x128xi32, #tpu.memory_space<vmem>> -> memref<1x128xi32, #tpu.memory_space<vmem>>
      %dma_start3A_179 = tpu.memref_squeeze %dma_start3A_178 : memref<1x128xi32, #tpu.memory_space<vmem>> -> memref<128xi32, #tpu.memory_space<vmem>>
      %dma_start3A_180 = tpu.memref_slice %arg4[%add3A_171] : memref<320000xi32, #tpu.memory_space<hbm>> -> memref<128xi32, #tpu.memory_space<hbm>>
      tpu.enqueue_dma source(%dma_start3A_180 : memref<128xi32, #tpu.memory_space<hbm>>) target(%dma_start3A_179 : memref<128xi32, #tpu.memory_space<vmem>>) target_semaphore(%arg13 : memref<!tpu.dma_semaphore, #tpu.memory_space<semaphore_mem>>)
      %add3A_181 = arith.constant 1 : i32
      %add3A_182 = arith.addi %mul3A_126, %add3A_181 : i32
      %mul3A_183 = arith.constant 128 : i32
      %mul3A_184 = arith.muli %add3A_182, %mul3A_183 : i32
      %dma_wait3A_185 = arith.constant 1 : i32
      %dma_wait3A_186 = arith.constant 0 : i32
      %dma_wait3A_187 = arith.constant 0 : i32
      %dma_wait3A_188 = tpu.memref_slice %arg9[%dma_wait3A_185, %dma_wait3A_186, %dma_wait3A_187] : memref<2x128x128xf32, #tpu.memory_space<vmem>> -> memref<1x128x128xf32, #tpu.memory_space<vmem>>
      %dma_wait3A_189 = tpu.memref_squeeze %dma_wait3A_188 : memref<1x128x128xf32, #tpu.memory_space<vmem>> -> memref<128x128xf32, #tpu.memory_space<vmem>>
      %dma_wait3A_190 = tpu.memref_slice %arg7[%mul3A_184] : memref<10000xi32, #tpu.memory_space<vmem>> -> memref<128xi32, #tpu.memory_space<vmem>>
      %dma_wait3A_191 = arith.constant 0 : i32
      %dma_wait3A_192 = arith.constant 0 : i32
      %dma_wait3A_193 = tpu.memref_slice %arg2[%dma_wait3A_191, %dma_wait3A_192] : memref<10000x128xf32, #tpu.memory_space<hbm>> -> memref<10000x128xf32, #tpu.memory_space<hbm>>
      tpu.wait_indirect_dma semaphore(%arg12 : memref<!tpu.dma_semaphore, #tpu.memory_space<semaphore_mem>>) src(%dma_wait3A_193 : memref<10000x128xf32, #tpu.memory_space<hbm>>) dst(%dma_wait3A_189 : memref<128x128xf32, #tpu.memory_space<vmem>>)
      %mul3A_194 = arith.constant 10000 : i32
      %mul3A_195 = arith.muli %add3A, %mul3A_194 : i32
      %mul3A_196 = arith.constant 128 : i32
      %mul3A_197 = arith.muli %add3A_182, %mul3A_196 : i32
      %add3A_198 = arith.addi %mul3A_195, %mul3A_197 : i32
      %dma_wait3A_199 = arith.constant 1 : i32
      %dma_wait3A_200 = arith.constant 0 : i32
      %dma_wait3A_201 = tpu.memref_slice %arg8[%dma_wait3A_199, %dma_wait3A_200] : memref<2x128xi32, #tpu.memory_space<vmem>> -> memref<1x128xi32, #tpu.memory_space<vmem>>
      %dma_wait3A_202 = tpu.memref_squeeze %dma_wait3A_201 : memref<1x128xi32, #tpu.memory_space<vmem>> -> memref<128xi32, #tpu.memory_space<vmem>>
      %dma_wait3A_203 = tpu.memref_slice %arg4[%add3A_198] : memref<320000xi32, #tpu.memory_space<hbm>> -> memref<128xi32, #tpu.memory_space<hbm>>
      %dma_wait3A_204 = arith.constant 0 : i32
      %dma_wait3A_205 = tpu.memref_slice %arg8[%dma_wait3A_199, %dma_wait3A_204] : memref<2x128xi32, #tpu.memory_space<vmem>> -> memref<1x128xi32, #tpu.memory_space<vmem>>
      %dma_wait3A_206 = tpu.memref_squeeze %dma_wait3A_205 : memref<1x128xi32, #tpu.memory_space<vmem>> -> memref<128xi32, #tpu.memory_space<vmem>>
      %dma_wait3A_207 = tpu.memref_slice %arg4[%add3A_198] : memref<320000xi32, #tpu.memory_space<hbm>> -> memref<128xi32, #tpu.memory_space<hbm>>
      tpu.wait_dma2 semaphore(%arg14 : memref<!tpu.dma_semaphore, #tpu.memory_space<semaphore_mem>>) src(%dma_wait3A_207 : memref<128xi32, #tpu.memory_space<hbm>>) dst(%dma_wait3A_206 : memref<128xi32, #tpu.memory_space<vmem>>)
      %run_scoped3A_208 = arith.constant 1 : i32
      %run_scoped3A_209 = arith.constant 1 : i32
      "tpu.region"() ({
        %run_scoped3A_237 = tpu.sem_alloc : memref<!tpu.dma_semaphore, #tpu.memory_space<semaphore_mem>>
        %dma_start3A_238 = arith.constant 0 : i32
        %dma_start3A_239 = arith.constant 0 : i32
        %dma_start3A_240 = tpu.memref_slice %arg9[%run_scoped3A_208, %dma_start3A_238, %dma_start3A_239] : memref<2x128x128xf32, #tpu.memory_space<vmem>> -> memref<1x128x128xf32, #tpu.memory_space<vmem>>
        %dma_start3A_241 = tpu.memref_squeeze %dma_start3A_240 : memref<1x128x128xf32, #tpu.memory_space<vmem>> -> memref<128x128xf32, #tpu.memory_space<vmem>>
        %dma_start3A_242 = arith.constant 0 : i32
        %dma_start3A_243 = tpu.memref_slice %arg8[%run_scoped3A_209, %dma_start3A_242] : memref<2x128xi32, #tpu.memory_space<vmem>> -> memref<1x128xi32, #tpu.memory_space<vmem>>
        %dma_start3A_244 = tpu.memref_squeeze %dma_start3A_243 : memref<1x128xi32, #tpu.memory_space<vmem>> -> memref<128xi32, #tpu.memory_space<vmem>>
        %dma_start3A_245 = arith.constant 0 : i32
        %dma_start3A_246 = arith.constant 0 : i32
        %dma_start3A_247 = tpu.memref_slice %arg10[%dma_start3A_245, %dma_start3A_246] : memref<10240x128xf32, #tpu.memory_space<vmem_shared>> -> memref<10240x128xf32, #tpu.memory_space<vmem_shared>>
        tpu.enqueue_indirect_dma source(%dma_start3A_241 : memref<128x128xf32, #tpu.memory_space<vmem>>) target(%dma_start3A_247 : memref<10240x128xf32, #tpu.memory_space<vmem_shared>>) offsets(%dma_start3A_244 : memref<128xi32, #tpu.memory_space<vmem>>) semaphore(%run_scoped3A_237 : memref<!tpu.dma_semaphore, #tpu.memory_space<semaphore_mem>>) {add = true}
        %dma_wait3A_248 = arith.constant 0 : i32
        %dma_wait3A_249 = arith.constant 0 : i32
        %dma_wait3A_250 = tpu.memref_slice %arg9[%run_scoped3A_208, %dma_wait3A_248, %dma_wait3A_249] : memref<2x128x128xf32, #tpu.memory_space<vmem>> -> memref<1x128x128xf32, #tpu.memory_space<vmem>>
        %dma_wait3A_251 = tpu.memref_squeeze %dma_wait3A_250 : memref<1x128x128xf32, #tpu.memory_space<vmem>> -> memref<128x128xf32, #tpu.memory_space<vmem>>
        %dma_wait3A_252 = arith.constant 0 : i32
        %dma_wait3A_253 = tpu.memref_slice %arg8[%run_scoped3A_209, %dma_wait3A_252] : memref<2x128xi32, #tpu.memory_space<vmem>> -> memref<1x128xi32, #tpu.memory_space<vmem>>
        %dma_wait3A_254 = tpu.memref_squeeze %dma_wait3A_253 : memref<1x128xi32, #tpu.memory_space<vmem>> -> memref<128xi32, #tpu.memory_space<vmem>>
        %dma_wait3A_255 = arith.constant 0 : i32
        %dma_wait3A_256 = arith.constant 0 : i32
        %dma_wait3A_257 = tpu.memref_slice %arg10[%dma_wait3A_255, %dma_wait3A_256] : memref<10240x128xf32, #tpu.memory_space<vmem_shared>> -> memref<10240x128xf32, #tpu.memory_space<vmem_shared>>
        tpu.wait_indirect_dma semaphore(%run_scoped3A_237 : memref<!tpu.dma_semaphore, #tpu.memory_space<semaphore_mem>>) src(%dma_wait3A_251 : memref<128x128xf32, #tpu.memory_space<vmem>>) dst(%dma_wait3A_257 : memref<10240x128xf32, #tpu.memory_space<vmem_shared>>)
        tpu.yield
      }) : () -> ()
      %add3A_210 = arith.constant 3 : i32
      %add3A_211 = arith.addi %mul3A_126, %add3A_210 : i32
      %mul3A_212 = arith.constant 128 : i32
      %mul3A_213 = arith.muli %add3A_211, %mul3A_212 : i32
      %dma_start3A_214 = arith.constant 1 : i32
      %dma_start3A_215 = arith.constant 0 : i32
      %dma_start3A_216 = arith.constant 0 : i32
      %dma_start3A_217 = tpu.memref_slice %arg9[%dma_start3A_214, %dma_start3A_215, %dma_start3A_216] : memref<2x128x128xf32, #tpu.memory_space<vmem>> -> memref<1x128x128xf32, #tpu.memory_space<vmem>>
      %dma_start3A_218 = tpu.memref_squeeze %dma_start3A_217 : memref<1x128x128xf32, #tpu.memory_space<vmem>> -> memref<128x128xf32, #tpu.memory_space<vmem>>
      %dma_start3A_219 = tpu.memref_slice %arg7[%mul3A_213] : memref<10000xi32, #tpu.memory_space<vmem>> -> memref<128xi32, #tpu.memory_space<vmem>>
      %dma_start3A_220 = arith.constant 0 : i32
      %dma_start3A_221 = arith.constant 0 : i32
      %dma_start3A_222 = tpu.memref_slice %arg2[%dma_start3A_220, %dma_start3A_221] : memref<10000x128xf32, #tpu.memory_space<hbm>> -> memref<10000x128xf32, #tpu.memory_space<hbm>>
      tpu.enqueue_indirect_dma source(%dma_start3A_222 : memref<10000x128xf32, #tpu.memory_space<hbm>>) target(%dma_start3A_218 : memref<128x128xf32, #tpu.memory_space<vmem>>) offsets(%dma_start3A_219 : memref<128xi32, #tpu.memory_space<vmem>>) semaphore(%arg12 : memref<!tpu.dma_semaphore, #tpu.memory_space<semaphore_mem>>)
      %mul3A_223 = arith.constant 10000 : i32
      %mul3A_224 = arith.muli %add3A, %mul3A_223 : i32
      %mul3A_225 = arith.constant 128 : i32
      %mul3A_226 = arith.muli %add3A_211, %mul3A_225 : i32
      %add3A_227 = arith.addi %mul3A_224, %mul3A_226 : i32
      %dma_start3A_228 = arith.constant 1 : i32
      %dma_start3A_229 = arith.constant 0 : i32
      %dma_start3A_230 = tpu.memref_slice %arg8[%dma_start3A_228, %dma_start3A_229] : memref<2x128xi32, #tpu.memory_space<vmem>> -> memref<1x128xi32, #tpu.memory_space<vmem>>
      %dma_start3A_231 = tpu.memref_squeeze %dma_start3A_230 : memref<1x128xi32, #tpu.memory_space<vmem>> -> memref<128xi32, #tpu.memory_space<vmem>>
      %dma_start3A_232 = tpu.memref_slice %arg4[%add3A_227] : memref<320000xi32, #tpu.memory_space<hbm>> -> memref<128xi32, #tpu.memory_space<hbm>>
      %dma_start3A_233 = arith.constant 0 : i32
      %dma_start3A_234 = tpu.memref_slice %arg8[%dma_start3A_228, %dma_start3A_233] : memref<2x128xi32, #tpu.memory_space<vmem>> -> memref<1x128xi32, #tpu.memory_space<vmem>>
      %dma_start3A_235 = tpu.memref_squeeze %dma_start3A_234 : memref<1x128xi32, #tpu.memory_space<vmem>> -> memref<128xi32, #tpu.memory_space<vmem>>
      %dma_start3A_236 = tpu.memref_slice %arg4[%add3A_227] : memref<320000xi32, #tpu.memory_space<hbm>> -> memref<128xi32, #tpu.memory_space<hbm>>
      tpu.enqueue_dma source(%dma_start3A_236 : memref<128xi32, #tpu.memory_space<hbm>>) target(%dma_start3A_235 : memref<128xi32, #tpu.memory_space<vmem>>) target_semaphore(%arg14 : memref<!tpu.dma_semaphore, #tpu.memory_space<semaphore_mem>>)
    }
    %scan3A_56 = arith.constant 38 : i32
    %dma_wait3A = arith.constant 0 : i32
    %dma_wait3A_57 = arith.constant 0 : i32
    %dma_wait3A_58 = arith.constant 0 : i32
    %dma_wait3A_59 = tpu.memref_slice %arg9[%dma_wait3A, %dma_wait3A_57, %dma_wait3A_58] : memref<2x128x128xf32, #tpu.memory_space<vmem>> -> memref<1x128x128xf32, #tpu.memory_space<vmem>>
    %dma_wait3A_60 = tpu.memref_squeeze %dma_wait3A_59 : memref<1x128x128xf32, #tpu.memory_space<vmem>> -> memref<128x128xf32, #tpu.memory_space<vmem>>
    %dma_wait3A_61 = arith.constant 9728 : i32
    %dma_wait3A_62 = tpu.memref_slice %arg7[%dma_wait3A_61] : memref<10000xi32, #tpu.memory_space<vmem>> -> memref<128xi32, #tpu.memory_space<vmem>>
    %dma_wait3A_63 = arith.constant 0 : i32
    %dma_wait3A_64 = arith.constant 0 : i32
    %dma_wait3A_65 = tpu.memref_slice %arg2[%dma_wait3A_63, %dma_wait3A_64] : memref<10000x128xf32, #tpu.memory_space<hbm>> -> memref<10000x128xf32, #tpu.memory_space<hbm>>
    tpu.wait_indirect_dma semaphore(%arg11 : memref<!tpu.dma_semaphore, #tpu.memory_space<semaphore_mem>>) src(%dma_wait3A_65 : memref<10000x128xf32, #tpu.memory_space<hbm>>) dst(%dma_wait3A_60 : memref<128x128xf32, #tpu.memory_space<vmem>>)
    %mul3A_66 = arith.constant 10000 : i32
    %mul3A_67 = arith.muli %add3A, %mul3A_66 : i32
    %add3A_68 = arith.constant 9728 : i32
    %add3A_69 = arith.addi %mul3A_67, %add3A_68 : i32
    %dma_wait3A_70 = arith.constant 0 : i32
    %dma_wait3A_71 = arith.constant 0 : i32
    %dma_wait3A_72 = tpu.memref_slice %arg8[%dma_wait3A_70, %dma_wait3A_71] : memref<2x128xi32, #tpu.memory_space<vmem>> -> memref<1x128xi32, #tpu.memory_space<vmem>>
    %dma_wait3A_73 = tpu.memref_squeeze %dma_wait3A_72 : memref<1x128xi32, #tpu.memory_space<vmem>> -> memref<128xi32, #tpu.memory_space<vmem>>
    %dma_wait3A_74 = tpu.memref_slice %arg4[%add3A_69] : memref<320000xi32, #tpu.memory_space<hbm>> -> memref<128xi32, #tpu.memory_space<hbm>>
    %dma_wait3A_75 = arith.constant 0 : i32
    %dma_wait3A_76 = tpu.memref_slice %arg8[%dma_wait3A_70, %dma_wait3A_75] : memref<2x128xi32, #tpu.memory_space<vmem>> -> memref<1x128xi32, #tpu.memory_space<vmem>>
    %dma_wait3A_77 = tpu.memref_squeeze %dma_wait3A_76 : memref<1x128xi32, #tpu.memory_space<vmem>> -> memref<128xi32, #tpu.memory_space<vmem>>
    %dma_wait3A_78 = tpu.memref_slice %arg4[%add3A_69] : memref<320000xi32, #tpu.memory_space<hbm>> -> memref<128xi32, #tpu.memory_space<hbm>>
    tpu.wait_dma2 semaphore(%arg13 : memref<!tpu.dma_semaphore, #tpu.memory_space<semaphore_mem>>) src(%dma_wait3A_78 : memref<128xi32, #tpu.memory_space<hbm>>) dst(%dma_wait3A_77 : memref<128xi32, #tpu.memory_space<vmem>>)
    %run_scoped3A = arith.constant 0 : i32
    %run_scoped3A_79 = arith.constant 0 : i32
    "tpu.region"() ({
      %run_scoped3A_124 = tpu.sem_alloc : memref<!tpu.dma_semaphore, #tpu.memory_space<semaphore_mem>>
      %dma_start3A_125 = arith.constant 0 : i32
      %dma_start3A_126 = arith.constant 0 : i32
      %dma_start3A_127 = tpu.memref_slice %arg9[%run_scoped3A, %dma_start3A_125, %dma_start3A_126] : memref<2x128x128xf32, #tpu.memory_space<vmem>> -> memref<1x128x128xf32, #tpu.memory_space<vmem>>
      %dma_start3A_128 = tpu.memref_squeeze %dma_start3A_127 : memref<1x128x128xf32, #tpu.memory_space<vmem>> -> memref<128x128xf32, #tpu.memory_space<vmem>>
      %dma_start3A_129 = arith.constant 0 : i32
      %dma_start3A_130 = tpu.memref_slice %arg8[%run_scoped3A_79, %dma_start3A_129] : memref<2x128xi32, #tpu.memory_space<vmem>> -> memref<1x128xi32, #tpu.memory_space<vmem>>
      %dma_start3A_131 = tpu.memref_squeeze %dma_start3A_130 : memref<1x128xi32, #tpu.memory_space<vmem>> -> memref<128xi32, #tpu.memory_space<vmem>>
      %dma_start3A_132 = arith.constant 0 : i32
      %dma_start3A_133 = arith.constant 0 : i32
      %dma_start3A_134 = tpu.memref_slice %arg10[%dma_start3A_132, %dma_start3A_133] : memref<10240x128xf32, #tpu.memory_space<vmem_shared>> -> memref<10240x128xf32, #tpu.memory_space<vmem_shared>>
      tpu.enqueue_indirect_dma source(%dma_start3A_128 : memref<128x128xf32, #tpu.memory_space<vmem>>) target(%dma_start3A_134 : memref<10240x128xf32, #tpu.memory_space<vmem_shared>>) offsets(%dma_start3A_131 : memref<128xi32, #tpu.memory_space<vmem>>) semaphore(%run_scoped3A_124 : memref<!tpu.dma_semaphore, #tpu.memory_space<semaphore_mem>>) {add = true}
      %dma_wait3A_135 = arith.constant 0 : i32
      %dma_wait3A_136 = arith.constant 0 : i32
      %dma_wait3A_137 = tpu.memref_slice %arg9[%run_scoped3A, %dma_wait3A_135, %dma_wait3A_136] : memref<2x128x128xf32, #tpu.memory_space<vmem>> -> memref<1x128x128xf32, #tpu.memory_space<vmem>>
      %dma_wait3A_138 = tpu.memref_squeeze %dma_wait3A_137 : memref<1x128x128xf32, #tpu.memory_space<vmem>> -> memref<128x128xf32, #tpu.memory_space<vmem>>
      %dma_wait3A_139 = arith.constant 0 : i32
      %dma_wait3A_140 = tpu.memref_slice %arg8[%run_scoped3A_79, %dma_wait3A_139] : memref<2x128xi32, #tpu.memory_space<vmem>> -> memref<1x128xi32, #tpu.memory_space<vmem>>
      %dma_wait3A_141 = tpu.memref_squeeze %dma_wait3A_140 : memref<1x128xi32, #tpu.memory_space<vmem>> -> memref<128xi32, #tpu.memory_space<vmem>>
      %dma_wait3A_142 = arith.constant 0 : i32
      %dma_wait3A_143 = arith.constant 0 : i32
      %dma_wait3A_144 = tpu.memref_slice %arg10[%dma_wait3A_142, %dma_wait3A_143] : memref<10240x128xf32, #tpu.memory_space<vmem_shared>> -> memref<10240x128xf32, #tpu.memory_space<vmem_shared>>
      tpu.wait_indirect_dma semaphore(%run_scoped3A_124 : memref<!tpu.dma_semaphore, #tpu.memory_space<semaphore_mem>>) src(%dma_wait3A_138 : memref<128x128xf32, #tpu.memory_space<vmem>>) dst(%dma_wait3A_144 : memref<10240x128xf32, #tpu.memory_space<vmem_shared>>)
      tpu.yield
    }) : () -> ()
    %dma_wait3A_80 = arith.constant 1 : i32
    %dma_wait3A_81 = arith.constant 0 : i32
    %dma_wait3A_82 = arith.constant 0 : i32
    %dma_wait3A_83 = tpu.memref_slice %arg9[%dma_wait3A_80, %dma_wait3A_81, %dma_wait3A_82] : memref<2x128x128xf32, #tpu.memory_space<vmem>> -> memref<1x128x128xf32, #tpu.memory_space<vmem>>
    %dma_wait3A_84 = tpu.memref_squeeze %dma_wait3A_83 : memref<1x128x128xf32, #tpu.memory_space<vmem>> -> memref<128x128xf32, #tpu.memory_space<vmem>>
    %dma_wait3A_85 = arith.constant 9856 : i32
    %dma_wait3A_86 = tpu.memref_slice %arg7[%dma_wait3A_85] : memref<10000xi32, #tpu.memory_space<vmem>> -> memref<128xi32, #tpu.memory_space<vmem>>
    %dma_wait3A_87 = arith.constant 0 : i32
    %dma_wait3A_88 = arith.constant 0 : i32
    %dma_wait3A_89 = tpu.memref_slice %arg2[%dma_wait3A_87, %dma_wait3A_88] : memref<10000x128xf32, #tpu.memory_space<hbm>> -> memref<10000x128xf32, #tpu.memory_space<hbm>>
    tpu.wait_indirect_dma semaphore(%arg12 : memref<!tpu.dma_semaphore, #tpu.memory_space<semaphore_mem>>) src(%dma_wait3A_89 : memref<10000x128xf32, #tpu.memory_space<hbm>>) dst(%dma_wait3A_84 : memref<128x128xf32, #tpu.memory_space<vmem>>)
    %mul3A_90 = arith.constant 10000 : i32
    %mul3A_91 = arith.muli %add3A, %mul3A_90 : i32
    %add3A_92 = arith.constant 9856 : i32
    %add3A_93 = arith.addi %mul3A_91, %add3A_92 : i32
    %dma_wait3A_94 = arith.constant 1 : i32
    %dma_wait3A_95 = arith.constant 0 : i32
    %dma_wait3A_96 = tpu.memref_slice %arg8[%dma_wait3A_94, %dma_wait3A_95] : memref<2x128xi32, #tpu.memory_space<vmem>> -> memref<1x128xi32, #tpu.memory_space<vmem>>
    %dma_wait3A_97 = tpu.memref_squeeze %dma_wait3A_96 : memref<1x128xi32, #tpu.memory_space<vmem>> -> memref<128xi32, #tpu.memory_space<vmem>>
    %dma_wait3A_98 = tpu.memref_slice %arg4[%add3A_93] : memref<320000xi32, #tpu.memory_space<hbm>> -> memref<128xi32, #tpu.memory_space<hbm>>
    %dma_wait3A_99 = arith.constant 0 : i32
    %dma_wait3A_100 = tpu.memref_slice %arg8[%dma_wait3A_94, %dma_wait3A_99] : memref<2x128xi32, #tpu.memory_space<vmem>> -> memref<1x128xi32, #tpu.memory_space<vmem>>
    %dma_wait3A_101 = tpu.memref_squeeze %dma_wait3A_100 : memref<1x128xi32, #tpu.memory_space<vmem>> -> memref<128xi32, #tpu.memory_space<vmem>>
    %dma_wait3A_102 = tpu.memref_slice %arg4[%add3A_93] : memref<320000xi32, #tpu.memory_space<hbm>> -> memref<128xi32, #tpu.memory_space<hbm>>
    tpu.wait_dma2 semaphore(%arg14 : memref<!tpu.dma_semaphore, #tpu.memory_space<semaphore_mem>>) src(%dma_wait3A_102 : memref<128xi32, #tpu.memory_space<hbm>>) dst(%dma_wait3A_101 : memref<128xi32, #tpu.memory_space<vmem>>)
    %run_scoped3A_103 = arith.constant 1 : i32
    %run_scoped3A_104 = arith.constant 1 : i32
    "tpu.region"() ({
      %run_scoped3A_124 = tpu.sem_alloc : memref<!tpu.dma_semaphore, #tpu.memory_space<semaphore_mem>>
      %dma_start3A_125 = arith.constant 0 : i32
      %dma_start3A_126 = arith.constant 0 : i32
      %dma_start3A_127 = tpu.memref_slice %arg9[%run_scoped3A_103, %dma_start3A_125, %dma_start3A_126] : memref<2x128x128xf32, #tpu.memory_space<vmem>> -> memref<1x128x128xf32, #tpu.memory_space<vmem>>
      %dma_start3A_128 = tpu.memref_squeeze %dma_start3A_127 : memref<1x128x128xf32, #tpu.memory_space<vmem>> -> memref<128x128xf32, #tpu.memory_space<vmem>>
      %dma_start3A_129 = arith.constant 0 : i32
      %dma_start3A_130 = tpu.memref_slice %arg8[%run_scoped3A_104, %dma_start3A_129] : memref<2x128xi32, #tpu.memory_space<vmem>> -> memref<1x128xi32, #tpu.memory_space<vmem>>
      %dma_start3A_131 = tpu.memref_squeeze %dma_start3A_130 : memref<1x128xi32, #tpu.memory_space<vmem>> -> memref<128xi32, #tpu.memory_space<vmem>>
      %dma_start3A_132 = arith.constant 0 : i32
      %dma_start3A_133 = arith.constant 0 : i32
      %dma_start3A_134 = tpu.memref_slice %arg10[%dma_start3A_132, %dma_start3A_133] : memref<10240x128xf32, #tpu.memory_space<vmem_shared>> -> memref<10240x128xf32, #tpu.memory_space<vmem_shared>>
      tpu.enqueue_indirect_dma source(%dma_start3A_128 : memref<128x128xf32, #tpu.memory_space<vmem>>) target(%dma_start3A_134 : memref<10240x128xf32, #tpu.memory_space<vmem_shared>>) offsets(%dma_start3A_131 : memref<128xi32, #tpu.memory_space<vmem>>) semaphore(%run_scoped3A_124 : memref<!tpu.dma_semaphore, #tpu.memory_space<semaphore_mem>>) {add = true}
      %dma_wait3A_135 = arith.constant 0 : i32
      %dma_wait3A_136 = arith.constant 0 : i32
      %dma_wait3A_137 = tpu.memref_slice %arg9[%run_scoped3A_103, %dma_wait3A_135, %dma_wait3A_136] : memref<2x128x128xf32, #tpu.memory_space<vmem>> -> memref<1x128x128xf32, #tpu.memory_space<vmem>>
      %dma_wait3A_138 = tpu.memref_squeeze %dma_wait3A_137 : memref<1x128x128xf32, #tpu.memory_space<vmem>> -> memref<128x128xf32, #tpu.memory_space<vmem>>
      %dma_wait3A_139 = arith.constant 0 : i32
      %dma_wait3A_140 = tpu.memref_slice %arg8[%run_scoped3A_104, %dma_wait3A_139] : memref<2x128xi32, #tpu.memory_space<vmem>> -> memref<1x128xi32, #tpu.memory_space<vmem>>
      %dma_wait3A_141 = tpu.memref_squeeze %dma_wait3A_140 : memref<1x128xi32, #tpu.memory_space<vmem>> -> memref<128xi32, #tpu.memory_space<vmem>>
      %dma_wait3A_142 = arith.constant 0 : i32
      %dma_wait3A_143 = arith.constant 0 : i32
      %dma_wait3A_144 = tpu.memref_slice %arg10[%dma_wait3A_142, %dma_wait3A_143] : memref<10240x128xf32, #tpu.memory_space<vmem_shared>> -> memref<10240x128xf32, #tpu.memory_space<vmem_shared>>
      tpu.wait_indirect_dma semaphore(%run_scoped3A_124 : memref<!tpu.dma_semaphore, #tpu.memory_space<semaphore_mem>>) src(%dma_wait3A_138 : memref<128x128xf32, #tpu.memory_space<vmem>>) dst(%dma_wait3A_144 : memref<10240x128xf32, #tpu.memory_space<vmem_shared>>)
      tpu.yield
    }) : () -> ()
    %get3A = arith.constant 9984 : index
    %get3A_105 = tpu.vector_load %arg7[%get3A] {strides = array<i32>} : memref<10000xi32, #tpu.memory_space<vmem>>, vector<16xi32>,
    %get3A_106 = vector.shape_cast %get3A_105 : vector<16xi32> to vector<16xi32>
    %run_scoped3A_107 = arith.constant 1 : i32
    "tpu.region"() ({
      %run_scoped3A_124 = tpu.sem_alloc : memref<!tpu.dma_semaphore, #tpu.memory_space<semaphore_mem>>
      %dma_start3A_125 = arith.constant 0 : i32
      %dma_start3A_126 = arith.constant 0 : i32
      %dma_start3A_127 = tpu.memref_slice %arg9[%run_scoped3A_107, %dma_start3A_125, %dma_start3A_126] : memref<2x128x128xf32, #tpu.memory_space<vmem>> -> memref<1x16x128xf32, #tpu.memory_space<vmem>>
      %dma_start3A_128 = tpu.memref_squeeze %dma_start3A_127 : memref<1x16x128xf32, #tpu.memory_space<vmem>> -> memref<16x128xf32, #tpu.memory_space<vmem>>
      %dma_start3A_129 = arith.constant 0 : i32
      %dma_start3A_130 = arith.constant 0 : i32
      %dma_start3A_131 = tpu.memref_slice %arg2[%dma_start3A_129, %dma_start3A_130] : memref<10000x128xf32, #tpu.memory_space<hbm>> -> memref<10000x128xf32, #tpu.memory_space<hbm>>
      tpu.enqueue_indirect_dma source(%dma_start3A_131 : memref<10000x128xf32, #tpu.memory_space<hbm>>) target(%dma_start3A_128 : memref<16x128xf32, #tpu.memory_space<vmem>>) offsets(%get3A_106 : vector<16xi32>) semaphore(%run_scoped3A_124 : memref<!tpu.dma_semaphore, #tpu.memory_space<semaphore_mem>>)
      %dma_wait3A_132 = arith.constant 0 : i32
      %dma_wait3A_133 = arith.constant 0 : i32
      %dma_wait3A_134 = tpu.memref_slice %arg9[%run_scoped3A_107, %dma_wait3A_132, %dma_wait3A_133] : memref<2x128x128xf32, #tpu.memory_space<vmem>> -> memref<1x16x128xf32, #tpu.memory_space<vmem>>
      %dma_wait3A_135 = tpu.memref_squeeze %dma_wait3A_134 : memref<1x16x128xf32, #tpu.memory_space<vmem>> -> memref<16x128xf32, #tpu.memory_space<vmem>>
      %dma_wait3A_136 = arith.constant 0 : i32
      %dma_wait3A_137 = arith.constant 0 : i32
      %dma_wait3A_138 = tpu.memref_slice %arg2[%dma_wait3A_136, %dma_wait3A_137] : memref<10000x128xf32, #tpu.memory_space<hbm>> -> memref<10000x128xf32, #tpu.memory_space<hbm>>
      tpu.wait_indirect_dma semaphore(%run_scoped3A_124 : memref<!tpu.dma_semaphore, #tpu.memory_space<semaphore_mem>>) src(%dma_wait3A_138 : memref<10000x128xf32, #tpu.memory_space<hbm>>) dst(%dma_wait3A_135 : memref<16x128xf32, #tpu.memory_space<vmem>>)
      tpu.yield
    }) : () -> ()
    %mul3A_108 = arith.constant 10000 : i32
    %mul3A_109 = arith.muli %add3A, %mul3A_108 : i32
    %add3A_110 = arith.constant 9984 : i32
    %add3A_111 = arith.addi %mul3A_109, %add3A_110 : i32
    %run_scoped3A_112 = arith.constant 0 : i32
    "tpu.region"() ({
      %run_scoped3A_124 = tpu.sem_alloc : memref<!tpu.dma_semaphore, #tpu.memory_space<semaphore_mem>>
      %dma_start3A_125 = arith.constant 0 : i32
      %dma_start3A_126 = tpu.memref_slice %arg8[%run_scoped3A_112, %dma_start3A_125] : memref<2x128xi32, #tpu.memory_space<vmem>> -> memref<1x16xi32, #tpu.memory_space<vmem>>
      %dma_start3A_127 = tpu.memref_squeeze %dma_start3A_126 : memref<1x16xi32, #tpu.memory_space<vmem>> -> memref<16xi32, #tpu.memory_space<vmem>>
      %dma_start3A_128 = tpu.memref_slice %arg4[%add3A_111] : memref<320000xi32, #tpu.memory_space<hbm>> -> memref<16xi32, #tpu.memory_space<hbm>>
      %dma_start3A_129 = arith.constant 0 : i32
      %dma_start3A_130 = tpu.memref_slice %arg8[%run_scoped3A_112, %dma_start3A_129] : memref<2x128xi32, #tpu.memory_space<vmem>> -> memref<1x16xi32, #tpu.memory_space<vmem>>
      %dma_start3A_131 = tpu.memref_squeeze %dma_start3A_130 : memref<1x16xi32, #tpu.memory_space<vmem>> -> memref<16xi32, #tpu.memory_space<vmem>>
      %dma_start3A_132 = tpu.memref_slice %arg4[%add3A_111] : memref<320000xi32, #tpu.memory_space<hbm>> -> memref<16xi32, #tpu.memory_space<hbm>>
      tpu.enqueue_dma source(%dma_start3A_132 : memref<16xi32, #tpu.memory_space<hbm>>) target(%dma_start3A_131 : memref<16xi32, #tpu.memory_space<vmem>>) target_semaphore(%run_scoped3A_124 : memref<!tpu.dma_semaphore, #tpu.memory_space<semaphore_mem>>)
      %dma_wait3A_133 = arith.constant 0 : i32
      %dma_wait3A_134 = tpu.memref_slice %arg8[%run_scoped3A_112, %dma_wait3A_133] : memref<2x128xi32, #tpu.memory_space<vmem>> -> memref<1x16xi32, #tpu.memory_space<vmem>>
      %dma_wait3A_135 = tpu.memref_squeeze %dma_wait3A_134 : memref<1x16xi32, #tpu.memory_space<vmem>> -> memref<16xi32, #tpu.memory_space<vmem>>
      %dma_wait3A_136 = tpu.memref_slice %arg4[%add3A_111] : memref<320000xi32, #tpu.memory_space<hbm>> -> memref<16xi32, #tpu.memory_space<hbm>>
      %dma_wait3A_137 = arith.constant 0 : i32
      %dma_wait3A_138 = tpu.memref_slice %arg8[%run_scoped3A_112, %dma_wait3A_137] : memref<2x128xi32, #tpu.memory_space<vmem>> -> memref<1x16xi32, #tpu.memory_space<vmem>>
      %dma_wait3A_139 = tpu.memref_squeeze %dma_wait3A_138 : memref<1x16xi32, #tpu.memory_space<vmem>> -> memref<16xi32, #tpu.memory_space<vmem>>
      %dma_wait3A_140 = tpu.memref_slice %arg4[%add3A_111] : memref<320000xi32, #tpu.memory_space<hbm>> -> memref<16xi32, #tpu.memory_space<hbm>>
      tpu.wait_dma2 semaphore(%run_scoped3A_124 : memref<!tpu.dma_semaphore, #tpu.memory_space<semaphore_mem>>) src(%dma_wait3A_140 : memref<16xi32, #tpu.memory_space<hbm>>) dst(%dma_wait3A_139 : memref<16xi32, #tpu.memory_space<vmem>>)
      tpu.yield
    }) : () -> ()
    %get3A_113 = arith.constant 0 : i32
    %get3A_114 = arith.index_cast %get3A_113 : i32 to index
    %get3A_115 = arith.constant 0 : index
    %get3A_116 = tpu.vector_load %arg8[%get3A_114, %get3A_115] {strides = array<i32>} : memref<2x128xi32, #tpu.memory_space<vmem>>, vector<1x16xi32>,
    %get3A_117 = vector.shape_cast %get3A_116 : vector<1x16xi32> to vector<16xi32>
    %run_scoped3A_118 = arith.constant 1 : i32
    "tpu.region"() ({
      %run_scoped3A_124 = tpu.sem_alloc : memref<!tpu.dma_semaphore, #tpu.memory_space<semaphore_mem>>
      %dma_start3A_125 = arith.constant 0 : i32
      %dma_start3A_126 = arith.constant 0 : i32
      %dma_start3A_127 = tpu.memref_slice %arg9[%run_scoped3A_118, %dma_start3A_125, %dma_start3A_126] : memref<2x128x128xf32, #tpu.memory_space<vmem>> -> memref<1x16x128xf32, #tpu.memory_space<vmem>>
      %dma_start3A_128 = tpu.memref_squeeze %dma_start3A_127 : memref<1x16x128xf32, #tpu.memory_space<vmem>> -> memref<16x128xf32, #tpu.memory_space<vmem>>
      %dma_start3A_129 = arith.constant 0 : i32
      %dma_start3A_130 = arith.constant 0 : i32
      %dma_start3A_131 = tpu.memref_slice %arg10[%dma_start3A_129, %dma_start3A_130] : memref<10240x128xf32, #tpu.memory_space<vmem_shared>> -> memref<10240x128xf32, #tpu.memory_space<vmem_shared>>
      tpu.enqueue_indirect_dma source(%dma_start3A_128 : memref<16x128xf32, #tpu.memory_space<vmem>>) target(%dma_start3A_131 : memref<10240x128xf32, #tpu.memory_space<vmem_shared>>) offsets(%get3A_117 : vector<16xi32>) semaphore(%run_scoped3A_124 : memref<!tpu.dma_semaphore, #tpu.memory_space<semaphore_mem>>) {add = true}
      %dma_wait3A_132 = arith.constant 0 : i32
      %dma_wait3A_133 = arith.constant 0 : i32
      %dma_wait3A_134 = tpu.memref_slice %arg9[%run_scoped3A_118, %dma_wait3A_132, %dma_wait3A_133] : memref<2x128x128xf32, #tpu.memory_space<vmem>> -> memref<1x16x128xf32, #tpu.memory_space<vmem>>
      %dma_wait3A_135 = tpu.memref_squeeze %dma_wait3A_134 : memref<1x16x128xf32, #tpu.memory_space<vmem>> -> memref<16x128xf32, #tpu.memory_space<vmem>>
      %dma_wait3A_136 = arith.constant 0 : i32
      %dma_wait3A_137 = arith.constant 0 : i32
      %dma_wait3A_138 = tpu.memref_slice %arg10[%dma_wait3A_136, %dma_wait3A_137] : memref<10240x128xf32, #tpu.memory_space<vmem_shared>> -> memref<10240x128xf32, #tpu.memory_space<vmem_shared>>
      tpu.wait_indirect_dma semaphore(%run_scoped3A_124 : memref<!tpu.dma_semaphore, #tpu.memory_space<semaphore_mem>>) src(%dma_wait3A_135 : memref<16x128xf32, #tpu.memory_space<vmem>>) dst(%dma_wait3A_138 : memref<10240x128xf32, #tpu.memory_space<vmem_shared>>)
      tpu.yield
    }) : () -> ()
    %barrier3A_119 = arith.constant 0 : index
    tpu.barrier barrier_id(%barrier3A_119)
    %mul3A_120 = arith.constant 640 : i32
    %mul3A_121 = arith.muli %arg1, %mul3A_120 : i32
    %mul3A_122 = arith.constant 640 : i32
    %mul3A_123 = arith.muli %arg1, %mul3A_122 : i32
    "tpu.region"() ({
      %run_scoped3A_124 = tpu.sem_alloc : memref<!tpu.dma_semaphore, #tpu.memory_space<semaphore_mem>>
      %dma_start3A_125 = arith.constant 0 : i32
      %dma_start3A_126 = tpu.memref_slice %arg6[%arg0, %mul3A_123, %dma_start3A_125] : memref<2x10240x128xf32, #tpu.memory_space<hbm>> -> memref<1x640x128xf32, #tpu.memory_space<hbm>>
      %dma_start3A_127 = tpu.memref_squeeze %dma_start3A_126 : memref<1x640x128xf32, #tpu.memory_space<hbm>> -> memref<640x128xf32, #tpu.memory_space<hbm>>
      %dma_start3A_128 = arith.constant 0 : i32
      %dma_start3A_129 = tpu.memref_slice %arg10[%mul3A_121, %dma_start3A_128] : memref<10240x128xf32, #tpu.memory_space<vmem_shared>> -> memref<640x128xf32, #tpu.memory_space<vmem_shared>>
      tpu.enqueue_dma source(%dma_start3A_129 : memref<640x128xf32, #tpu.memory_space<vmem_shared>>) target(%dma_start3A_127 : memref<640x128xf32, #tpu.memory_space<hbm>>) target_semaphore(%run_scoped3A_124 : memref<!tpu.dma_semaphore, #tpu.memory_space<semaphore_mem>>)
      %dma_wait3A_130 = arith.constant 0 : i32
      %dma_wait3A_131 = tpu.memref_slice %arg6[%arg0, %mul3A_123, %dma_wait3A_130] : memref<2x10240x128xf32, #tpu.memory_space<hbm>> -> memref<1x640x128xf32, #tpu.memory_space<hbm>>
      %dma_wait3A_132 = tpu.memref_squeeze %dma_wait3A_131 : memref<1x640x128xf32, #tpu.memory_space<hbm>> -> memref<640x128xf32, #tpu.memory_space<hbm>>
      %dma_wait3A_133 = arith.constant 0 : i32
      %dma_wait3A_134 = tpu.memref_slice %arg10[%mul3A_121, %dma_wait3A_133] : memref<10240x128xf32, #tpu.memory_space<vmem_shared>> -> memref<640x128xf32, #tpu.memory_space<vmem_shared>>
      tpu.wait_dma2 semaphore(%run_scoped3A_124 : memref<!tpu.dma_semaphore, #tpu.memory_space<semaphore_mem>>) src(%dma_wait3A_134 : memref<640x128xf32, #tpu.memory_space<vmem_shared>>) dst(%dma_wait3A_132 : memref<640x128xf32, #tpu.memory_space<hbm>>)
      tpu.yield
    }) : () -> ()
    return
  }
}

module attributes {stable_mosaic.version = 14 : i64} {
  func.func @_split_body(%arg0: memref<2x320000xi32, #tpu.memory_space<vmem>>, %arg1: memref<320000xi32, #tpu.memory_space<vmem>>, %arg2: memref<320000xi32, #tpu.memory_space<vmem>>) attributes {dimension_semantics = [], scalar_prefetch = 0 : i64, scratch_operands = 0 : i64, tpu.core_type = #tpu.core_type<tc>} {
    %get3A = arith.constant 0 : index
    %get3A_0 = arith.constant 0 : index
    %get3A_1 = vector.load %arg0[%get3A, %get3A_0] : memref<2x320000xi32, #tpu.memory_space<vmem>>, vector<1x320000xi32>
    %get3A_2 = vector.shape_cast %get3A_1 : vector<1x320000xi32> to vector<320000xi32>
    %swap3A = arith.constant 0 : index
    %swap3A_3 = vector.load %arg1[%swap3A] : memref<320000xi32, #tpu.memory_space<vmem>>, vector<320000xi32>
    tpu.vector_store %arg1[%swap3A], %get3A_2 {strides = array<i32>} : memref<320000xi32, #tpu.memory_space<vmem>>, vector<320000xi32>,
    %get3A_4 = arith.constant 1 : index
    %get3A_5 = arith.constant 0 : index
    %get3A_6 = vector.load %arg0[%get3A_4, %get3A_5] : memref<2x320000xi32, #tpu.memory_space<vmem>>, vector<1x320000xi32>
    %get3A_7 = vector.shape_cast %get3A_6 : vector<1x320000xi32> to vector<320000xi32>
    %swap3A_8 = arith.constant 0 : index
    %swap3A_9 = vector.load %arg2[%swap3A_8] : memref<320000xi32, #tpu.memory_space<vmem>>, vector<320000xi32>
    tpu.vector_store %arg2[%swap3A_8], %get3A_7 {strides = array<i32>} : memref<320000xi32, #tpu.memory_space<vmem>>, vector<320000xi32>,
    return
  }
}

module attributes {stable_mosaic.version = 14 : i64} {
  func.func @_tc1_body(%arg0: memref<2x10240xf32, #tpu.memory_space<vmem>>, %arg1: memref<10000x128xf32, #tpu.memory_space<vmem>>, %arg2: memref<10000x128xf32, #tpu.memory_space<vmem>>) attributes {dimension_semantics = [], scalar_prefetch = 0 : i64, scratch_operands = 0 : i64, tpu.core_type = #tpu.core_type<tc>} {
    %get3A = arith.constant 0 : index
    %get3A_0 = arith.constant 0 : index
    %get3A_1 = vector.load %arg0[%get3A, %get3A_0] : memref<2x10240xf32, #tpu.memory_space<vmem>>, vector<1x10000xf32>
    %get3A_2 = vector.shape_cast %get3A_1 : vector<1x10000xf32> to vector<10000xf32>
    %get3A_3 = arith.constant 1 : index
    %get3A_4 = arith.constant 0 : index
    %get3A_5 = vector.load %arg0[%get3A_3, %get3A_4] : memref<2x10240xf32, #tpu.memory_space<vmem>>, vector<1x10000xf32>
    %get3A_6 = vector.shape_cast %get3A_5 : vector<1x10000xf32> to vector<10000xf32>
    %add3A = arith.addf %get3A_2, %get3A_6 : vector<10000xf32>
    %gt3A = arith.constant 0.000000e+00 : f32
    %gt3A_7 = vector.broadcast %gt3A : f32 to vector<10000xf32>
    %gt3A_8 = arith.cmpf ogt, %add3A, %gt3A_7 : vector<10000xf32>
    %max3A = arith.constant 1.000000e+00 : f32
    %max3A_9 = vector.broadcast %max3A : f32 to vector<10000xf32>
    %max3A_10 = arith.maximumf %add3A, %max3A_9 : vector<10000xf32>
    %rsqrt3A = math.rsqrt %max3A_10 : vector<10000xf32>
    %jit3A = arith.constant 0.000000e+00 : f32
    %broadcast_in_dim3A = vector.broadcast %jit3A : f32 to vector<10000xf32>
    %select_n3A = arith.select %gt3A_8, %rsqrt3A, %broadcast_in_dim3A : vector<10000xi1>, vector<10000xf32>
    %get3A_11 = arith.constant 0 : index
    %get3A_12 = arith.constant 0 : index
    %get3A_13 = vector.load %arg1[%get3A_11, %get3A_12] : memref<10000x128xf32, #tpu.memory_space<vmem>>, vector<10000x128xf32>
    %broadcast_in_dim3A_14 = vector.shape_cast %select_n3A : vector<10000xf32> to vector<10000x1xf32>
    %mul3A = vector.broadcast %broadcast_in_dim3A_14 : vector<10000x1xf32> to vector<10000x128xf32>
    %mul3A_15 = arith.mulf %get3A_13, %mul3A : vector<10000x128xf32>
    %swap3A = arith.constant 0 : index
    %swap3A_16 = arith.constant 0 : index
    %swap3A_17 = vector.load %arg2[%swap3A, %swap3A_16] : memref<10000x128xf32, #tpu.memory_space<vmem>>, vector<10000x128xf32>
    tpu.vector_store %arg2[%swap3A, %swap3A_16], %mul3A_15 {strides = array<i32>} : memref<10000x128xf32, #tpu.memory_space<vmem>>, vector<10000x128xf32>,
    return
  }
}

module attributes {stable_mosaic.version = 14 : i64} {
  func.func @_tc2_body(%arg0: memref<2x10240x128xf32, #tpu.memory_space<vmem>>, %arg1: memref<10000x128xf32, #tpu.memory_space<vmem>>, %arg2: memref<2x10240xf32, #tpu.memory_space<vmem>>, %arg3: memref<128x128xf32, #tpu.memory_space<vmem>>, %arg4: memref<128xf32, #tpu.memory_space<vmem>>, %arg5: memref<10000x128xf32, #tpu.memory_space<vmem>>, %arg6: memref<10000x128xf32, #tpu.memory_space<vmem>>) attributes {dimension_semantics = [], scalar_prefetch = 0 : i64, scratch_operands = 0 : i64, tpu.core_type = #tpu.core_type<tc>} {
    %get3A = arith.constant 0 : index
    %get3A_0 = arith.constant 0 : index
    %get3A_1 = vector.load %arg2[%get3A, %get3A_0] : memref<2x10240xf32, #tpu.memory_space<vmem>>, vector<1x10000xf32>
    %get3A_2 = vector.shape_cast %get3A_1 : vector<1x10000xf32> to vector<10000xf32>
    %get3A_3 = arith.constant 1 : index
    %get3A_4 = arith.constant 0 : index
    %get3A_5 = vector.load %arg2[%get3A_3, %get3A_4] : memref<2x10240xf32, #tpu.memory_space<vmem>>, vector<1x10000xf32>
    %get3A_6 = vector.shape_cast %get3A_5 : vector<1x10000xf32> to vector<10000xf32>
    %add3A = arith.addf %get3A_2, %get3A_6 : vector<10000xf32>
    %gt3A = arith.constant 0.000000e+00 : f32
    %gt3A_7 = vector.broadcast %gt3A : f32 to vector<10000xf32>
    %gt3A_8 = arith.cmpf ogt, %add3A, %gt3A_7 : vector<10000xf32>
    %max3A = arith.constant 1.000000e+00 : f32
    %max3A_9 = vector.broadcast %max3A : f32 to vector<10000xf32>
    %max3A_10 = arith.maximumf %add3A, %max3A_9 : vector<10000xf32>
    %rsqrt3A = math.rsqrt %max3A_10 : vector<10000xf32>
    %jit3A = arith.constant 0.000000e+00 : f32
    %broadcast_in_dim3A = vector.broadcast %jit3A : f32 to vector<10000xf32>
    %select_n3A = arith.select %gt3A_8, %rsqrt3A, %broadcast_in_dim3A : vector<10000xi1>, vector<10000xf32>
    %get3A_11 = arith.constant 0 : index
    %get3A_12 = arith.constant 0 : index
    %get3A_13 = arith.constant 0 : index
    %get3A_14 = vector.load %arg0[%get3A_11, %get3A_12, %get3A_13] : memref<2x10240x128xf32, #tpu.memory_space<vmem>>, vector<1x10000x128xf32>
    %get3A_15 = vector.shape_cast %get3A_14 : vector<1x10000x128xf32> to vector<10000x128xf32>
    %get3A_16 = arith.constant 1 : index
    %get3A_17 = arith.constant 0 : index
    %get3A_18 = arith.constant 0 : index
    %get3A_19 = vector.load %arg0[%get3A_16, %get3A_17, %get3A_18] : memref<2x10240x128xf32, #tpu.memory_space<vmem>>, vector<1x10000x128xf32>
    %get3A_20 = vector.shape_cast %get3A_19 : vector<1x10000x128xf32> to vector<10000x128xf32>
    %add3A_21 = arith.addf %get3A_15, %get3A_20 : vector<10000x128xf32>
    %broadcast_in_dim3A_22 = vector.shape_cast %select_n3A : vector<10000xf32> to vector<10000x1xf32>
    %mul3A = vector.broadcast %broadcast_in_dim3A_22 : vector<10000x1xf32> to vector<10000x128xf32>
    %mul3A_23 = arith.mulf %add3A_21, %mul3A : vector<10000x128xf32>
    %mul3A_24 = arith.constant 5.000000e-01 : f32
    %mul3A_25 = vector.broadcast %mul3A_24 : f32 to vector<10000x128xf32>
    %mul3A_26 = arith.mulf %mul3A_25, %mul3A_23 : vector<10000x128xf32>
    %get3A_27 = arith.constant 0 : index
    %get3A_28 = arith.constant 0 : index
    %get3A_29 = vector.load %arg1[%get3A_27, %get3A_28] : memref<10000x128xf32, #tpu.memory_space<vmem>>, vector<10000x128xf32>
    %mul3A_30 = arith.constant 5.000000e-01 : f32
    %mul3A_31 = vector.broadcast %mul3A_30 : f32 to vector<10000x128xf32>
    %mul3A_32 = arith.mulf %mul3A_31, %get3A_29 : vector<10000x128xf32>
    %add3A_33 = arith.addf %mul3A_26, %mul3A_32 : vector<10000x128xf32>
    %mul3A_34 = arith.constant 0.306852818 : f32
    %mul3A_35 = vector.broadcast %mul3A_34 : f32 to vector<10000x128xf32>
    %mul3A_36 = arith.mulf %mul3A_35, %add3A_33 : vector<10000x128xf32>
    %get3A_37 = arith.constant 0 : index
    %get3A_38 = arith.constant 0 : index
    %get3A_39 = vector.load %arg3[%get3A_37, %get3A_38] : memref<128x128xf32, #tpu.memory_space<vmem>>, vector<128x128xf32>
    %dot_general3A = arith.constant dense<0.000000e+00> : vector<10000x128xf32>
    %dot_general3A_40 = tpu.matmul %add3A_33, %get3A_39, %dot_general3A {dimension_numbers = #tpu.dot_dimension_numbers<[1], [0], [0], [1], [0, 0, 1, 1], [], []>, transpose_lhs_hint = false} : vector<10000x128xf32>, vector<128x128xf32>, vector<10000x128xf32> -> vector<10000x128xf32>
    %mul3A_41 = arith.constant 0.693147182 : f32
    %mul3A_42 = vector.broadcast %mul3A_41 : f32 to vector<10000x128xf32>
    %mul3A_43 = arith.mulf %mul3A_42, %dot_general3A_40 : vector<10000x128xf32>
    %add3A_44 = arith.addf %mul3A_36, %mul3A_43 : vector<10000x128xf32>
    %get3A_45 = arith.constant 0 : index
    %get3A_46 = vector.load %arg4[%get3A_45] : memref<128xf32, #tpu.memory_space<vmem>>, vector<128xf32>
    %broadcast_in_dim3A_47 = vector.shape_cast %get3A_46 : vector<128xf32> to vector<1x128xf32>
    %add3A_48 = vector.broadcast %broadcast_in_dim3A_47 : vector<1x128xf32> to vector<10000x128xf32>
    %add3A_49 = arith.addf %add3A_44, %add3A_48 : vector<10000x128xf32>
    %ge3A = arith.constant 0.000000e+00 : f32
    %ge3A_50 = vector.broadcast %ge3A : f32 to vector<10000x128xf32>
    %ge3A_51 = arith.cmpf oge, %add3A_49, %ge3A_50 : vector<10000x128xf32>
    %mul3A_52 = arith.constant 0.00999999977 : f32
    %mul3A_53 = vector.broadcast %mul3A_52 : f32 to vector<10000x128xf32>
    %mul3A_54 = arith.mulf %mul3A_53, %add3A_49 : vector<10000x128xf32>
    %select_n3A_55 = arith.select %ge3A_51, %add3A_49, %mul3A_54 : vector<10000x128xi1>, vector<10000x128xf32>
    %swap3A = arith.constant 0 : index
    %swap3A_56 = arith.constant 0 : index
    %swap3A_57 = vector.load %arg5[%swap3A, %swap3A_56] : memref<10000x128xf32, #tpu.memory_space<vmem>>, vector<10000x128xf32>
    tpu.vector_store %arg5[%swap3A, %swap3A_56], %select_n3A_55 {strides = array<i32>} : memref<10000x128xf32, #tpu.memory_space<vmem>>, vector<10000x128xf32>,
    %broadcast_in_dim3A_58 = vector.shape_cast %select_n3A : vector<10000xf32> to vector<10000x1xf32>
    %mul3A_59 = vector.broadcast %broadcast_in_dim3A_58 : vector<10000x1xf32> to vector<10000x128xf32>
    %mul3A_60 = arith.mulf %select_n3A_55, %mul3A_59 : vector<10000x128xf32>
    %swap3A_61 = arith.constant 0 : index
    %swap3A_62 = arith.constant 0 : index
    %swap3A_63 = vector.load %arg6[%swap3A_61, %swap3A_62] : memref<10000x128xf32, #tpu.memory_space<vmem>>, vector<10000x128xf32>
    tpu.vector_store %arg6[%swap3A_61, %swap3A_62], %mul3A_60 {strides = array<i32>} : memref<10000x128xf32, #tpu.memory_space<vmem>>, vector<10000x128xf32>,
    return
  }
}

module attributes {stable_mosaic.version = 14 : i64} {
  func.func @_tc3_body(%arg0: memref<2x10240x128xf32, #tpu.memory_space<vmem>>, %arg1: memref<10000x128xf32, #tpu.memory_space<vmem>>, %arg2: memref<2x10240xf32, #tpu.memory_space<vmem>>, %arg3: memref<128x128xf32, #tpu.memory_space<vmem>>, %arg4: memref<128xf32, #tpu.memory_space<vmem>>, %arg5: memref<128xf32, #tpu.memory_space<vmem>>, %arg6: memref<128xf32, #tpu.memory_space<vmem>>, %arg7: memref<128x10xf32, #tpu.memory_space<vmem>>, %arg8: memref<10xf32, #tpu.memory_space<vmem>>, %arg9: memref<10x2xf32, #tpu.memory_space<vmem>>, %arg10: memref<2xf32, #tpu.memory_space<vmem>>, %arg11: memref<1x2xf32, #tpu.memory_space<vmem>>) attributes {dimension_semantics = [], scalar_prefetch = 0 : i64, scratch_operands = 0 : i64, tpu.core_type = #tpu.core_type<tc>} {
    %get3A = arith.constant 0 : index
    %get3A_0 = arith.constant 0 : index
    %get3A_1 = vector.load %arg2[%get3A, %get3A_0] : memref<2x10240xf32, #tpu.memory_space<vmem>>, vector<1x10000xf32>
    %get3A_2 = vector.shape_cast %get3A_1 : vector<1x10000xf32> to vector<10000xf32>
    %get3A_3 = arith.constant 1 : index
    %get3A_4 = arith.constant 0 : index
    %get3A_5 = vector.load %arg2[%get3A_3, %get3A_4] : memref<2x10240xf32, #tpu.memory_space<vmem>>, vector<1x10000xf32>
    %get3A_6 = vector.shape_cast %get3A_5 : vector<1x10000xf32> to vector<10000xf32>
    %add3A = arith.addf %get3A_2, %get3A_6 : vector<10000xf32>
    %gt3A = arith.constant 0.000000e+00 : f32
    %gt3A_7 = vector.broadcast %gt3A : f32 to vector<10000xf32>
    %gt3A_8 = arith.cmpf ogt, %add3A, %gt3A_7 : vector<10000xf32>
    %max3A = arith.constant 1.000000e+00 : f32
    %max3A_9 = vector.broadcast %max3A : f32 to vector<10000xf32>
    %max3A_10 = arith.maximumf %add3A, %max3A_9 : vector<10000xf32>
    %rsqrt3A = math.rsqrt %max3A_10 : vector<10000xf32>
    %jit3A = arith.constant 0.000000e+00 : f32
    %broadcast_in_dim3A = vector.broadcast %jit3A : f32 to vector<10000xf32>
    %select_n3A = arith.select %gt3A_8, %rsqrt3A, %broadcast_in_dim3A : vector<10000xi1>, vector<10000xf32>
    %get3A_11 = arith.constant 0 : index
    %get3A_12 = arith.constant 0 : index
    %get3A_13 = arith.constant 0 : index
    %get3A_14 = vector.load %arg0[%get3A_11, %get3A_12, %get3A_13] : memref<2x10240x128xf32, #tpu.memory_space<vmem>>, vector<1x10000x128xf32>
    %get3A_15 = vector.shape_cast %get3A_14 : vector<1x10000x128xf32> to vector<10000x128xf32>
    %get3A_16 = arith.constant 1 : index
    %get3A_17 = arith.constant 0 : index
    %get3A_18 = arith.constant 0 : index
    %get3A_19 = vector.load %arg0[%get3A_16, %get3A_17, %get3A_18] : memref<2x10240x128xf32, #tpu.memory_space<vmem>>, vector<1x10000x128xf32>
    %get3A_20 = vector.shape_cast %get3A_19 : vector<1x10000x128xf32> to vector<10000x128xf32>
    %add3A_21 = arith.addf %get3A_15, %get3A_20 : vector<10000x128xf32>
    %broadcast_in_dim3A_22 = vector.shape_cast %select_n3A : vector<10000xf32> to vector<10000x1xf32>
    %mul3A = vector.broadcast %broadcast_in_dim3A_22 : vector<10000x1xf32> to vector<10000x128xf32>
    %mul3A_23 = arith.mulf %add3A_21, %mul3A : vector<10000x128xf32>
    %mul3A_24 = arith.constant 5.000000e-01 : f32
    %mul3A_25 = vector.broadcast %mul3A_24 : f32 to vector<10000x128xf32>
    %mul3A_26 = arith.mulf %mul3A_25, %mul3A_23 : vector<10000x128xf32>
    %get3A_27 = arith.constant 0 : index
    %get3A_28 = arith.constant 0 : index
    %get3A_29 = vector.load %arg1[%get3A_27, %get3A_28] : memref<10000x128xf32, #tpu.memory_space<vmem>>, vector<10000x128xf32>
    %mul3A_30 = arith.constant 5.000000e-01 : f32
    %mul3A_31 = vector.broadcast %mul3A_30 : f32 to vector<10000x128xf32>
    %mul3A_32 = arith.mulf %mul3A_31, %get3A_29 : vector<10000x128xf32>
    %add3A_33 = arith.addf %mul3A_26, %mul3A_32 : vector<10000x128xf32>
    %mul3A_34 = arith.constant 0.594534874 : f32
    %mul3A_35 = vector.broadcast %mul3A_34 : f32 to vector<10000x128xf32>
    %mul3A_36 = arith.mulf %mul3A_35, %add3A_33 : vector<10000x128xf32>
    %get3A_37 = arith.constant 0 : index
    %get3A_38 = arith.constant 0 : index
    %get3A_39 = vector.load %arg3[%get3A_37, %get3A_38] : memref<128x128xf32, #tpu.memory_space<vmem>>, vector<128x128xf32>
    %dot_general3A = arith.constant dense<0.000000e+00> : vector<10000x128xf32>
    %dot_general3A_40 = tpu.matmul %add3A_33, %get3A_39, %dot_general3A {dimension_numbers = #tpu.dot_dimension_numbers<[1], [0], [0], [1], [0, 0, 1, 1], [], []>, transpose_lhs_hint = false} : vector<10000x128xf32>, vector<128x128xf32>, vector<10000x128xf32> -> vector<10000x128xf32>
    %mul3A_41 = arith.constant 0.405465096 : f32
    %mul3A_42 = vector.broadcast %mul3A_41 : f32 to vector<10000x128xf32>
    %mul3A_43 = arith.mulf %mul3A_42, %dot_general3A_40 : vector<10000x128xf32>
    %add3A_44 = arith.addf %mul3A_36, %mul3A_43 : vector<10000x128xf32>
    %get3A_45 = arith.constant 0 : index
    %get3A_46 = vector.load %arg4[%get3A_45] : memref<128xf32, #tpu.memory_space<vmem>>, vector<128xf32>
    %broadcast_in_dim3A_47 = vector.shape_cast %get3A_46 : vector<128xf32> to vector<1x128xf32>
    %add3A_48 = vector.broadcast %broadcast_in_dim3A_47 : vector<1x128xf32> to vector<10000x128xf32>
    %add3A_49 = arith.addf %add3A_44, %add3A_48 : vector<10000x128xf32>
    %reduce_sum3A = arith.constant dense<0.000000e+00> : vector<128xf32>
    %reduce_sum3A_50 = vector.multi_reduction <add>, %add3A_49, %reduce_sum3A [0] : vector<10000x128xf32> to vector<128xf32>
    %div3A = arith.constant 1.000000e+04 : f32
    %div3A_51 = vector.broadcast %div3A : f32 to vector<128xf32>
    %div3A_52 = arith.divf %reduce_sum3A_50, %div3A_51 : vector<128xf32>
    %broadcast_in_dim3A_53 = vector.shape_cast %div3A_52 : vector<128xf32> to vector<1x128xf32>
    %sub3A = vector.broadcast %broadcast_in_dim3A_53 : vector<1x128xf32> to vector<10000x128xf32>
    %sub3A_54 = arith.subf %add3A_49, %sub3A : vector<10000x128xf32>
    %integer_pow3A = arith.mulf %sub3A_54, %sub3A_54 : vector<10000x128xf32>
    %reduce_sum3A_55 = arith.constant dense<0.000000e+00> : vector<128xf32>
    %reduce_sum3A_56 = vector.multi_reduction <add>, %integer_pow3A, %reduce_sum3A_55 [0] : vector<10000x128xf32> to vector<128xf32>
    %div3A_57 = arith.constant 1.000000e+04 : f32
    %div3A_58 = vector.broadcast %div3A_57 : f32 to vector<128xf32>
    %div3A_59 = arith.divf %reduce_sum3A_56, %div3A_58 : vector<128xf32>
    %broadcast_in_dim3A_60 = vector.shape_cast %div3A_52 : vector<128xf32> to vector<1x128xf32>
    %sub3A_61 = vector.broadcast %broadcast_in_dim3A_60 : vector<1x128xf32> to vector<10000x128xf32>
    %sub3A_62 = arith.subf %add3A_49, %sub3A_61 : vector<10000x128xf32>
    %add3A_63 = arith.constant 9.99999974E-6 : f32
    %add3A_64 = vector.broadcast %add3A_63 : f32 to vector<128xf32>
    %add3A_65 = arith.addf %div3A_59, %add3A_64 : vector<128xf32>
    %sqrt3A = math.sqrt %add3A_65 : vector<128xf32>
    %broadcast_in_dim3A_66 = vector.shape_cast %sqrt3A : vector<128xf32> to vector<1x128xf32>
    %div3A_67 = vector.broadcast %broadcast_in_dim3A_66 : vector<1x128xf32> to vector<10000x128xf32>
    %div3A_68 = arith.divf %sub3A_62, %div3A_67 : vector<10000x128xf32>
    %get3A_69 = arith.constant 0 : index
    %get3A_70 = vector.load %arg5[%get3A_69] : memref<128xf32, #tpu.memory_space<vmem>>, vector<128xf32>
    %broadcast_in_dim3A_71 = vector.shape_cast %get3A_70 : vector<128xf32> to vector<1x128xf32>
    %mul3A_72 = vector.broadcast %broadcast_in_dim3A_71 : vector<1x128xf32> to vector<10000x128xf32>
    %mul3A_73 = arith.mulf %div3A_68, %mul3A_72 : vector<10000x128xf32>
    %get3A_74 = arith.constant 0 : index
    %get3A_75 = vector.load %arg6[%get3A_74] : memref<128xf32, #tpu.memory_space<vmem>>, vector<128xf32>
    %broadcast_in_dim3A_76 = vector.shape_cast %get3A_75 : vector<128xf32> to vector<1x128xf32>
    %add3A_77 = vector.broadcast %broadcast_in_dim3A_76 : vector<1x128xf32> to vector<10000x128xf32>
    %add3A_78 = arith.addf %mul3A_73, %add3A_77 : vector<10000x128xf32>
    %ge3A = arith.constant 0.000000e+00 : f32
    %ge3A_79 = vector.broadcast %ge3A : f32 to vector<10000x128xf32>
    %ge3A_80 = arith.cmpf oge, %add3A_78, %ge3A_79 : vector<10000x128xf32>
    %mul3A_81 = arith.constant 0.00999999977 : f32
    %mul3A_82 = vector.broadcast %mul3A_81 : f32 to vector<10000x128xf32>
    %mul3A_83 = arith.mulf %mul3A_82, %add3A_78 : vector<10000x128xf32>
    %select_n3A_84 = arith.select %ge3A_80, %add3A_78, %mul3A_83 : vector<10000x128xi1>, vector<10000x128xf32>
    %reduce_sum3A_85 = arith.constant dense<0.000000e+00> : vector<128xf32>
    %reduce_sum3A_86 = vector.multi_reduction <add>, %select_n3A_84, %reduce_sum3A_85 [0] : vector<10000x128xf32> to vector<128xf32>
    %broadcast_in_dim3A_87 = vector.shape_cast %reduce_sum3A_86 : vector<128xf32> to vector<1x128xf32>
    %get3A_88 = arith.constant 0 : index
    %get3A_89 = arith.constant 0 : index
    %get3A_90 = vector.load %arg7[%get3A_88, %get3A_89] : memref<128x10xf32, #tpu.memory_space<vmem>>, vector<128x10xf32>
    %dot_general3A_91 = arith.constant dense<0.000000e+00> : vector<1x10xf32>
    %dot_general3A_92 = tpu.matmul %broadcast_in_dim3A_87, %get3A_90, %dot_general3A_91 {dimension_numbers = #tpu.dot_dimension_numbers<[1], [0], [0], [1], [0, 0, 1, 1], [], []>, transpose_lhs_hint = false} : vector<1x128xf32>, vector<128x10xf32>, vector<1x10xf32> -> vector<1x10xf32>
    %get3A_93 = arith.constant 0 : index
    %get3A_94 = vector.load %arg8[%get3A_93] : memref<10xf32, #tpu.memory_space<vmem>>, vector<10xf32>
    %broadcast_in_dim3A_95 = vector.shape_cast %get3A_94 : vector<10xf32> to vector<1x10xf32>
    %add3A_96 = arith.addf %dot_general3A_92, %broadcast_in_dim3A_95 : vector<1x10xf32>
    %ge3A_97 = arith.constant 0.000000e+00 : f32
    %ge3A_98 = vector.broadcast %ge3A_97 : f32 to vector<1x10xf32>
    %ge3A_99 = arith.cmpf oge, %add3A_96, %ge3A_98 : vector<1x10xf32>
    %mul3A_100 = arith.constant 0.00999999977 : f32
    %mul3A_101 = vector.broadcast %mul3A_100 : f32 to vector<1x10xf32>
    %mul3A_102 = arith.mulf %mul3A_101, %add3A_96 : vector<1x10xf32>
    %select_n3A_103 = arith.select %ge3A_99, %add3A_96, %mul3A_102 : vector<1x10xi1>, vector<1x10xf32>
    %get3A_104 = arith.constant 0 : index
    %get3A_105 = arith.constant 0 : index
    %get3A_106 = vector.load %arg9[%get3A_104, %get3A_105] : memref<10x2xf32, #tpu.memory_space<vmem>>, vector<10x2xf32>
    %dot_general3A_107 = arith.constant dense<0.000000e+00> : vector<1x2xf32>
    %dot_general3A_108 = tpu.matmul %select_n3A_103, %get3A_106, %dot_general3A_107 {dimension_numbers = #tpu.dot_dimension_numbers<[1], [0], [0], [1], [0, 0, 1, 1], [], []>, transpose_lhs_hint = false} : vector<1x10xf32>, vector<10x2xf32>, vector<1x2xf32> -> vector<1x2xf32>
    %get3A_109 = arith.constant 0 : index
    %get3A_110 = vector.load %arg10[%get3A_109] : memref<2xf32, #tpu.memory_space<vmem>>, vector<2xf32>
    %broadcast_in_dim3A_111 = vector.shape_cast %get3A_110 : vector<2xf32> to vector<1x2xf32>
    %add3A_112 = arith.addf %dot_general3A_108, %broadcast_in_dim3A_111 : vector<1x2xf32>
    %swap3A = arith.constant 0 : index
    %swap3A_113 = arith.constant 0 : index
    %swap3A_114 = vector.load %arg11[%swap3A, %swap3A_113] : memref<1x2xf32, #tpu.memory_space<vmem>>, vector<1x2xf32>
    tpu.vector_store %arg11[%swap3A, %swap3A_113], %add3A_112 {strides = array<i32>} : memref<1x2xf32, #tpu.memory_space<vmem>>, vector<1x2xf32>,
    return
  }
}

</mosaic_0001>

<sc_bundles>
// kernel: kernel.12.cloned.1.call-start
scs
__scs_entry_jumppad:
0x0: {  	(pc) =	sbr.rel $0x88, $3  }
0x1: {  	(tag) =	ssettag $0x0;
	lr =	simm.s32 $0x1  }
0x2: {  	[smem:$0x3F95] =	sst lr;
	_ =	strace $0xD0000000  }
0x3: {  	_ = 	snop  }
0x4: {  	_ = 	snop  }
0x5: {  	_ = 	snop  }
0x6: {  	_ = 	snop  }
0x7: {  	_ = 	snop  }
__scs_overlays_trampoline_lowered:
0x8: {  	[smem:$0x3FA4] =	sst s0  }
0x9: {  	[smem:$0x3FA5] =	sst s1  }
0xa: {  	[smem:$0x3FA6] =	sst s2  }
0xb: {  	[smem:$0x3FA7] =	sst s3  }
0xc: {  	[smem:$0x3FA8] =	sst s4  }
0xd: {  	[smem:$0x3FA9] =	sst s5  }
0xe: {  	[smem:$0x3FAA] =	sst s6  }
0xf: {  	[smem:$0x3FAB] =	sst s7  }
0x10: {  	[smem:$0x3FAC] =	sst s8  }
0x11: {  	[smem:$0x3FAD] =	sst s9;
	s0 =	simm.s32 @!p0 $0x0  }
0x12: {  	s1 =	sld [smem:$0x3F93];
	s0 =	simm.s32 @p0 $0x1  }
0x13: {  	[smem:$0x3FAE] =	sst s0;
	s0 =	simm.s32 @!p1 $0x0  }
0x14: {  	s2 =	sld [smem:$0x3F92];
	s0 =	simm.s32 @p1 $0x1  }
0x15: {  	[smem:$0x3FAF] =	sst s0;
	s0 =	simm.s32 @!p2 $0x0  }
0x16: {  	s3 =	sld [smem:$0x3FDB];
	s0 =	simm.s32 @p2 $0x1  }
0x17: {  	s4 =	simm.s32 $0x1BF5;
	[smem:$0x3FB1] =	sst s0  }
0x18: {  	s0 =	sld [smem:$0x3F94];
	_ =	swait.ge [sflag:s4], $0x0  }
0x19: {  	s7 =	sld [smem:$0x3F95]  }
0x1a: {  	s8 =	sadd.s32 $0xFFFFE003, lr  }
0x1b: {  	s9 =	sadd.s32 $0xFFFFFEF7, lr;
	s5 =	simm.s32 $0xFFFFFFFF;
	p2 =	slt.u32 s8, $0xFFFFF086  }
0x1c: {  	p1 =	slt.u32 s9, $0xF7A;
	s5 =	simm.s32 @!p2 $0x0  }
0x1d: {  	s5 =	simm.s32 @p1 $0x1;
	p0 =	seq.s32 s7, s2  }
0x1e: {  	s7 =	smul.u32 @!p0 $0xF7A, s2;
	p2 =	seq.s32 @!p0 s5, $0x0  }
0x1f: {  	s9 =	smul.u32 $0xF7A, s1;
	s8 =	simm.s32 @!p0 $0x1BF5;
	p2 =	por !p2, p0  }
0x20: {  	[sflag:s8] =	ssyncset.s32 @!p0 $0xFFFFF086;
	s6 =	sadd.s32 @!p0 s3, s7;
	s7 =	simm.s32 @!p0 $0x108  }
0x21: {  	s3 =	sadd.s32 s3, s9;
	s6 =	sadd.s32 @!p0 $0x88, s6;
	s7 =	simm.s32 @p2 $0x1082  }
0x22: {  	[simem:s7], [sflag:s8] =	dma.local @!p0 [hbm:s6], $0xF7A  }
0x23: {  	s9 =	sor.u32 $0xD0000000, s2;
	s6 =	simm.s32 $0x108;
	_ =	swait.ge @!p0 [sflag:s8], $0x0  }
0x24: {  	s3 =	sadd.s32 $0x88, s3;
	s6 =	simm.s32 @!p1 $0x1082;
	[sflag:s4] =	ssyncset.s32 $0xFFFFF086  }
0x25: {  	[simem:s6], [sflag:s4] =	dma.local [hbm:s3], $0xF7A  }
0x26: {  	[smem:$0x3F95] =	sst s1;
	(tag) =	ssettag s2;
	_ =	strace s9  }
0x27: {  	s1 =	sld [smem:$0x3FA5]  }
0x28: {  	s2 =	sld [smem:$0x3FA6]  }
0x29: {  	s4 =	sld [smem:$0x3FA8]  }
0x2a: {  	p0 =	seq.s32 s5, $0x0;
	s5 =	sld [smem:$0x3FA9]  }
0x2b: {  	s6 =	sld [smem:$0x3FAA]  }
0x2c: {  	s7 =	sld [smem:$0x3FAB]  }
0x2d: {  	s3 =	simm.s32 $0x108;
	s8 =	sld [smem:$0x3FAC]  }
0x2e: {  	s3 =	simm.s32 @!p0 $0x1082;
	s9 =	sld [smem:$0x3FAD]  }
0x2f: {  	lr =	sadd.s32 s0, s3;
	s0 =	sld [smem:$0x3FA4]  }
0x30: {  	s3 =	sld [smem:$0x3FA7]  }
0x31: {  	[smem:$0x3FB0] =	sst s10  }
0x32: {  	s10 =	sld [smem:$0x3FAE];
	_ =	sdelay $0x3  }
0x33: {  	p0 =	seq.s32 s10, $0x1;
	s10 =	sld [smem:$0x3FB0];
	_ =	sdelay $0x3  }
0x34: {  	[smem:$0x3FB0] =	sst s10  }
0x35: {  	s10 =	sld [smem:$0x3FAF];
	_ =	sdelay $0x3  }
0x36: {  	p1 =	seq.s32 s10, $0x1;
	s10 =	sld [smem:$0x3FB0];
	_ =	sdelay $0x3  }
0x37: {  	[smem:$0x3FB0] =	sst s10  }
0x38: {  	s10 =	sld [smem:$0x3FB1]  }
0x39: {  	_ = 	snop;
	(pc) =	sbr.ind lr, $3  }
0x3a: {  	_ = 	snop  }
0x3b: {  	_ = 	snop  }
0x3c: {  	p2 =	seq.s32 s10, $0x1;
	s10 =	sld [smem:$0x3FB0]  }
0x3d: {  	_ =	shalt  }
0x3e: {  	_ =	shalt  }
0x3f: {  	_ =	shalt  }
0x40: {  	_ =	shalt  }
0x41: {  	_ =	shalt  }
0x42: {  	_ =	shalt  }
0x43: {  	_ =	shalt  }
0x44: {  	_ =	shalt  }
0x45: {  	_ =	shalt  }
0x46: {  	_ =	shalt  }
0x47: {  	_ =	shalt  }
0x48: {  	_ =	shalt  }
0x49: {  	_ =	shalt  }
0x4a: {  	_ =	shalt  }
0x4b: {  	_ =	shalt  }
0x4c: {  	_ =	shalt  }
0x4d: {  	_ =	shalt  }
0x4e: {  	_ =	shalt  }
0x4f: {  	_ =	shalt  }
0x50: {  	_ =	shalt  }
0x51: {  	_ =	shalt  }
0x52: {  	_ =	shalt  }
0x53: {  	_ =	shalt  }
0x54: {  	_ =	shalt  }
0x55: {  	_ =	shalt  }
0x56: {  	_ =	shalt  }
0x57: {  	_ =	shalt  }
0x58: {  	_ =	shalt  }
0x59: {  	_ =	shalt  }
0x5a: {  	_ =	shalt  }
0x5b: {  	_ =	shalt  }
0x5c: {  	_ =	shalt  }
0x5d: {  	_ =	shalt  }
0x5e: {  	_ =	shalt  }
0x5f: {  	_ =	shalt  }
0x60: {  	_ =	shalt  }
0x61: {  	_ =	shalt  }
0x62: {  	_ =	shalt  }
0x63: {  	_ =	shalt  }
0x64: {  	_ =	shalt  }
0x65: {  	_ =	shalt  }
0x66: {  	_ =	shalt  }
0x67: {  	_ =	shalt  }
0x68: {  	_ =	shalt  }
0x69: {  	_ =	shalt  }
0x6a: {  	_ =	shalt  }
0x6b: {  	_ =	shalt  }
0x6c: {  	_ =	shalt  }
0x6d: {  	_ =	shalt  }
0x6e: {  	_ =	shalt  }
0x6f: {  	_ =	shalt  }
0x70: {  	_ =	shalt  }
0x71: {  	_ =	shalt  }
0x72: {  	_ =	shalt  }
0x73: {  	_ =	shalt  }
0x74: {  	_ =	shalt  }
0x75: {  	_ =	shalt  }
0x76: {  	_ =	shalt  }
0x77: {  	_ =	shalt  }
0x78: {  	_ =	shalt  }
0x79: {  	_ =	shalt  }
0x7a: {  	_ =	shalt  }
0x7b: {  	_ =	shalt  }
0x7c: {  	_ =	shalt  }
0x7d: {  	_ =	shalt  }
0x7e: {  	_ =	shalt  }
0x7f: {  	_ =	shalt  }
0x80: {  	_ =	shalt  }
0x81: {  	_ =	shalt  }
0x82: {  	_ =	shalt  }
0x83: {  	_ =	shalt  }
0x84: {  	_ =	shalt  }
0x85: {  	_ =	shalt  }
0x86: {  	_ =	shalt  }
0x87: {  	_ =	shalt  }
.Lfunc_end0:
.L_simem_size_0:
called_computation.1_lowered:
.L_overlay_start_0:
0x88: {  	s2 =	sld [smem:$0x3FD9]  }
0x89: {  	s3 =	sld [smem:$0x3FFE];
	_ =	sdelay $0x1  }
0x8a: {  	s1 =	srdreg.scid  }
0x8b: {  	s0 =	sand.u32 $0x1, s1  }
0x8c: {  	s16 =	sshll.u32 s0, $0xA;
	s2 =	sadd.s32 s3, s2  }
0x8d: {  	s2 =	sadd.s32 s2, s16  }
0x8e: {  	[smem:$0x3FBC] =	sst s2  }
0x8f: {  	_ = 	snop  }
0x90: {  	(tm) =	ssettm $0x1  }
0x91: {  	s17 =	sld [smem:$0x3FFB];
	_ =	sdelay $0x3  }
0x92: {  	_ =	strace s17  }
0x93: {  	s2 =	sld [smem:$0x3FFC];
	_ =	sdelay $0x3  }
0x94: {  	_ =	strace s2  }
0x95: {  	s2 =	sld [smem:$0x3FFD];
	_ =	sdelay $0x3  }
0x96: {  	_ =	strace s2  }
0x97: {  	_ =	strace $0x8FFFFFFF  }
0x98: {  	s18 =	sld [smem:$0x3FDB];
	_ =	sdelay $0x1  }
0x99: {  	s19 =	simm.s32 $_scs_section_size  }
0x9a: {  	s4 =	simm.s32 $_size__tile_overlayer_lowered;
	s5 =	simm.s32 $_tile_overlayer_lowered  }
0x9b: {  	s22 =	simm.s32 $0x1BFF;
	s21 =	sshll.u32 s5, $0x1;
	s2 =	sadd.s32 s19, s18  }
0x9c: {  	s6 =	simm.s32 $0x0;
	s20 =	sshll.u32 s4, $0x1;
	s4 =	sadd.s32 s21, s2  }
0x9d: {  	[timem:s6], [sflag:s22] =	dma.local [hbm:s4], s20  }
0x9e: {  	_ =	swait.ge [sflag:s22], s20  }
0x9f: {  	s3 =	ssub.s32 $0x0, s20;
	[sflag:s22] =	ssyncset.done $0x0  }
0xa0: {  	[sflag:s22] =	ssyncadd.s32 s3;
	_ =	sdelay $0x1  }
0xa1: {  	s23 =	simm.s32 $0x1B8B  }
0xa2: {  	_ =	swait.ge [sflag:s23], $0x1  }
0xa3: {  	[sflag:s23] =	ssyncset.done $0x0  }
0xa4: {  	s25 =	simm.s32 $0x1B8E;
	s24 =	sld [smem:$0x3FFE];
	[sflag:s23] =	ssyncadd.s32 $0xFFFFFFFF  }
0xa5: {  	s26 =	simm.s32 $execute0_lowered;
	[smem:$0x3FD2] =	sst s25  }
0xa6: {  	s4 =	sshll.u32 s26, $0x1;
	_ =	strace $0x80000049;
	[dreg:$0x1] =	wrdreg $0xFFFFFFFF  }
0xa7: {  	s28 =	simm.s32 $_size_execute0_lowered;
	s2 =	sadd.s32 s2, s4;
	[dreg:$0x0] =	wrdreg $0x0  }
0xa8: {  	s4 =	sshll.u32 s28, $0x1;
	[dreg:$0x2] =	wrdreg s2  }
0xa9: {  	[dreg:$0x3] =	wrdreg s4  }
0xaa: {  	[dreg:$0x4] =	wrdreg $0xC0  }
0xab: {  	_ =	task [dreg:s6], $0x5FFFF  }
0xac: {  	[dreg:$0x1] =	wrdreg $0xFFFFFFFF  }
0xad: {  	[dreg:$0x0] =	wrdreg $0x60  }
0xae: {  	[dreg:$0x2] =	wrdreg s24  }
0xaf: {  	[dreg:$0x3] =	wrdreg $0xA8100  }
0xb0: {  	[dreg:$0x4] =	wrdreg $0x9  }
0xb1: {  	_ =	task.clear_ibuf [dreg:s6], $0x5FFFF;
	_ =	strace $0x90000049  }
0xb2: {  	s29 =	simm.s32 $0x9;
	_ =	strace $0x8000004B  }
0xb3: {  	_ =	swait.ge [sflag:s29], $0x1  }
0xb4: {  	[sflag:s29] =	ssyncadd.s32 $0xFFFFFFFF  }
0xb5: {  	_ =	strace $0x9000004B  }
0xb6: {  	_ =	sfence  }
0xb7: {  	s30 =	sld [smem:$0x0];
	_ =	sdelay $0x2  }
0xb8: {  	s31 =	sshll.u32 s1, $0xD;
	s1 =	sshrl.u32 s1, $0x2  }
0xb9: {  	s3 =	sand.u32 $0x4000, s31;
	s1 =	sadd.s32 s1, s30  }
0xba: {  	s0 =	sor.u32 s3, s0;
	s1 =	sshll.u32 s1, $0x11  }
0xbb: {  	s0 =	sor.u32 s1, s0  }
0xbc: {  	s0 =	sadd.s32 $0x8F2B, s0  }
0xbd: {  	[sflag:s0] =	ssyncadd.remote.s32 $0x1  }
0xbe: {  	_ =	sfence.sel $0xFFFF  }
0xbf: {  	[dreg:$0x0] =	wrdreg $0xFFFFFFFF;
	(pc) =	sbr.abs _section_cstart, $3  }
0xc0: {  	[dreg:$0x1] =	wrdreg $0xFFFFFFFF  }
0xc1: {  	_ =	task.clear_ibuf [dreg:s6], $0x2FFFF;
	_ =	strace $0x9FFFFFFF  }
0xc2: {  	(tm) =	ssettm $0x7FFFFFFF  }
0xc3: {  	_ =	shalt  }
tec
execute0_lowered:
.L_overlay_start_1:
0x0: {  	(tag) =	ssettag $0x1  }
0x1: {  	s0 =	srdreg.scid;
	s6 =	rddreg [dreg:$0x0]  }
0x2: {  	s2 =	rddreg [dreg:$0x1];
	s1 =	stileid.u32  }
0x3: {  	s3 =	simm.s32 $0x0;
	s17 =	simm.s32 $0x5;
	s18 =	simm.s32 $0x80  }
0x4: {  	s19 =	simm.s32 $0x2810;
	s20 =	simm.s32 $0x2710;
	s21 =	simm.s32 $0x6810  }
0x5: {  	s22 =	simm.s32 $0x2790;
	s23 =	simm.s32 $0x1;
	s24 =	simm.s32 $0x3  }
0x6: {  	s25 =	simm.s32 $0x2;
	s28 =	simm.s32 $0x0;
	s7 =	smul.u32 $0x14000, s1  }
0x7: {  	s0 =	sand.u32 $0x1, s0;
	[smem:$0x7FF] =	sst s3;
	s26 =	smul.u32 $0x2710, s1  }
0x8: {  	s30 =	sshll.u32 s1, $0x6;
	s4 =	sshll.u32 s0, $0x4;
	s9 =	smul.u32 $0x140000, s0  }
0x9: {  	_ =	strace $0x8000004A;
	s12 =	ssub.s32 $0x2, s0;
	s0 =	smul.u32 $0x27100, s0  }
0xa: {  	s4 =	sor.u32 s1, s4;
	s11 =	sshrl.u32 s7, $0x3;
	s13 =	sshrl.u32 s12, $0x1  }
0xb: {  	s16 =	sadd.s32 s7, s2;
	s5 =	smul.u32 $0x2710, s4;
	s4 =	sadd.s32 $0x16E00, s6  }
0xc: {  	s11 =	sadd.s32 s11, s6;
	s9 =	sadd.s32 s7, s9;
	s13 =	ssub.s32 s12, s13  }
0xd: {  	s7 =	sor.u32 $0x1C05, s30;
	s0 =	sadd.s32 s26, s0;
	s16 =	sshrl.u32 s16, $0x3  }
0xe: {  	s26 =	simm.s32 $0x4;
	s9 =	sshrl.u32 s9, $0x3;
	s29 =	sadd.s32 $0x3E000, s11  }
0xf: {  	s15 =	sadd.s32 $0x180, s0;
	s13 =	smax.u32 s13, $0x1;
	s8 =	sshrl.u32 s5, $0x3  }
0x10: {  	s5 =	sadd.s32 $0x3200, s6;
	s14 =	sadd.s32 s9, s6;
	[dreg:$0x3] =	wrdreg s29  }
0x11: {  	s31 =	sshrl.u32 s15, $0x3;
	s15 =	sadd.s32 $0x100, s0;
	s10 =	sadd.s32 s8, s6  }
0x12: {  	s8 =	sadd.s32 s5, s8;
	s12 =	sadd.s32 $0x66000, s14;
	s14 =	sadd.s32 s31, s5  }
0x13: {  	vm0 =	vmmov $0xffff;
	s9 =	sadd.s32 $0xD000, s10;
	s10 =	sadd.s32 $0x10, s8;
	s11 =	sadd.s32 $0x4E0, s8  }
.LBB2_1:
0x14: {  	s0 =	rddreg [dreg:$0x3]  }
0x15: {  	[spmem:s16], [sflag:s7] =	dma.local [hbm:s0], $0x2800  }
0x16: {  	_ =	swait.ge [sflag:s17], $0x2800  }
0x17: {  	[sflag:s17] =	ssyncset.done $0x0  }
0x18: {  	[sflag:s17] =	ssyncadd.s32 $0xFFFFD800  }
0x19: {  	[tilespmem:s3], [sflag:$0x5] =	stream.linear.gather [hbm4b:s9+s3], $0x2710, $0x38;
	[tilespmem:$0x1E810] =	vst v63  }
0x1a: {  	_ =	swait.ge [sflag:s17], $0x2710  }
0x1b: {  	[sflag:s17] =	ssyncset.done $0x0  }
0x1c: {  	[sflag:s17] =	ssyncadd.s32 $0xFFFFD8F0  }
0x1d: {  	[bflag:$0x0] =	sbarrier.arrive $0xFFFF  }
0x1e: {  	[tilespmem:s19], [sflag:$0x1] =	stream.indirect.gather [hbm4b:s4+s18], $0x80, s3, s18, $0xb8;
	[tilespmem:$0x1E810] =	vst v63  }
0x1f: {  	_ = 	snop  }
0x20: {  	[tilespmem:s20], [sflag:$0x3] =	stream.linear.gather [hbm4b:s8+s3], $0x80, $0x38;
	[tilespmem:$0x1E810] =	vst v63  }
0x21: {  	_ = 	snop  }
0x22: {  	[tilespmem:s21], [sflag:$0x2] =	stream.indirect.gather [hbm4b:s4+s18], $0x80, s18, s18, $0xb8;
	[tilespmem:$0x1E810] =	vst v63  }
0x23: {  	_ = 	snop  }
0x24: {  	[tilespmem:s22], [sflag:$0x4] =	stream.linear.gather [hbm4b:s10+s3], $0x80, $0x38;
	[tilespmem:$0x1E810] =	vst v63  }
0x25: {  	_ =	swait.ge [sflag:s23], $0x4000  }
0x26: {  	[sflag:s23] =	ssyncset.done $0x0  }
0x27: {  	[sflag:s23] =	ssyncadd.s32 $0xFFFFC000  }
0x28: {  	_ =	swait.ge [sflag:s24], $0x80  }
0x29: {  	[sflag:s24] =	ssyncset.done $0x0  }
0x2a: {  	[sflag:s24] =	ssyncadd.s32 $0xFFFFFF80  }
0x2b: {  	[spmem:s2] =	stream.indirect.scatter.add.f32 [tilespmem:s19], [sflag:$0x5], $0x80, s20, s18, $0xb8;
	[tilespmem:$0x1E810] =	vst v63  }
0x2c: {  	_ =	swait.ge [sflag:s17], $0x4000  }
0x2d: {  	[sflag:s17] =	ssyncset.done $0x0  }
0x2e: {  	s6 =	simm.s32 $0x100;
	s29 =	sshrl.u32 s15, $0x3;
	[sflag:s17] =	ssyncadd.s32 $0xFFFFC000  }
0x2f: {  	[tilespmem:s19], [sflag:$0x1] =	stream.indirect.gather [hbm4b:s4+s18], $0x80, s6, s18, $0xb8;
	[tilespmem:$0x1E810] =	vst v63  }
0x30: {  	s1 =	sadd.s32 s5, s29  }
0x31: {  	[tilespmem:s20], [sflag:$0x3] =	stream.linear.gather [hbm4b:s1+s3], $0x80, $0x38;
	[tilespmem:$0x1E810] =	vst v63  }
0x32: {  	_ =	swait.ge [sflag:s25], $0x4000  }
0x33: {  	[sflag:s25] =	ssyncset.done $0x0  }
0x34: {  	[sflag:s25] =	ssyncadd.s32 $0xFFFFC000  }
0x35: {  	_ =	swait.ge [sflag:s26], $0x80  }
0x36: {  	[sflag:s26] =	ssyncset.done $0x0  }
0x37: {  	[sflag:s26] =	ssyncadd.s32 $0xFFFFFF80  }
0x38: {  	[spmem:s2] =	stream.indirect.scatter.add.f32 [tilespmem:s21], [sflag:$0x5], $0x80, s22, s18, $0xb8;
	[tilespmem:$0x1E810] =	vst v63  }
0x39: {  	s30 =	simm.s32 $0x280;
	_ =	swait.ge [sflag:s17], $0x4000  }
0x3a: {  	s31 =	sadd.s32 $0x100, s15;
	s29 =	simm.s32 $0x20;
	[sflag:s17] =	ssyncset.done $0x0  }
0x3b: {  	s0 =	sadd.s32 $0x0, s14;
	s6 =	simm.s32 $0x180;
	[sflag:s17] =	ssyncadd.s32 $0xFFFFC000  }
0x3c: {  	[tilespmem:s21], [sflag:$0x2] =	stream.indirect.gather [hbm4b:s4+s18], $0x80, s6, s18, $0xb8;
	[tilespmem:$0x1E810] =	vst v63  }
.LBB2_2:
0x3d: {  	[tilespmem:s22], [sflag:$0x4] =	stream.linear.gather [hbm4b:s0+s3], $0x80, $0x38;
	[tilespmem:$0x1E810] =	vst v63  }
0x3e: {  	s0 =	smov.u32 s29  }
0x3f: {  	p0 =	sne.s32 s29, $0x4A0;
	s29 =	sadd.s32 $0x20, s29;
	_ =	swait.ge [sflag:s23], $0x4000  }
0x40: {  	[sflag:s23] =	ssyncset.done $0x0  }
0x41: {  	[sflag:s23] =	ssyncadd.s32 $0xFFFFC000  }
0x42: {  	_ =	swait.ge [sflag:s24], $0x80  }
0x43: {  	[sflag:s24] =	ssyncset.done $0x0  }
0x44: {  	[sflag:s24] =	ssyncadd.s32 $0xFFFFFF80  }
0x45: {  	[spmem:s2] =	stream.indirect.scatter.add.f32 [tilespmem:s19], [sflag:$0x5], $0x80, s20, s18, $0xb8;
	[tilespmem:$0x1E810] =	vst v63  }
0x46: {  	_ =	swait.ge [sflag:s17], $0x4000  }
0x47: {  	[sflag:s17] =	ssyncset.done $0x0  }
0x48: {  	s1 =	sadd.s32 $0xFFFFFF80, s30;
	s6 =	sshrl.u32 s31, $0x3;
	[sflag:s17] =	ssyncadd.s32 $0xFFFFC000  }
0x49: {  	[tilespmem:s19], [sflag:$0x1] =	stream.indirect.gather [hbm4b:s4+s18], $0x80, s1, s18, $0xb8;
	[tilespmem:$0x1E810] =	vst v63  }
0x4a: {  	s1 =	sadd.s32 s5, s6  }
0x4b: {  	[tilespmem:s20], [sflag:$0x3] =	stream.linear.gather [hbm4b:s1+s3], $0x80, $0x38;
	[tilespmem:$0x1E810] =	vst v63  }
0x4c: {  	_ =	swait.ge [sflag:s25], $0x4000  }
0x4d: {  	[sflag:s25] =	ssyncset.done $0x0  }
0x4e: {  	[sflag:s25] =	ssyncadd.s32 $0xFFFFC000  }
0x4f: {  	_ =	swait.ge [sflag:s26], $0x80  }
0x50: {  	[sflag:s26] =	ssyncset.done $0x0  }
0x51: {  	[sflag:s26] =	ssyncadd.s32 $0xFFFFFF80  }
0x52: {  	[spmem:s2] =	stream.indirect.scatter.add.f32 [tilespmem:s21], [sflag:$0x5], $0x80, s22, s18, $0xb8;
	[tilespmem:$0x1E810] =	vst v63  }
.Ltmp0:
0x53: {  	_ =	swait.ge [sflag:s17], $0x4000;
	(pc) =	sbr.rel @p0 .LBB2_2-.Ltmp0, $4  }
0x54: {  	[sflag:s17] =	ssyncset.done $0x0  }
0x55: {  	[sflag:s17] =	ssyncadd.s32 $0xFFFFC000  }
0x56: {  	[tilespmem:s21], [sflag:$0x2] =	stream.indirect.gather [hbm4b:s4+s18], $0x80, s30, s18, $0xb8;
	[tilespmem:$0x1E810] =	vst v63  }
0x57: {  	s31 =	sadd.s32 $0x100, s31;
	s0 =	sadd.s32 s0, s14;
	s30 =	sadd.s32 $0x100, s30  }
0x58: {  	[tilespmem:s22], [sflag:$0x4] =	stream.linear.gather [hbm4b:s0+s3], $0x80, $0x38;
	[tilespmem:$0x1E810] =	vst v63  }
0x59: {  	_ =	swait.ge [sflag:s23], $0x4000  }
0x5a: {  	[sflag:s23] =	ssyncset.done $0x0  }
0x5b: {  	[sflag:s23] =	ssyncadd.s32 $0xFFFFC000  }
0x5c: {  	_ =	swait.ge [sflag:s24], $0x80  }
0x5d: {  	[sflag:s24] =	ssyncset.done $0x0  }
0x5e: {  	[sflag:s24] =	ssyncadd.s32 $0xFFFFFF80  }
0x5f: {  	[spmem:s2] =	stream.indirect.scatter.add.f32 [tilespmem:s19], [sflag:$0x5], $0x80, s20, s18, $0xb8;
	[tilespmem:$0x1E810] =	vst v63  }
0x60: {  	_ =	swait.ge [sflag:s17], $0x4000  }
0x61: {  	[sflag:s17] =	ssyncset.done $0x0  }
0x62: {  	[sflag:s17] =	ssyncadd.s32 $0xFFFFC000  }
0x63: {  	_ =	swait.ge [sflag:s25], $0x4000  }
0x64: {  	[sflag:s25] =	ssyncset.done $0x0  }
0x65: {  	[sflag:s25] =	ssyncadd.s32 $0xFFFFC000  }
0x66: {  	_ =	swait.ge [sflag:s26], $0x80  }
0x67: {  	[sflag:s26] =	ssyncset.done $0x0  }
0x68: {  	[sflag:s26] =	ssyncadd.s32 $0xFFFFFF80  }
0x69: {  	[spmem:s2] =	stream.indirect.scatter.add.f32 [tilespmem:s21], [sflag:$0x5], $0x80, s22, s18, $0xb8;
	[tilespmem:$0x1E810] =	vst v63  }
0x6a: {  	_ =	swait.ge [sflag:s17], $0x4000  }
0x6b: {  	[sflag:s17] =	ssyncset.done $0x0  }
0x6c: {  	[sflag:s17] =	ssyncadd.s32 $0xFFFFC000  }
0x6d: {  	v0 =	vld [tilespmem:$0x2700];
	_ =	sdelay $0x7  }
0x6e: {  	[tilespmem:s21], [sflag:$0x5] =	stream.indirect_vreg.gather [hbm4b:s4+s3], $0x80, v0, vm0, $0xb8;
	[tilespmem:$0x1E810] =	vst v63  }
0x6f: {  	_ =	swait.ge [sflag:s17], $0x800  }
0x70: {  	[sflag:s17] =	ssyncset.done $0x0  }
0x71: {  	[sflag:s17] =	ssyncadd.s32 $0xFFFFF800  }
0x72: {  	[tilespmem:s20], [sflag:$0x5] =	stream.linear.gather [hbm4b:s11+s3], $0x10, $0x38;
	[tilespmem:$0x1E810] =	vst v63  }
0x73: {  	_ =	swait.ge [sflag:s17], $0x10  }
0x74: {  	[sflag:s17] =	ssyncset.done $0x0  }
0x75: {  	[sflag:s17] =	ssyncadd.s32 $0xFFFFFFF0  }
0x76: {  	v63 =	vld [tilespmem:$0x2710];
	_ =	sdelay $0x7  }
0x77: {  	[spmem:s2] =	stream.indirect_vreg.scatter.add.f32 [tilespmem:s21], [sflag:$0x5], $0x80, v63, vm0, $0xb8;
	[tilespmem:$0x1E810] =	vst v63  }
0x78: {  	_ =	swait.ge [sflag:s17], $0x800  }
0x79: {  	s28 =	sadd.s32 $0x1, s28;
	[sflag:s17] =	ssyncset.done $0x0  }
0x7a: {  	p0 =	sne.s32 s28, s13;
	[sflag:s17] =	ssyncadd.s32 $0xFFFFF800  }
.Ltmp1:
0x7b: {  	[bflag:$0x0] =	sbarrier.arrive $0xFFFF;
	(pc) =	sbr.rel @p0 .LBB2_1-.Ltmp1, $4  }
0x7c: {  	[hbm:s12], [sflag:s7] =	dma.local [spmem:s16], $0x2800  }
0x7d: {  	_ =	swait.ge [sflag:s17], $0x2800  }
0x7e: {  	[sflag:s17] =	ssyncset.done $0x0  }
0x7f: {  	[sflag:s17] =	ssyncadd.s32 $0xFFFFD800  }
0x80: {  	_ =	sfence.sel $0x180000  }
0x81: {  	[bflag:$0x0] =	sbarrier.arrive $0xFFFF  }
0x82: {  	_ =	strace $0x9000004A  }
0x83: {  	s0 =	stileid.u32;
	[bflag:$0x2] =	sbarrier.arrive $0xFFFF  }
0x84: {  	p0 =	sne.s32 s0, $0x0;
	s0 =	rddreg [dreg:$0x2]  }
0x85: {  	s0 =	sadd.s32 @!p0 $0x100000, s0  }
0x86: {  	[sflag:s0] =	ssyncadd.tile.s32 @!p0 $0x1;
	_ =	shalt  }
.Lfunc_end2:
_tile_overlayer_lowered:
.L_overlay_start_2:
0x87: {  	(tag) =	ssettag $0x2  }
0x88: {  	s0 =	rddreg [dreg:$0x0];
	s2 =	stileid.u32  }
0x89: {  	s1 =	rddreg [dreg:$0x1];
	p0 =	sne.s32 s2, $0x0  }
0x8a: {  	s3 =	rddreg [dreg:$0x2];
	[bflag:$0x3] =	sbarrier.arrive $0xFFFF;
	s2 =	simm.s32 @!p0 $0x1C05  }
0x8b: {  	[timem:s3], [sflag:s2] =	dma.local @!p0 [hbm:s0], s1  }
0x8c: {  	s0 =	simm.s32 @!p0 $0x5  }
0x8d: {  	_ =	swait.ge @!p0 [sflag:s0], s1  }
0x8e: {  	s1 =	ssub.s32 @!p0 $0x0, s1;
	[sflag:s0] =	ssyncset.done @!p0 $0x0  }
0x8f: {  	[sflag:s0] =	ssyncadd.s32 @!p0 s1  }
0x90: {  	[bflag:$0x3] =	sbarrier.arrive $0xFFFF  }
0x91: {  	_ =	shalt  }

// kernel: kernel.15.cloned.1.call-start
scs
__scs_entry_jumppad:
0x0: {  	(pc) =	sbr.rel $0x88, $3  }
0x1: {  	(tag) =	ssettag $0x0;
	lr =	simm.s32 $0x1  }
0x2: {  	[smem:$0x3F95] =	sst lr;
	_ =	strace $0xD0000000  }
0x3: {  	_ = 	snop  }
0x4: {  	_ = 	snop  }
0x5: {  	_ = 	snop  }
0x6: {  	_ = 	snop  }
0x7: {  	_ = 	snop  }
__scs_overlays_trampoline_lowered:
0x8: {  	[smem:$0x3FA4] =	sst s0  }
0x9: {  	[smem:$0x3FA5] =	sst s1  }
0xa: {  	[smem:$0x3FA6] =	sst s2  }
0xb: {  	[smem:$0x3FA7] =	sst s3  }
0xc: {  	[smem:$0x3FA8] =	sst s4  }
0xd: {  	[smem:$0x3FA9] =	sst s5  }
0xe: {  	[smem:$0x3FAA] =	sst s6  }
0xf: {  	[smem:$0x3FAB] =	sst s7  }
0x10: {  	[smem:$0x3FAC] =	sst s8  }
0x11: {  	[smem:$0x3FAD] =	sst s9;
	s0 =	simm.s32 @!p0 $0x0  }
0x12: {  	s1 =	sld [smem:$0x3F93];
	s0 =	simm.s32 @p0 $0x1  }
0x13: {  	[smem:$0x3FAE] =	sst s0;
	s0 =	simm.s32 @!p1 $0x0  }
0x14: {  	s2 =	sld [smem:$0x3F92];
	s0 =	simm.s32 @p1 $0x1  }
0x15: {  	[smem:$0x3FAF] =	sst s0;
	s0 =	simm.s32 @!p2 $0x0  }
0x16: {  	s3 =	sld [smem:$0x3FDB];
	s0 =	simm.s32 @p2 $0x1  }
0x17: {  	s4 =	simm.s32 $0x1BF5;
	[smem:$0x3FB1] =	sst s0  }
0x18: {  	s0 =	sld [smem:$0x3F94];
	_ =	swait.ge [sflag:s4], $0x0  }
0x19: {  	s7 =	sld [smem:$0x3F95]  }
0x1a: {  	s8 =	sadd.s32 $0xFFFFE003, lr  }
0x1b: {  	s9 =	sadd.s32 $0xFFFFFEF7, lr;
	s5 =	simm.s32 $0xFFFFFFFF;
	p2 =	slt.u32 s8, $0xFFFFF086  }
0x1c: {  	p1 =	slt.u32 s9, $0xF7A;
	s5 =	simm.s32 @!p2 $0x0  }
0x1d: {  	s5 =	simm.s32 @p1 $0x1;
	p0 =	seq.s32 s7, s2  }
0x1e: {  	s7 =	smul.u32 @!p0 $0xF7A, s2;
	p2 =	seq.s32 @!p0 s5, $0x0  }
0x1f: {  	s9 =	smul.u32 $0xF7A, s1;
	s8 =	simm.s32 @!p0 $0x1BF5;
	p2 =	por !p2, p0  }
0x20: {  	[sflag:s8] =	ssyncset.s32 @!p0 $0xFFFFF086;
	s6 =	sadd.s32 @!p0 s3, s7;
	s7 =	simm.s32 @!p0 $0x108  }
0x21: {  	s3 =	sadd.s32 s3, s9;
	s6 =	sadd.s32 @!p0 $0x88, s6;
	s7 =	simm.s32 @p2 $0x1082  }
0x22: {  	[simem:s7], [sflag:s8] =	dma.local @!p0 [hbm:s6], $0xF7A  }
0x23: {  	s9 =	sor.u32 $0xD0000000, s2;
	s6 =	simm.s32 $0x108;
	_ =	swait.ge @!p0 [sflag:s8], $0x0  }
0x24: {  	s3 =	sadd.s32 $0x88, s3;
	s6 =	simm.s32 @!p1 $0x1082;
	[sflag:s4] =	ssyncset.s32 $0xFFFFF086  }
0x25: {  	[simem:s6], [sflag:s4] =	dma.local [hbm:s3], $0xF7A  }
0x26: {  	[smem:$0x3F95] =	sst s1;
	(tag) =	ssettag s2;
	_ =	strace s9  }
0x27: {  	s1 =	sld [smem:$0x3FA5]  }
0x28: {  	s2 =	sld [smem:$0x3FA6]  }
0x29: {  	s4 =	sld [smem:$0x3FA8]  }
0x2a: {  	p0 =	seq.s32 s5, $0x0;
	s5 =	sld [smem:$0x3FA9]  }
0x2b: {  	s6 =	sld [smem:$0x3FAA]  }
0x2c: {  	s7 =	sld [smem:$0x3FAB]  }
0x2d: {  	s3 =	simm.s32 $0x108;
	s8 =	sld [smem:$0x3FAC]  }
0x2e: {  	s3 =	simm.s32 @!p0 $0x1082;
	s9 =	sld [smem:$0x3FAD]  }
0x2f: {  	lr =	sadd.s32 s0, s3;
	s0 =	sld [smem:$0x3FA4]  }
0x30: {  	s3 =	sld [smem:$0x3FA7]  }
0x31: {  	[smem:$0x3FB0] =	sst s10  }
0x32: {  	s10 =	sld [smem:$0x3FAE];
	_ =	sdelay $0x3  }
0x33: {  	p0 =	seq.s32 s10, $0x1;
	s10 =	sld [smem:$0x3FB0];
	_ =	sdelay $0x3  }
0x34: {  	[smem:$0x3FB0] =	sst s10  }
0x35: {  	s10 =	sld [smem:$0x3FAF];
	_ =	sdelay $0x3  }
0x36: {  	p1 =	seq.s32 s10, $0x1;
	s10 =	sld [smem:$0x3FB0];
	_ =	sdelay $0x3  }
0x37: {  	[smem:$0x3FB0] =	sst s10  }
0x38: {  	s10 =	sld [smem:$0x3FB1]  }
0x39: {  	_ = 	snop;
	(pc) =	sbr.ind lr, $3  }
0x3a: {  	_ = 	snop  }
0x3b: {  	_ = 	snop  }
0x3c: {  	p2 =	seq.s32 s10, $0x1;
	s10 =	sld [smem:$0x3FB0]  }
0x3d: {  	_ =	shalt  }
0x3e: {  	_ =	shalt  }
0x3f: {  	_ =	shalt  }
0x40: {  	_ =	shalt  }
0x41: {  	_ =	shalt  }
0x42: {  	_ =	shalt  }
0x43: {  	_ =	shalt  }
0x44: {  	_ =	shalt  }
0x45: {  	_ =	shalt  }
0x46: {  	_ =	shalt  }
0x47: {  	_ =	shalt  }
0x48: {  	_ =	shalt  }
0x49: {  	_ =	shalt  }
0x4a: {  	_ =	shalt  }
0x4b: {  	_ =	shalt  }
0x4c: {  	_ =	shalt  }
0x4d: {  	_ =	shalt  }
0x4e: {  	_ =	shalt  }
0x4f: {  	_ =	shalt  }
0x50: {  	_ =	shalt  }
0x51: {  	_ =	shalt  }
0x52: {  	_ =	shalt  }
0x53: {  	_ =	shalt  }
0x54: {  	_ =	shalt  }
0x55: {  	_ =	shalt  }
0x56: {  	_ =	shalt  }
0x57: {  	_ =	shalt  }
0x58: {  	_ =	shalt  }
0x59: {  	_ =	shalt  }
0x5a: {  	_ =	shalt  }
0x5b: {  	_ =	shalt  }
0x5c: {  	_ =	shalt  }
0x5d: {  	_ =	shalt  }
0x5e: {  	_ =	shalt  }
0x5f: {  	_ =	shalt  }
0x60: {  	_ =	shalt  }
0x61: {  	_ =	shalt  }
0x62: {  	_ =	shalt  }
0x63: {  	_ =	shalt  }
0x64: {  	_ =	shalt  }
0x65: {  	_ =	shalt  }
0x66: {  	_ =	shalt  }
0x67: {  	_ =	shalt  }
0x68: {  	_ =	shalt  }
0x69: {  	_ =	shalt  }
0x6a: {  	_ =	shalt  }
0x6b: {  	_ =	shalt  }
0x6c: {  	_ =	shalt  }
0x6d: {  	_ =	shalt  }
0x6e: {  	_ =	shalt  }
0x6f: {  	_ =	shalt  }
0x70: {  	_ =	shalt  }
0x71: {  	_ =	shalt  }
0x72: {  	_ =	shalt  }
0x73: {  	_ =	shalt  }
0x74: {  	_ =	shalt  }
0x75: {  	_ =	shalt  }
0x76: {  	_ =	shalt  }
0x77: {  	_ =	shalt  }
0x78: {  	_ =	shalt  }
0x79: {  	_ =	shalt  }
0x7a: {  	_ =	shalt  }
0x7b: {  	_ =	shalt  }
0x7c: {  	_ =	shalt  }
0x7d: {  	_ =	shalt  }
0x7e: {  	_ =	shalt  }
0x7f: {  	_ =	shalt  }
0x80: {  	_ =	shalt  }
0x81: {  	_ =	shalt  }
0x82: {  	_ =	shalt  }
0x83: {  	_ =	shalt  }
0x84: {  	_ =	shalt  }
0x85: {  	_ =	shalt  }
0x86: {  	_ =	shalt  }
0x87: {  	_ =	shalt  }
.Lfunc_end0:
.L_simem_size_0:
called_computation.2_lowered:
.L_overlay_start_0:
0x88: {  	s2 =	sld [smem:$0x3FD9]  }
0x89: {  	s3 =	sld [smem:$0x3FFE];
	_ =	sdelay $0x1  }
0x8a: {  	s1 =	srdreg.scid  }
0x8b: {  	s0 =	sand.u32 $0x1, s1  }
0x8c: {  	s16 =	sshll.u32 s0, $0xA;
	s2 =	sadd.s32 s3, s2  }
0x8d: {  	s2 =	sadd.s32 s2, s16  }
0x8e: {  	[smem:$0x3FBC] =	sst s2  }
0x8f: {  	_ = 	snop  }
0x90: {  	(tm) =	ssettm $0x1  }
0x91: {  	s17 =	sld [smem:$0x3FFB];
	_ =	sdelay $0x3  }
0x92: {  	_ =	strace s17  }
0x93: {  	s2 =	sld [smem:$0x3FFC];
	_ =	sdelay $0x3  }
0x94: {  	_ =	strace s2  }
0x95: {  	s2 =	sld [smem:$0x3FFD];
	_ =	sdelay $0x3  }
0x96: {  	_ =	strace s2  }
0x97: {  	_ =	strace $0x8FFFFFFF  }
0x98: {  	s18 =	sld [smem:$0x3FDB];
	_ =	sdelay $0x1  }
0x99: {  	s19 =	simm.s32 $_scs_section_size  }
0x9a: {  	s4 =	simm.s32 $_size__tile_overlayer_lowered;
	s5 =	simm.s32 $_tile_overlayer_lowered  }
0x9b: {  	s22 =	simm.s32 $0x1BFF;
	s21 =	sshll.u32 s5, $0x1;
	s2 =	sadd.s32 s19, s18  }
0x9c: {  	s6 =	simm.s32 $0x0;
	s20 =	sshll.u32 s4, $0x1;
	s4 =	sadd.s32 s21, s2  }
0x9d: {  	[timem:s6], [sflag:s22] =	dma.local [hbm:s4], s20  }
0x9e: {  	_ =	swait.ge [sflag:s22], s20  }
0x9f: {  	s3 =	ssub.s32 $0x0, s20;
	[sflag:s22] =	ssyncset.done $0x0  }
0xa0: {  	[sflag:s22] =	ssyncadd.s32 s3;
	_ =	sdelay $0x1  }
0xa1: {  	s23 =	simm.s32 $0x1B8B  }
0xa2: {  	_ =	swait.ge [sflag:s23], $0x1  }
0xa3: {  	[sflag:s23] =	ssyncset.done $0x0  }
0xa4: {  	s25 =	simm.s32 $0x1B8E;
	s24 =	sld [smem:$0x3FFE];
	[sflag:s23] =	ssyncadd.s32 $0xFFFFFFFF  }
0xa5: {  	s26 =	simm.s32 $execute0_lowered;
	[smem:$0x3FD2] =	sst s25  }
0xa6: {  	s4 =	sshll.u32 s26, $0x1;
	_ =	strace $0x8000004C;
	[dreg:$0x1] =	wrdreg $0xFFFFFFFF  }
0xa7: {  	s28 =	simm.s32 $_size_execute0_lowered;
	s2 =	sadd.s32 s2, s4;
	[dreg:$0x0] =	wrdreg $0x0  }
0xa8: {  	s4 =	sshll.u32 s28, $0x1;
	[dreg:$0x2] =	wrdreg s2  }
0xa9: {  	[dreg:$0x3] =	wrdreg s4  }
0xaa: {  	[dreg:$0x4] =	wrdreg $0xC0  }
0xab: {  	_ =	task [dreg:s6], $0x5FFFF  }
0xac: {  	[dreg:$0x1] =	wrdreg $0xFFFFFFFF  }
0xad: {  	[dreg:$0x0] =	wrdreg $0x60  }
0xae: {  	[dreg:$0x2] =	wrdreg s24  }
0xaf: {  	[dreg:$0x3] =	wrdreg $0xA8100  }
0xb0: {  	[dreg:$0x4] =	wrdreg $0x9  }
0xb1: {  	_ =	task.clear_ibuf [dreg:s6], $0x5FFFF;
	_ =	strace $0x9000004C  }
0xb2: {  	s29 =	simm.s32 $0x9;
	_ =	strace $0x8000004E  }
0xb3: {  	_ =	swait.ge [sflag:s29], $0x1  }
0xb4: {  	[sflag:s29] =	ssyncadd.s32 $0xFFFFFFFF  }
0xb5: {  	_ =	strace $0x9000004E  }
0xb6: {  	_ =	sfence  }
0xb7: {  	s30 =	sld [smem:$0x0];
	_ =	sdelay $0x2  }
0xb8: {  	s31 =	sshll.u32 s1, $0xD;
	s1 =	sshrl.u32 s1, $0x2  }
0xb9: {  	s3 =	sand.u32 $0x4000, s31;
	s1 =	sadd.s32 s1, s30  }
0xba: {  	s0 =	sor.u32 s3, s0;
	s1 =	sshll.u32 s1, $0x11  }
0xbb: {  	s0 =	sor.u32 s1, s0  }
0xbc: {  	s0 =	sadd.s32 $0x8F2B, s0  }
0xbd: {  	[sflag:s0] =	ssyncadd.remote.s32 $0x1  }
0xbe: {  	_ =	sfence.sel $0xFFFF  }
0xbf: {  	[dreg:$0x0] =	wrdreg $0xFFFFFFFF;
	(pc) =	sbr.abs _section_cstart, $3  }
0xc0: {  	[dreg:$0x1] =	wrdreg $0xFFFFFFFF  }
0xc1: {  	_ =	task.clear_ibuf [dreg:s6], $0x2FFFF;
	_ =	strace $0x9FFFFFFF  }
0xc2: {  	(tm) =	ssettm $0x7FFFFFFF  }
0xc3: {  	_ =	shalt  }
tec
execute0_lowered:
.L_overlay_start_1:
0x0: {  	(tag) =	ssettag $0x1  }
0x1: {  	s0 =	srdreg.scid;
	s6 =	rddreg [dreg:$0x0]  }
0x2: {  	s2 =	rddreg [dreg:$0x1];
	s1 =	stileid.u32  }
0x3: {  	s3 =	simm.s32 $0x0;
	s17 =	simm.s32 $0x5;
	s18 =	simm.s32 $0x80  }
0x4: {  	s19 =	simm.s32 $0x2810;
	s20 =	simm.s32 $0x2710;
	s21 =	simm.s32 $0x6810  }
0x5: {  	s22 =	simm.s32 $0x2790;
	s23 =	simm.s32 $0x1;
	s24 =	simm.s32 $0x3  }
0x6: {  	s25 =	simm.s32 $0x2;
	s28 =	simm.s32 $0x0;
	s7 =	smul.u32 $0x14000, s1  }
0x7: {  	s0 =	sand.u32 $0x1, s0;
	[smem:$0x7FF] =	sst s3;
	s26 =	smul.u32 $0x2710, s1  }
0x8: {  	s30 =	sshll.u32 s1, $0x6;
	s4 =	sshll.u32 s0, $0x4;
	s9 =	smul.u32 $0x140000, s0  }
0x9: {  	_ =	strace $0x8000004D;
	s12 =	ssub.s32 $0x2, s0;
	s0 =	smul.u32 $0x27100, s0  }
0xa: {  	s4 =	sor.u32 s1, s4;
	s11 =	sshrl.u32 s7, $0x3;
	s13 =	sshrl.u32 s12, $0x1  }
0xb: {  	s16 =	sadd.s32 s7, s2;
	s5 =	smul.u32 $0x2710, s4;
	s4 =	sadd.s32 $0x16E00, s6  }
0xc: {  	s11 =	sadd.s32 s11, s6;
	s9 =	sadd.s32 s7, s9;
	s13 =	ssub.s32 s12, s13  }
0xd: {  	s7 =	sor.u32 $0x1C05, s30;
	s0 =	sadd.s32 s26, s0;
	s16 =	sshrl.u32 s16, $0x3  }
0xe: {  	s26 =	simm.s32 $0x4;
	s9 =	sshrl.u32 s9, $0x3;
	s29 =	sadd.s32 $0x3E000, s11  }
0xf: {  	s15 =	sadd.s32 $0x180, s0;
	s13 =	smax.u32 s13, $0x1;
	s8 =	sshrl.u32 s5, $0x3  }
0x10: {  	s5 =	sadd.s32 $0x3200, s6;
	s14 =	sadd.s32 s9, s6;
	[dreg:$0x3] =	wrdreg s29  }
0x11: {  	s31 =	sshrl.u32 s15, $0x3;
	s15 =	sadd.s32 $0x100, s0;
	s10 =	sadd.s32 s8, s6  }
0x12: {  	s8 =	sadd.s32 s5, s8;
	s12 =	sadd.s32 $0x66000, s14;
	s14 =	sadd.s32 s31, s5  }
0x13: {  	vm0 =	vmmov $0xffff;
	s9 =	sadd.s32 $0xD000, s10;
	s10 =	sadd.s32 $0x10, s8;
	s11 =	sadd.s32 $0x4E0, s8  }
.LBB2_1:
0x14: {  	s0 =	rddreg [dreg:$0x3]  }
0x15: {  	[spmem:s16], [sflag:s7] =	dma.local [hbm:s0], $0x2800  }
0x16: {  	_ =	swait.ge [sflag:s17], $0x2800  }
0x17: {  	[sflag:s17] =	ssyncset.done $0x0  }
0x18: {  	[sflag:s17] =	ssyncadd.s32 $0xFFFFD800  }
0x19: {  	[tilespmem:s3], [sflag:$0x5] =	stream.linear.gather [hbm4b:s9+s3], $0x2710, $0x38;
	[tilespmem:$0x1E810] =	vst v63  }
0x1a: {  	_ =	swait.ge [sflag:s17], $0x2710  }
0x1b: {  	[sflag:s17] =	ssyncset.done $0x0  }
0x1c: {  	[sflag:s17] =	ssyncadd.s32 $0xFFFFD8F0  }
0x1d: {  	[bflag:$0x0] =	sbarrier.arrive $0xFFFF  }
0x1e: {  	[tilespmem:s19], [sflag:$0x1] =	stream.indirect.gather [hbm4b:s4+s18], $0x80, s3, s18, $0xb8;
	[tilespmem:$0x1E810] =	vst v63  }
0x1f: {  	_ = 	snop  }
0x20: {  	[tilespmem:s20], [sflag:$0x3] =	stream.linear.gather [hbm4b:s8+s3], $0x80, $0x38;
	[tilespmem:$0x1E810] =	vst v63  }
0x21: {  	_ = 	snop  }
0x22: {  	[tilespmem:s21], [sflag:$0x2] =	stream.indirect.gather [hbm4b:s4+s18], $0x80, s18, s18, $0xb8;
	[tilespmem:$0x1E810] =	vst v63  }
0x23: {  	_ = 	snop  }
0x24: {  	[tilespmem:s22], [sflag:$0x4] =	stream.linear.gather [hbm4b:s10+s3], $0x80, $0x38;
	[tilespmem:$0x1E810] =	vst v63  }
0x25: {  	_ =	swait.ge [sflag:s23], $0x4000  }
0x26: {  	[sflag:s23] =	ssyncset.done $0x0  }
0x27: {  	[sflag:s23] =	ssyncadd.s32 $0xFFFFC000  }
0x28: {  	_ =	swait.ge [sflag:s24], $0x80  }
0x29: {  	[sflag:s24] =	ssyncset.done $0x0  }
0x2a: {  	[sflag:s24] =	ssyncadd.s32 $0xFFFFFF80  }
0x2b: {  	[spmem:s2] =	stream.indirect.scatter.add.f32 [tilespmem:s19], [sflag:$0x5], $0x80, s20, s18, $0xb8;
	[tilespmem:$0x1E810] =	vst v63  }
0x2c: {  	_ =	swait.ge [sflag:s17], $0x4000  }
0x2d: {  	[sflag:s17] =	ssyncset.done $0x0  }
0x2e: {  	s6 =	simm.s32 $0x100;
	s29 =	sshrl.u32 s15, $0x3;
	[sflag:s17] =	ssyncadd.s32 $0xFFFFC000  }
0x2f: {  	[tilespmem:s19], [sflag:$0x1] =	stream.indirect.gather [hbm4b:s4+s18], $0x80, s6, s18, $0xb8;
	[tilespmem:$0x1E810] =	vst v63  }
0x30: {  	s1 =	sadd.s32 s5, s29  }
0x31: {  	[tilespmem:s20], [sflag:$0x3] =	stream.linear.gather [hbm4b:s1+s3], $0x80, $0x38;
	[tilespmem:$0x1E810] =	vst v63  }
0x32: {  	_ =	swait.ge [sflag:s25], $0x4000  }
0x33: {  	[sflag:s25] =	ssyncset.done $0x0  }
0x34: {  	[sflag:s25] =	ssyncadd.s32 $0xFFFFC000  }
0x35: {  	_ =	swait.ge [sflag:s26], $0x80  }
0x36: {  	[sflag:s26] =	ssyncset.done $0x0  }
0x37: {  	[sflag:s26] =	ssyncadd.s32 $0xFFFFFF80  }
0x38: {  	[spmem:s2] =	stream.indirect.scatter.add.f32 [tilespmem:s21], [sflag:$0x5], $0x80, s22, s18, $0xb8;
	[tilespmem:$0x1E810] =	vst v63  }
0x39: {  	s30 =	simm.s32 $0x280;
	_ =	swait.ge [sflag:s17], $0x4000  }
0x3a: {  	s31 =	sadd.s32 $0x100, s15;
	s29 =	simm.s32 $0x20;
	[sflag:s17] =	ssyncset.done $0x0  }
0x3b: {  	s0 =	sadd.s32 $0x0, s14;
	s6 =	simm.s32 $0x180;
	[sflag:s17] =	ssyncadd.s32 $0xFFFFC000  }
0x3c: {  	[tilespmem:s21], [sflag:$0x2] =	stream.indirect.gather [hbm4b:s4+s18], $0x80, s6, s18, $0xb8;
	[tilespmem:$0x1E810] =	vst v63  }
.LBB2_2:
0x3d: {  	[tilespmem:s22], [sflag:$0x4] =	stream.linear.gather [hbm4b:s0+s3], $0x80, $0x38;
	[tilespmem:$0x1E810] =	vst v63  }
0x3e: {  	s0 =	smov.u32 s29  }
0x3f: {  	p0 =	sne.s32 s29, $0x4A0;
	s29 =	sadd.s32 $0x20, s29;
	_ =	swait.ge [sflag:s23], $0x4000  }
0x40: {  	[sflag:s23] =	ssyncset.done $0x0  }
0x41: {  	[sflag:s23] =	ssyncadd.s32 $0xFFFFC000  }
0x42: {  	_ =	swait.ge [sflag:s24], $0x80  }
0x43: {  	[sflag:s24] =	ssyncset.done $0x0  }
0x44: {  	[sflag:s24] =	ssyncadd.s32 $0xFFFFFF80  }
0x45: {  	[spmem:s2] =	stream.indirect.scatter.add.f32 [tilespmem:s19], [sflag:$0x5], $0x80, s20, s18, $0xb8;
	[tilespmem:$0x1E810] =	vst v63  }
0x46: {  	_ =	swait.ge [sflag:s17], $0x4000  }
0x47: {  	[sflag:s17] =	ssyncset.done $0x0  }
0x48: {  	s1 =	sadd.s32 $0xFFFFFF80, s30;
	s6 =	sshrl.u32 s31, $0x3;
	[sflag:s17] =	ssyncadd.s32 $0xFFFFC000  }
0x49: {  	[tilespmem:s19], [sflag:$0x1] =	stream.indirect.gather [hbm4b:s4+s18], $0x80, s1, s18, $0xb8;
	[tilespmem:$0x1E810] =	vst v63  }
0x4a: {  	s1 =	sadd.s32 s5, s6  }
0x4b: {  	[tilespmem:s20], [sflag:$0x3] =	stream.linear.gather [hbm4b:s1+s3], $0x80, $0x38;
	[tilespmem:$0x1E810] =	vst v63  }
0x4c: {  	_ =	swait.ge [sflag:s25], $0x4000  }
0x4d: {  	[sflag:s25] =	ssyncset.done $0x0  }
0x4e: {  	[sflag:s25] =	ssyncadd.s32 $0xFFFFC000  }
0x4f: {  	_ =	swait.ge [sflag:s26], $0x80  }
0x50: {  	[sflag:s26] =	ssyncset.done $0x0  }
0x51: {  	[sflag:s26] =	ssyncadd.s32 $0xFFFFFF80  }
0x52: {  	[spmem:s2] =	stream.indirect.scatter.add.f32 [tilespmem:s21], [sflag:$0x5], $0x80, s22, s18, $0xb8;
	[tilespmem:$0x1E810] =	vst v63  }
.Ltmp0:
0x53: {  	_ =	swait.ge [sflag:s17], $0x4000;
	(pc) =	sbr.rel @p0 .LBB2_2-.Ltmp0, $4  }
0x54: {  	[sflag:s17] =	ssyncset.done $0x0  }
0x55: {  	[sflag:s17] =	ssyncadd.s32 $0xFFFFC000  }
0x56: {  	[tilespmem:s21], [sflag:$0x2] =	stream.indirect.gather [hbm4b:s4+s18], $0x80, s30, s18, $0xb8;
	[tilespmem:$0x1E810] =	vst v63  }
0x57: {  	s31 =	sadd.s32 $0x100, s31;
	s0 =	sadd.s32 s0, s14;
	s30 =	sadd.s32 $0x100, s30  }
0x58: {  	[tilespmem:s22], [sflag:$0x4] =	stream.linear.gather [hbm4b:s0+s3], $0x80, $0x38;
	[tilespmem:$0x1E810] =	vst v63  }
0x59: {  	_ =	swait.ge [sflag:s23], $0x4000  }
0x5a: {  	[sflag:s23] =	ssyncset.done $0x0  }
0x5b: {  	[sflag:s23] =	ssyncadd.s32 $0xFFFFC000  }
0x5c: {  	_ =	swait.ge [sflag:s24], $0x80  }
0x5d: {  	[sflag:s24] =	ssyncset.done $0x0  }
0x5e: {  	[sflag:s24] =	ssyncadd.s32 $0xFFFFFF80  }
0x5f: {  	[spmem:s2] =	stream.indirect.scatter.add.f32 [tilespmem:s19], [sflag:$0x5], $0x80, s20, s18, $0xb8;
	[tilespmem:$0x1E810] =	vst v63  }
0x60: {  	_ =	swait.ge [sflag:s17], $0x4000  }
0x61: {  	[sflag:s17] =	ssyncset.done $0x0  }
0x62: {  	[sflag:s17] =	ssyncadd.s32 $0xFFFFC000  }
0x63: {  	_ =	swait.ge [sflag:s25], $0x4000  }
0x64: {  	[sflag:s25] =	ssyncset.done $0x0  }
0x65: {  	[sflag:s25] =	ssyncadd.s32 $0xFFFFC000  }
0x66: {  	_ =	swait.ge [sflag:s26], $0x80  }
0x67: {  	[sflag:s26] =	ssyncset.done $0x0  }
0x68: {  	[sflag:s26] =	ssyncadd.s32 $0xFFFFFF80  }
0x69: {  	[spmem:s2] =	stream.indirect.scatter.add.f32 [tilespmem:s21], [sflag:$0x5], $0x80, s22, s18, $0xb8;
	[tilespmem:$0x1E810] =	vst v63  }
0x6a: {  	_ =	swait.ge [sflag:s17], $0x4000  }
0x6b: {  	[sflag:s17] =	ssyncset.done $0x0  }
0x6c: {  	[sflag:s17] =	ssyncadd.s32 $0xFFFFC000  }
0x6d: {  	v0 =	vld [tilespmem:$0x2700];
	_ =	sdelay $0x7  }
0x6e: {  	[tilespmem:s21], [sflag:$0x5] =	stream.indirect_vreg.gather [hbm4b:s4+s3], $0x80, v0, vm0, $0xb8;
	[tilespmem:$0x1E810] =	vst v63  }
0x6f: {  	_ =	swait.ge [sflag:s17], $0x800  }
0x70: {  	[sflag:s17] =	ssyncset.done $0x0  }
0x71: {  	[sflag:s17] =	ssyncadd.s32 $0xFFFFF800  }
0x72: {  	[tilespmem:s20], [sflag:$0x5] =	stream.linear.gather [hbm4b:s11+s3], $0x10, $0x38;
	[tilespmem:$0x1E810] =	vst v63  }
0x73: {  	_ =	swait.ge [sflag:s17], $0x10  }
0x74: {  	[sflag:s17] =	ssyncset.done $0x0  }
0x75: {  	[sflag:s17] =	ssyncadd.s32 $0xFFFFFFF0  }
0x76: {  	v63 =	vld [tilespmem:$0x2710];
	_ =	sdelay $0x7  }
0x77: {  	[spmem:s2] =	stream.indirect_vreg.scatter.add.f32 [tilespmem:s21], [sflag:$0x5], $0x80, v63, vm0, $0xb8;
	[tilespmem:$0x1E810] =	vst v63  }
0x78: {  	_ =	swait.ge [sflag:s17], $0x800  }
0x79: {  	s28 =	sadd.s32 $0x1, s28;
	[sflag:s17] =	ssyncset.done $0x0  }
0x7a: {  	p0 =	sne.s32 s28, s13;
	[sflag:s17] =	ssyncadd.s32 $0xFFFFF800  }
.Ltmp1:
0x7b: {  	[bflag:$0x0] =	sbarrier.arrive $0xFFFF;
	(pc) =	sbr.rel @p0 .LBB2_1-.Ltmp1, $4  }
0x7c: {  	[hbm:s12], [sflag:s7] =	dma.local [spmem:s16], $0x2800  }
0x7d: {  	_ =	swait.ge [sflag:s17], $0x2800  }
0x7e: {  	[sflag:s17] =	ssyncset.done $0x0  }
0x7f: {  	[sflag:s17] =	ssyncadd.s32 $0xFFFFD800  }
0x80: {  	_ =	sfence.sel $0x180000  }
0x81: {  	[bflag:$0x0] =	sbarrier.arrive $0xFFFF  }
0x82: {  	_ =	strace $0x9000004D  }
0x83: {  	s0 =	stileid.u32;
	[bflag:$0x2] =	sbarrier.arrive $0xFFFF  }
0x84: {  	p0 =	sne.s32 s0, $0x0;
	s0 =	rddreg [dreg:$0x2]  }
0x85: {  	s0 =	sadd.s32 @!p0 $0x100000, s0  }
0x86: {  	[sflag:s0] =	ssyncadd.tile.s32 @!p0 $0x1;
	_ =	shalt  }
.Lfunc_end2:
_tile_overlayer_lowered:
.L_overlay_start_2:
0x87: {  	(tag) =	ssettag $0x2  }
0x88: {  	s0 =	rddreg [dreg:$0x0];
	s2 =	stileid.u32  }
0x89: {  	s1 =	rddreg [dreg:$0x1];
	p0 =	sne.s32 s2, $0x0  }
0x8a: {  	s3 =	rddreg [dreg:$0x2];
	[bflag:$0x3] =	sbarrier.arrive $0xFFFF;
	s2 =	simm.s32 @!p0 $0x1C05  }
0x8b: {  	[timem:s3], [sflag:s2] =	dma.local @!p0 [hbm:s0], s1  }
0x8c: {  	s0 =	simm.s32 @!p0 $0x5  }
0x8d: {  	_ =	swait.ge @!p0 [sflag:s0], s1  }
0x8e: {  	s1 =	ssub.s32 @!p0 $0x0, s1;
	[sflag:s0] =	ssyncset.done @!p0 $0x0  }
0x8f: {  	[sflag:s0] =	ssyncadd.s32 @!p0 s1  }
0x90: {  	[bflag:$0x3] =	sbarrier.arrive $0xFFFF  }
0x91: {  	_ =	shalt  }

// kernel: kernel.9.cloned.1.call-start
scs
__scs_entry_jumppad:
0x0: {  	(pc) =	sbr.rel $0x88, $3  }
0x1: {  	(tag) =	ssettag $0x0;
	lr =	simm.s32 $0x1  }
0x2: {  	[smem:$0x3F95] =	sst lr;
	_ =	strace $0xD0000000  }
0x3: {  	_ = 	snop  }
0x4: {  	_ = 	snop  }
0x5: {  	_ = 	snop  }
0x6: {  	_ = 	snop  }
0x7: {  	_ = 	snop  }
__scs_overlays_trampoline_lowered:
0x8: {  	[smem:$0x3FA4] =	sst s0  }
0x9: {  	[smem:$0x3FA5] =	sst s1  }
0xa: {  	[smem:$0x3FA6] =	sst s2  }
0xb: {  	[smem:$0x3FA7] =	sst s3  }
0xc: {  	[smem:$0x3FA8] =	sst s4  }
0xd: {  	[smem:$0x3FA9] =	sst s5  }
0xe: {  	[smem:$0x3FAA] =	sst s6  }
0xf: {  	[smem:$0x3FAB] =	sst s7  }
0x10: {  	[smem:$0x3FAC] =	sst s8  }
0x11: {  	[smem:$0x3FAD] =	sst s9;
	s0 =	simm.s32 @!p0 $0x0  }
0x12: {  	s1 =	sld [smem:$0x3F93];
	s0 =	simm.s32 @p0 $0x1  }
0x13: {  	[smem:$0x3FAE] =	sst s0;
	s0 =	simm.s32 @!p1 $0x0  }
0x14: {  	s2 =	sld [smem:$0x3F92];
	s0 =	simm.s32 @p1 $0x1  }
0x15: {  	[smem:$0x3FAF] =	sst s0;
	s0 =	simm.s32 @!p2 $0x0  }
0x16: {  	s3 =	sld [smem:$0x3FDB];
	s0 =	simm.s32 @p2 $0x1  }
0x17: {  	s4 =	simm.s32 $0x1BF5;
	[smem:$0x3FB1] =	sst s0  }
0x18: {  	s0 =	sld [smem:$0x3F94];
	_ =	swait.ge [sflag:s4], $0x0  }
0x19: {  	s7 =	sld [smem:$0x3F95]  }
0x1a: {  	s8 =	sadd.s32 $0xFFFFE003, lr  }
0x1b: {  	s9 =	sadd.s32 $0xFFFFFEF7, lr;
	s5 =	simm.s32 $0xFFFFFFFF;
	p2 =	slt.u32 s8, $0xFFFFF086  }
0x1c: {  	p1 =	slt.u32 s9, $0xF7A;
	s5 =	simm.s32 @!p2 $0x0  }
0x1d: {  	s5 =	simm.s32 @p1 $0x1;
	p0 =	seq.s32 s7, s2  }
0x1e: {  	s7 =	smul.u32 @!p0 $0xF7A, s2;
	p2 =	seq.s32 @!p0 s5, $0x0  }
0x1f: {  	s9 =	smul.u32 $0xF7A, s1;
	s8 =	simm.s32 @!p0 $0x1BF5;
	p2 =	por !p2, p0  }
0x20: {  	[sflag:s8] =	ssyncset.s32 @!p0 $0xFFFFF086;
	s6 =	sadd.s32 @!p0 s3, s7;
	s7 =	simm.s32 @!p0 $0x108  }
0x21: {  	s3 =	sadd.s32 s3, s9;
	s6 =	sadd.s32 @!p0 $0x88, s6;
	s7 =	simm.s32 @p2 $0x1082  }
0x22: {  	[simem:s7], [sflag:s8] =	dma.local @!p0 [hbm:s6], $0xF7A  }
0x23: {  	s9 =	sor.u32 $0xD0000000, s2;
	s6 =	simm.s32 $0x108;
	_ =	swait.ge @!p0 [sflag:s8], $0x0  }
0x24: {  	s3 =	sadd.s32 $0x88, s3;
	s6 =	simm.s32 @!p1 $0x1082;
	[sflag:s4] =	ssyncset.s32 $0xFFFFF086  }
0x25: {  	[simem:s6], [sflag:s4] =	dma.local [hbm:s3], $0xF7A  }
0x26: {  	[smem:$0x3F95] =	sst s1;
	(tag) =	ssettag s2;
	_ =	strace s9  }
0x27: {  	s1 =	sld [smem:$0x3FA5]  }
0x28: {  	s2 =	sld [smem:$0x3FA6]  }
0x29: {  	s4 =	sld [smem:$0x3FA8]  }
0x2a: {  	p0 =	seq.s32 s5, $0x0;
	s5 =	sld [smem:$0x3FA9]  }
0x2b: {  	s6 =	sld [smem:$0x3FAA]  }
0x2c: {  	s7 =	sld [smem:$0x3FAB]  }
0x2d: {  	s3 =	simm.s32 $0x108;
	s8 =	sld [smem:$0x3FAC]  }
0x2e: {  	s3 =	simm.s32 @!p0 $0x1082;
	s9 =	sld [smem:$0x3FAD]  }
0x2f: {  	lr =	sadd.s32 s0, s3;
	s0 =	sld [smem:$0x3FA4]  }
0x30: {  	s3 =	sld [smem:$0x3FA7]  }
0x31: {  	[smem:$0x3FB0] =	sst s10  }
0x32: {  	s10 =	sld [smem:$0x3FAE];
	_ =	sdelay $0x3  }
0x33: {  	p0 =	seq.s32 s10, $0x1;
	s10 =	sld [smem:$0x3FB0];
	_ =	sdelay $0x3  }
0x34: {  	[smem:$0x3FB0] =	sst s10  }
0x35: {  	s10 =	sld [smem:$0x3FAF];
	_ =	sdelay $0x3  }
0x36: {  	p1 =	seq.s32 s10, $0x1;
	s10 =	sld [smem:$0x3FB0];
	_ =	sdelay $0x3  }
0x37: {  	[smem:$0x3FB0] =	sst s10  }
0x38: {  	s10 =	sld [smem:$0x3FB1]  }
0x39: {  	_ = 	snop;
	(pc) =	sbr.ind lr, $3  }
0x3a: {  	_ = 	snop  }
0x3b: {  	_ = 	snop  }
0x3c: {  	p2 =	seq.s32 s10, $0x1;
	s10 =	sld [smem:$0x3FB0]  }
0x3d: {  	_ =	shalt  }
0x3e: {  	_ =	shalt  }
0x3f: {  	_ =	shalt  }
0x40: {  	_ =	shalt  }
0x41: {  	_ =	shalt  }
0x42: {  	_ =	shalt  }
0x43: {  	_ =	shalt  }
0x44: {  	_ =	shalt  }
0x45: {  	_ =	shalt  }
0x46: {  	_ =	shalt  }
0x47: {  	_ =	shalt  }
0x48: {  	_ =	shalt  }
0x49: {  	_ =	shalt  }
0x4a: {  	_ =	shalt  }
0x4b: {  	_ =	shalt  }
0x4c: {  	_ =	shalt  }
0x4d: {  	_ =	shalt  }
0x4e: {  	_ =	shalt  }
0x4f: {  	_ =	shalt  }
0x50: {  	_ =	shalt  }
0x51: {  	_ =	shalt  }
0x52: {  	_ =	shalt  }
0x53: {  	_ =	shalt  }
0x54: {  	_ =	shalt  }
0x55: {  	_ =	shalt  }
0x56: {  	_ =	shalt  }
0x57: {  	_ =	shalt  }
0x58: {  	_ =	shalt  }
0x59: {  	_ =	shalt  }
0x5a: {  	_ =	shalt  }
0x5b: {  	_ =	shalt  }
0x5c: {  	_ =	shalt  }
0x5d: {  	_ =	shalt  }
0x5e: {  	_ =	shalt  }
0x5f: {  	_ =	shalt  }
0x60: {  	_ =	shalt  }
0x61: {  	_ =	shalt  }
0x62: {  	_ =	shalt  }
0x63: {  	_ =	shalt  }
0x64: {  	_ =	shalt  }
0x65: {  	_ =	shalt  }
0x66: {  	_ =	shalt  }
0x67: {  	_ =	shalt  }
0x68: {  	_ =	shalt  }
0x69: {  	_ =	shalt  }
0x6a: {  	_ =	shalt  }
0x6b: {  	_ =	shalt  }
0x6c: {  	_ =	shalt  }
0x6d: {  	_ =	shalt  }
0x6e: {  	_ =	shalt  }
0x6f: {  	_ =	shalt  }
0x70: {  	_ =	shalt  }
0x71: {  	_ =	shalt  }
0x72: {  	_ =	shalt  }
0x73: {  	_ =	shalt  }
0x74: {  	_ =	shalt  }
0x75: {  	_ =	shalt  }
0x76: {  	_ =	shalt  }
0x77: {  	_ =	shalt  }
0x78: {  	_ =	shalt  }
0x79: {  	_ =	shalt  }
0x7a: {  	_ =	shalt  }
0x7b: {  	_ =	shalt  }
0x7c: {  	_ =	shalt  }
0x7d: {  	_ =	shalt  }
0x7e: {  	_ =	shalt  }
0x7f: {  	_ =	shalt  }
0x80: {  	_ =	shalt  }
0x81: {  	_ =	shalt  }
0x82: {  	_ =	shalt  }
0x83: {  	_ =	shalt  }
0x84: {  	_ =	shalt  }
0x85: {  	_ =	shalt  }
0x86: {  	_ =	shalt  }
0x87: {  	_ =	shalt  }
.Lfunc_end0:
.L_simem_size_0:
called_computation_lowered:
.L_overlay_start_0:
0x88: {  	s2 =	sld [smem:$0x3FD9]  }
0x89: {  	s3 =	sld [smem:$0x3FFE];
	_ =	sdelay $0x1  }
0x8a: {  	s1 =	srdreg.scid  }
0x8b: {  	s0 =	sand.u32 $0x1, s1  }
0x8c: {  	s16 =	sshll.u32 s0, $0xA;
	s2 =	sadd.s32 s3, s2  }
0x8d: {  	s2 =	sadd.s32 s2, s16  }
0x8e: {  	[smem:$0x3FBC] =	sst s2  }
0x8f: {  	_ = 	snop  }
0x90: {  	(tm) =	ssettm $0x1  }
0x91: {  	s17 =	sld [smem:$0x3FFB];
	_ =	sdelay $0x3  }
0x92: {  	_ =	strace s17  }
0x93: {  	s2 =	sld [smem:$0x3FFC];
	_ =	sdelay $0x3  }
0x94: {  	_ =	strace s2  }
0x95: {  	s2 =	sld [smem:$0x3FFD];
	_ =	sdelay $0x3  }
0x96: {  	_ =	strace s2  }
0x97: {  	_ =	strace $0x8FFFFFFF  }
0x98: {  	s18 =	sld [smem:$0x3FDB];
	_ =	sdelay $0x1  }
0x99: {  	s19 =	simm.s32 $_scs_section_size  }
0x9a: {  	s4 =	simm.s32 $_size__tile_overlayer_lowered;
	s5 =	simm.s32 $_tile_overlayer_lowered  }
0x9b: {  	s22 =	simm.s32 $0x1BFF;
	s21 =	sshll.u32 s5, $0x1;
	s2 =	sadd.s32 s19, s18  }
0x9c: {  	s6 =	simm.s32 $0x0;
	s20 =	sshll.u32 s4, $0x1;
	s4 =	sadd.s32 s21, s2  }
0x9d: {  	[timem:s6], [sflag:s22] =	dma.local [hbm:s4], s20  }
0x9e: {  	_ =	swait.ge [sflag:s22], s20  }
0x9f: {  	s3 =	ssub.s32 $0x0, s20;
	[sflag:s22] =	ssyncset.done $0x0  }
0xa0: {  	[sflag:s22] =	ssyncadd.s32 s3;
	_ =	sdelay $0x1  }
0xa1: {  	s23 =	simm.s32 $0x1B8B  }
0xa2: {  	_ =	swait.ge [sflag:s23], $0x1  }
0xa3: {  	[sflag:s23] =	ssyncset.done $0x0  }
0xa4: {  	s25 =	simm.s32 $0x1B8E;
	s24 =	sld [smem:$0x3FFE];
	[sflag:s23] =	ssyncadd.s32 $0xFFFFFFFF  }
0xa5: {  	s26 =	simm.s32 $execute0_lowered;
	[smem:$0x3FD2] =	sst s25  }
0xa6: {  	s4 =	sshll.u32 s26, $0x1;
	_ =	strace $0x80000046;
	[dreg:$0x1] =	wrdreg $0xFFFFFFFF  }
0xa7: {  	s28 =	simm.s32 $_size_execute0_lowered;
	s2 =	sadd.s32 s2, s4;
	[dreg:$0x0] =	wrdreg $0x0  }
0xa8: {  	s4 =	sshll.u32 s28, $0x1;
	[dreg:$0x2] =	wrdreg s2  }
0xa9: {  	[dreg:$0x3] =	wrdreg s4  }
0xaa: {  	[dreg:$0x4] =	wrdreg $0xC0  }
0xab: {  	_ =	task [dreg:s6], $0x5FFFF  }
0xac: {  	[dreg:$0x1] =	wrdreg $0xFFFFFFFF  }
0xad: {  	[dreg:$0x0] =	wrdreg $0x60  }
0xae: {  	[dreg:$0x2] =	wrdreg s24  }
0xaf: {  	[dreg:$0x3] =	wrdreg $0x39300  }
0xb0: {  	[dreg:$0x4] =	wrdreg $0x9  }
0xb1: {  	_ =	task.clear_ibuf [dreg:s6], $0x5FFFF;
	_ =	strace $0x90000046  }
0xb2: {  	s29 =	simm.s32 $0x9;
	_ =	strace $0x80000048  }
0xb3: {  	_ =	swait.ge [sflag:s29], $0x1  }
0xb4: {  	[sflag:s29] =	ssyncadd.s32 $0xFFFFFFFF  }
0xb5: {  	_ =	strace $0x90000048  }
0xb6: {  	_ =	sfence  }
0xb7: {  	s30 =	sld [smem:$0x0];
	_ =	sdelay $0x2  }
0xb8: {  	s31 =	sshll.u32 s1, $0xD;
	s1 =	sshrl.u32 s1, $0x2  }
0xb9: {  	s3 =	sand.u32 $0x4000, s31;
	s1 =	sadd.s32 s1, s30  }
0xba: {  	s0 =	sor.u32 s3, s0;
	s1 =	sshll.u32 s1, $0x11  }
0xbb: {  	s0 =	sor.u32 s1, s0  }
0xbc: {  	s0 =	sadd.s32 $0x8F2B, s0  }
0xbd: {  	[sflag:s0] =	ssyncadd.remote.s32 $0x1  }
0xbe: {  	_ =	sfence.sel $0xFFFF  }
0xbf: {  	[dreg:$0x0] =	wrdreg $0xFFFFFFFF;
	(pc) =	sbr.abs _section_cstart, $3  }
0xc0: {  	[dreg:$0x1] =	wrdreg $0xFFFFFFFF  }
0xc1: {  	_ =	task.clear_ibuf [dreg:s6], $0x2FFFF;
	_ =	strace $0x9FFFFFFF  }
0xc2: {  	(tm) =	ssettm $0x7FFFFFFF  }
0xc3: {  	_ =	shalt  }
tec
execute0_lowered:
.L_overlay_start_1:
0x0: {  	(tag) =	ssettag $0x1  }
0x1: {  	s4 =	rddreg [dreg:$0x0]  }
0x2: {  	s2 =	rddreg [dreg:$0x1];
	s3 =	srdreg.scid  }
0x3: {  	s1 =	stileid.u32;
	s0 =	rddreg [dreg:$0x2];
	s10 =	simm.s32 $0x7D0  }
0x4: {  	s11 =	simm.s32 $0x2710;
	s5 =	sand.u32 $0x1, s3;
	s6 =	smul.u32 $0x280, s1  }
0x5: {  	s3 =	simm.s32 $0x0;
	s7 =	sshll.u32 s5, $0x4;
	s8 =	smul.u32 $0x2800, s5  }
0x6: {  	s12 =	simm.s32 $0x2EE0;
	[smem:$0x7FF] =	sst s3;
	s7 =	sor.u32 s1, s7  }
0x7: {  	s5 =	ssub.s32 $0x2, s5;
	s7 =	smul.u32 $0x4E2, s7;
	s8 =	sadd.s32 s6, s8  }
0x8: {  	_ =	strace $0x80000047;
	s9 =	sshrl.u32 s5, $0x1;
	s8 =	sshrl.u32 s8, $0x3  }
0x9: {  	s9 =	ssub.s32 s5, s9;
	s7 =	sadd.s32 s7, s4;
	s8 =	sadd.s32 s8, s4  }
0xa: {  	s4 =	sadd.s32 s6, s2;
	s5 =	sadd.s32 $0x3200, s7;
	s6 =	sadd.s32 $0x16E00, s8  }
0xb: {  	v0 =	vimm.f32 $1.000000000e+00;
	v1 =	vimm.f32 $0.0e+00;
	s7 =	smax.u32 s9, $0x1;
	s8 =	simm.s32 $0x36B0;
	s9 =	simm.s32 $0x1  }
.LBB2_1:
0xc: {  	s13 =	simm.s32 $0x40;
	s14 =	simm.s32 $0x0  }
.LBB2_2:
0xd: {  	p0 =	sne.s32 s13, $0x1F00;
	[tilespmem:s14+$0x2EE0] =	vst v0;
	s14 =	smov.u32 s13;
	s13 =	sadd.s32 $0x40, s13  }
.Ltmp0:
0xe: {  	(pc) =	sbr.rel @p0 .LBB2_2-.Ltmp0, $2  }
0xf: {  	_ =	sdelay $0x2  }
0x10: {  	s14 =	sshra.s32 s14, $0x2  }
0x11: {  	[tilespmem:s14+$0x2EE0] =	vst v0  }
0x12: {  	[tilespmem:$0x36B0] =	vst v1  }
0x13: {  	[tilespmem:$0x36C0] =	vst v1  }
0x14: {  	[tilespmem:$0x36D0] =	vst v1  }
0x15: {  	[tilespmem:$0x36E0] =	vst v1  }
0x16: {  	[tilespmem:$0x36F0] =	vst v1  }
0x17: {  	[tilespmem:$0x3700] =	vst v1  }
0x18: {  	[tilespmem:$0x3710] =	vst v1  }
0x19: {  	[tilespmem:$0x3720] =	vst v1  }
0x1a: {  	[tilespmem:$0x3730] =	vst v1  }
0x1b: {  	[tilespmem:$0x3740] =	vst v1  }
0x1c: {  	[tilespmem:$0x3750] =	vst v1  }
0x1d: {  	[tilespmem:$0x3760] =	vst v1  }
0x1e: {  	[tilespmem:$0x3770] =	vst v1  }
0x1f: {  	[tilespmem:$0x3780] =	vst v1  }
0x20: {  	[tilespmem:$0x3790] =	vst v1  }
0x21: {  	[tilespmem:$0x37A0] =	vst v1  }
0x22: {  	[tilespmem:$0x37B0] =	vst v1  }
0x23: {  	[tilespmem:$0x37C0] =	vst v1  }
0x24: {  	[tilespmem:$0x37D0] =	vst v1  }
0x25: {  	[tilespmem:$0x37E0] =	vst v1  }
0x26: {  	[tilespmem:$0x37F0] =	vst v1  }
0x27: {  	[tilespmem:$0x3800] =	vst v1  }
0x28: {  	[tilespmem:$0x3810] =	vst v1  }
0x29: {  	[tilespmem:$0x3820] =	vst v1  }
0x2a: {  	[tilespmem:$0x3830] =	vst v1  }
0x2b: {  	[tilespmem:$0x3840] =	vst v1  }
0x2c: {  	[tilespmem:$0x3850] =	vst v1  }
0x2d: {  	[tilespmem:$0x3860] =	vst v1  }
0x2e: {  	[tilespmem:$0x3870] =	vst v1  }
0x2f: {  	[tilespmem:$0x3880] =	vst v1  }
0x30: {  	[tilespmem:$0x3890] =	vst v1  }
0x31: {  	[tilespmem:$0x38A0] =	vst v1  }
0x32: {  	[tilespmem:$0x38B0] =	vst v1  }
0x33: {  	[tilespmem:$0x38C0] =	vst v1  }
0x34: {  	[tilespmem:$0x38D0] =	vst v1  }
0x35: {  	[tilespmem:$0x38E0] =	vst v1  }
0x36: {  	[tilespmem:$0x38F0] =	vst v1  }
0x37: {  	[tilespmem:$0x3900] =	vst v1  }
0x38: {  	[tilespmem:$0x3910] =	vst v1  }
0x39: {  	[tilespmem:$0x3920] =	vst v1  }
0x3a: {  	[spmem:s4] =	stream.linear.scatter [tilespmem:s8], [sflag:$0x1], $0x280, $0x38;
	[tilespmem:$0x3BB0] =	vst v63  }
0x3b: {  	_ =	swait.ge [sflag:s9], $0x280  }
0x3c: {  	[sflag:s9] =	ssyncset.done $0x0  }
0x3d: {  	s13 =	simm.s32 $0x0;
	[sflag:s9] =	ssyncadd.s32 $0xFFFFFD80  }
0x3e: {  	[tilespmem:s13], [sflag:$0x1] =	stream.linear.gather [hbm4b:s5+s13], $0x2710, $0x38;
	[tilespmem:$0x3BB0] =	vst v63  }
0x3f: {  	_ =	swait.ge [sflag:s9], $0x2710  }
0x40: {  	[sflag:s9] =	ssyncset.done $0x0  }
0x41: {  	[sflag:s9] =	ssyncadd.s32 $0xFFFFD8F0  }
0x42: {  	s13 =	simm.s32 $0x0;
	[bflag:$0x0] =	sbarrier.arrive $0xFFFF  }
0x43: {  	s14 =	simm.s32 $0x40;
	v2 =	vld [tilespmem:s13+$0x0]  }
.LBB2_4:
0x44: {  	p0 =	sne.s32 s14, $0x1F00  }
.Ltmp1:
0x45: {  	_ = 	snop;
	(pc) =	sbr.rel @p0 .LBB2_4-.Ltmp1, $3  }
0x46: {  	_ =	sdelay $0x1  }
0x47: {  	[tilespmem:s13+$0x2710] =	vst v2;
	s13 =	sshra.s32 s14, $0x2;
	s14 =	sadd.s32 $0x40, s14  }
0x48: {  	v2 =	vld [tilespmem:s13+$0x0]  }
0x49: {  	_ =	sdelay $0x3  }
0x4a: {  	[tilespmem:s13+$0x2710] =	vst v2  }
0x4b: {  	[spmem:s2] =	stream.indirect.scatter.add.f32 [tilespmem:s12], [sflag:$0x1], $0x1, s11, s10, $0xb8;
	[tilespmem:$0x3BB0] =	vst v63  }
0x4c: {  	_ =	swait.ge [sflag:s9], $0x7D0  }
0x4d: {  	[sflag:s9] =	ssyncset.done $0x0  }
0x4e: {  	s13 =	simm.s32 $0x0;
	[sflag:s9] =	ssyncadd.s32 $0xFFFFF830  }
0x4f: {  	s14 =	simm.s32 $0x40;
	v2 =	vld [tilespmem:s13+$0x7D0]  }
.LBB2_6:
0x50: {  	p0 =	sne.s32 s14, $0x1F00  }
.Ltmp2:
0x51: {  	_ = 	snop;
	(pc) =	sbr.rel @p0 .LBB2_6-.Ltmp2, $3  }
0x52: {  	_ =	sdelay $0x1  }
0x53: {  	[tilespmem:s13+$0x2710] =	vst v2;
	s13 =	sshra.s32 s14, $0x2;
	s14 =	sadd.s32 $0x40, s14  }
0x54: {  	v2 =	vld [tilespmem:s13+$0x7D0]  }
0x55: {  	_ =	sdelay $0x3  }
0x56: {  	[tilespmem:s13+$0x2710] =	vst v2  }
0x57: {  	[spmem:s2] =	stream.indirect.scatter.add.f32 [tilespmem:s12], [sflag:$0x1], $0x1, s11, s10, $0xb8;
	[tilespmem:$0x3BB0] =	vst v63  }
0x58: {  	_ =	swait.ge [sflag:s9], $0x7D0  }
0x59: {  	[sflag:s9] =	ssyncset.done $0x0  }
0x5a: {  	s13 =	simm.s32 $0x0;
	[sflag:s9] =	ssyncadd.s32 $0xFFFFF830  }
0x5b: {  	s14 =	simm.s32 $0x40;
	v2 =	vld [tilespmem:s13+$0xFA0]  }
.LBB2_8:
0x5c: {  	p0 =	sne.s32 s14, $0x1F00  }
.Ltmp3:
0x5d: {  	_ = 	snop;
	(pc) =	sbr.rel @p0 .LBB2_8-.Ltmp3, $3  }
0x5e: {  	_ =	sdelay $0x1  }
0x5f: {  	[tilespmem:s13+$0x2710] =	vst v2;
	s13 =	sshra.s32 s14, $0x2;
	s14 =	sadd.s32 $0x40, s14  }
0x60: {  	v2 =	vld [tilespmem:s13+$0xFA0]  }
0x61: {  	_ =	sdelay $0x3  }
0x62: {  	[tilespmem:s13+$0x2710] =	vst v2  }
0x63: {  	[spmem:s2] =	stream.indirect.scatter.add.f32 [tilespmem:s12], [sflag:$0x1], $0x1, s11, s10, $0xb8;
	[tilespmem:$0x3BB0] =	vst v63  }
0x64: {  	_ =	swait.ge [sflag:s9], $0x7D0  }
0x65: {  	[sflag:s9] =	ssyncset.done $0x0  }
0x66: {  	s13 =	simm.s32 $0x0;
	[sflag:s9] =	ssyncadd.s32 $0xFFFFF830  }
0x67: {  	s14 =	simm.s32 $0x40;
	v2 =	vld [tilespmem:s13+$0x1770]  }
.LBB2_10:
0x68: {  	p0 =	sne.s32 s14, $0x1F00  }
.Ltmp4:
0x69: {  	_ = 	snop;
	(pc) =	sbr.rel @p0 .LBB2_10-.Ltmp4, $3  }
0x6a: {  	_ =	sdelay $0x1  }
0x6b: {  	[tilespmem:s13+$0x2710] =	vst v2;
	s13 =	sshra.s32 s14, $0x2;
	s14 =	sadd.s32 $0x40, s14  }
0x6c: {  	v2 =	vld [tilespmem:s13+$0x1770]  }
0x6d: {  	_ =	sdelay $0x3  }
0x6e: {  	[tilespmem:s13+$0x2710] =	vst v2  }
0x6f: {  	[spmem:s2] =	stream.indirect.scatter.add.f32 [tilespmem:s12], [sflag:$0x1], $0x1, s11, s10, $0xb8;
	[tilespmem:$0x3BB0] =	vst v63  }
0x70: {  	_ =	swait.ge [sflag:s9], $0x7D0  }
0x71: {  	[sflag:s9] =	ssyncset.done $0x0  }
0x72: {  	s13 =	simm.s32 $0x0;
	[sflag:s9] =	ssyncadd.s32 $0xFFFFF830  }
0x73: {  	s14 =	simm.s32 $0x40;
	v2 =	vld [tilespmem:s13+$0x1F40]  }
.LBB2_12:
0x74: {  	p0 =	sne.s32 s14, $0x1F00  }
.Ltmp5:
0x75: {  	_ = 	snop;
	(pc) =	sbr.rel @p0 .LBB2_12-.Ltmp5, $3  }
0x76: {  	_ =	sdelay $0x1  }
0x77: {  	[tilespmem:s13+$0x2710] =	vst v2;
	s13 =	sshra.s32 s14, $0x2;
	s14 =	sadd.s32 $0x40, s14  }
0x78: {  	v2 =	vld [tilespmem:s13+$0x1F40]  }
0x79: {  	_ =	sdelay $0x3  }
0x7a: {  	[tilespmem:s13+$0x2710] =	vst v2  }
0x7b: {  	[spmem:s2] =	stream.indirect.scatter.add.f32 [tilespmem:s12], [sflag:$0x1], $0x1, s11, s10, $0xb8;
	[tilespmem:$0x3BB0] =	vst v63  }
0x7c: {  	_ =	swait.ge [sflag:s9], $0x7D0  }
0x7d: {  	s31 =	sshll.u32 s1, $0x6;
	s3 =	sadd.s32 $0x1, s3;
	[sflag:s9] =	ssyncset.done $0x0  }
0x7e: {  	s14 =	sshrl.u32 s4, $0x3;
	p0 =	sne.s32 s3, s7;
	[sflag:s9] =	ssyncadd.s32 $0xFFFFF830  }
.Ltmp6:
0x7f: {  	s13 =	sor.u32 $0x1C01, s31;
	[bflag:$0x0] =	sbarrier.arrive $0xFFFF;
	(pc) =	sbr.rel @p0 .LBB2_1-.Ltmp6, $4  }
0x80: {  	[hbm:s6], [sflag:s13] =	dma.local [spmem:s14], $0x50  }
0x81: {  	_ =	swait.ge [sflag:s9], $0x50  }
0x82: {  	[sflag:s9] =	ssyncset.done $0x0  }
0x83: {  	[sflag:s9] =	ssyncadd.s32 $0xFFFFFFB0  }
0x84: {  	_ =	sfence.sel $0x180000  }
0x85: {  	[bflag:$0x0] =	sbarrier.arrive $0xFFFF  }
0x86: {  	p0 =	sne.s32 s1, $0x0;
	_ =	strace $0x90000047  }
0x87: {  	s0 =	sadd.s32 @!p0 $0x100000, s0;
	[bflag:$0x2] =	sbarrier.arrive $0xFFFF  }
0x88: {  	[sflag:s0] =	ssyncadd.tile.s32 @!p0 $0x1;
	_ =	shalt  }
.Lfunc_end2:
_tile_overlayer_lowered:
.L_overlay_start_2:
0x89: {  	(tag) =	ssettag $0x2  }
0x8a: {  	s0 =	rddreg [dreg:$0x0];
	s2 =	stileid.u32  }
0x8b: {  	s1 =	rddreg [dreg:$0x1];
	p0 =	sne.s32 s2, $0x0  }
0x8c: {  	s3 =	rddreg [dreg:$0x2];
	[bflag:$0x3] =	sbarrier.arrive $0xFFFF;
	s2 =	simm.s32 @!p0 $0x1C01  }
0x8d: {  	[timem:s3], [sflag:s2] =	dma.local @!p0 [hbm:s0], s1  }
0x8e: {  	s0 =	simm.s32 @!p0 $0x1  }
0x8f: {  	_ =	swait.ge @!p0 [sflag:s0], s1  }
0x90: {  	s1 =	ssub.s32 @!p0 $0x0, s1;
	[sflag:s0] =	ssyncset.done @!p0 $0x0  }
0x91: {  	[sflag:s0] =	ssyncadd.s32 @!p0 s1  }
0x92: {  	[bflag:$0x3] =	sbarrier.arrive $0xFFFF  }
0x93: {  	_ =	shalt  }

</sc_bundles>
